<compile_context>
chip_gen: v7x
topology: tpu7x:2x2x1
jax: 0.10.2.dev20260603
libtpu: 0.0.44.dev20260713+nightly
codegen_flags: <defaults>
</compile_context>

<pallas_src>
import functools

import jax
import jax.numpy as jnp
from jax import lax
from jax.experimental import pallas as pl
from jax.experimental.pallas import tpu as pltpu
from jax.experimental.pallas import tpu_sc as plsc

ALPHA = 0.2
EPS = 1e-16
ECLAMP = 50.0
F32 = jnp.float32
I32 = jnp.int32


def _tc_node_matmul(x, W, a, N, D_IN, D_OUT):
    BN = 1000 if N % 1000 == 0 else N

    def body(x_ref, W_ref, a_ref, h1_ref, h2_ref, s1_ref, s2_ref):
        xb = x_ref[...]
        h1 = jnp.dot(xb, W_ref[0:D_IN, :], preferred_element_type=F32)
        h2 = jnp.dot(xb, W_ref[D_IN:2 * D_IN, :], preferred_element_type=F32)
        h1_ref[...] = h1
        h2_ref[...] = h2
        av = a_ref[...]
        s1_ref[...] = jnp.dot(h1, av, preferred_element_type=F32)
        s2_ref[...] = jnp.dot(h2, av, preferred_element_type=F32)

    DW = W.shape[0]
    return pl.pallas_call(
        body,
        grid=(N // BN,),
        in_specs=[
            pl.BlockSpec((BN, D_IN), lambda i: (i, 0)),
            pl.BlockSpec((DW, D_OUT), lambda i: (0, 0)),
            pl.BlockSpec((D_OUT, 1), lambda i: (0, 0)),
        ],
        out_specs=[
            pl.BlockSpec((BN, D_OUT), lambda i: (i, 0)),
            pl.BlockSpec((BN, D_OUT), lambda i: (i, 0)),
            pl.BlockSpec((BN, 1), lambda i: (i, 0)),
            pl.BlockSpec((BN, 1), lambda i: (i, 0)),
        ],
        out_shape=[
            jax.ShapeDtypeStruct((N, D_OUT), F32),
            jax.ShapeDtypeStruct((N, D_OUT), F32),
            jax.ShapeDtypeStruct((N, 1), F32),
            jax.ShapeDtypeStruct((N, 1), F32),
        ],
    )(x, W, a)


def _tc_edge_maps(ett_p, W, a, E_pad, D_IN, D_REL, D_OUT):
    BE = 8192 if E_pad % 8192 == 0 else E_pad
    DW = W.shape[0]

    def body(ett_ref, W_ref, a_ref, z_ref, s3_ref):
        z = jnp.dot(ett_ref[...], W_ref[2 * D_IN:, :], preferred_element_type=F32)
        z_ref[...] = z
        s3_ref[...] = jnp.dot(z, a_ref[...], preferred_element_type=F32)

    return pl.pallas_call(
        body,
        grid=(E_pad // BE,),
        in_specs=[
            pl.BlockSpec((BE, D_REL), lambda i: (i, 0)),
            pl.BlockSpec((DW, D_OUT), lambda i: (0, 0)),
            pl.BlockSpec((D_OUT, 1), lambda i: (0, 0)),
        ],
        out_specs=[
            pl.BlockSpec((BE, D_OUT), lambda i: (i, 0)),
            pl.BlockSpec((BE, 1), lambda i: (i, 0)),
        ],
        out_shape=[
            jax.ShapeDtypeStruct((E_pad, D_OUT), F32),
            jax.ShapeDtypeStruct((E_pad, 1), F32),
        ],
    )(ett_p, W, a)


def _tc_finalize(h1, denp, acc, N, D_OUT, NC):
    BN = 1000 if N % 1000 == 0 else N

    def body(h1_ref, dp_ref, acc_ref, o_ref):
        den = dp_ref[0] + dp_ref[1]
        r = 1.0 / (den + EPS)
        t = (h1_ref[...] * den + acc_ref[0] + acc_ref[1]) * r
        o_ref[...] = jnp.where(t > 0.0, t, jnp.exp(t) - 1.0)

    return pl.pallas_call(
        body,
        grid=(N // BN,),
        in_specs=[
            pl.BlockSpec((BN, D_OUT), lambda i: (i, 0)),
            pl.BlockSpec((NC, BN, 1), lambda i: (0, i, 0)),
            pl.BlockSpec((NC, BN, D_OUT), lambda i: (0, i, 0)),
        ],
        out_specs=pl.BlockSpec((BN, D_OUT), lambda i: (i, 0)),
        out_shape=jax.ShapeDtypeStruct((N, D_OUT), F32),
    )(h1, denp, acc)


def kernel(edge_index, x, edge_type_embed, W, a):
    N, D_IN = x.shape
    E = edge_index.shape[1]
    D_REL = edge_type_embed.shape[1]
    D_OUT = W.shape[1]

    info = plsc.get_sparse_core_info()
    NC, NS, L = info.num_cores, info.num_subcores, info.num_lanes
    NW = NC * NS

    CHUNK = 2048
    GROUPS = CHUNK // L
    PT = ((E + NW * CHUNK - 1) // (NW * CHUNK)) * CHUNK
    E_pad = PT * NW
    n_chunks = PT // CHUNK
    NB = PT // 128
    NSTR = (N + 1 + 127) // 128
    NT = NSTR * 128
    KSTR = (NSTR + NS - 1) // NS

    mesh = plsc.VectorSubcoreMesh(core_axis_name="c", subcore_axis_name="s")

    src = jnp.concatenate([edge_index[0], jnp.full((E_pad - E,), N, I32)])
    dst = jnp.concatenate([edge_index[1], jnp.zeros((E_pad - E,), I32)])
    ett_p = jnp.pad(edge_type_embed, ((0, E_pad - E), (0, 0)))

    h1, h2, s1, s2 = _tc_node_matmul(x, W, a, N, D_IN, D_OUT)
    z, s3 = _tc_edge_maps(ett_p, W, a, E_pad, D_IN, D_REL, D_OUT)
    s1p = jnp.pad(s1[:, 0], (0, NT - N))
    s2p = jnp.pad(s2[:, 0], (0, NT - N))
    s3p = s3[:, 0]

    CH0 = n_chunks * 2 - (n_chunks * 2) // 3
    CH1 = n_chunks * 2 - CH0
    PT0 = CH0 * CHUNK
    PT1 = CH1 * CHUNK

    def _tile_span(c, s):
        base = jnp.where(c == 0, s * PT0, NS * PT0 + s * PT1)
        nch = jnp.where(c == 0, CH0, CH1)
        return base, nch

    @functools.partial(
        pl.kernel,
        out_type=(jax.ShapeDtypeStruct((E_pad,), F32),
                  jax.ShapeDtypeStruct((NC, NT), F32)),
        mesh=mesh,
        compiler_params=pltpu.CompilerParams(needs_layout_passes=False),
        scratch_types=[
            pltpu.VMEM((NT,), F32),
            pltpu.VMEM((NT,), F32),
            pltpu.VMEM((CHUNK,), I32),
            pltpu.VMEM((CHUNK,), I32),
            pltpu.VMEM((CHUNK,), F32),
            pltpu.VMEM((CHUNK,), F32),
            pltpu.VMEM((128,), I32),
            pltpu.VMEM((128,), F32),
            pltpu.VMEM_SHARED((NT,), F32),
        ],
    )
    def sc_front(src_h, dst_h, s3_h, s1_h, s2_h,
                 p_h, den_h,
                 s1_t, s2_t, srcb, dstb, s3b, pb, isrc, zbuf, den_sp):
        c = lax.axis_index("c")
        s = lax.axis_index("s")
        base, nch = _tile_span(c, s)
        pltpu.sync_copy(s1_h, s1_t)
        pltpu.sync_copy(s2_h, s2_t)

        def z1b(g, _):
            zbuf[pl.ds(g * L, L)] = jnp.zeros((L,), F32)
            return 0

        lax.fori_loop(0, 128 // L, z1b, 0)

        def z2(k, _):
            j = k * NS + s

            @pl.when(j < NSTR)
            def _():
                pltpu.sync_copy(zbuf, den_sp.at[pl.ds(j * 128, 128)])
            return 0

        lax.fori_loop(0, KSTR, z2, 0)
        plsc.subcore_barrier()

        def chunk_body(k, _):
            off = base + k * CHUNK
            pltpu.sync_copy(src_h.at[pl.ds(off, CHUNK)], srcb)
            pltpu.sync_copy(dst_h.at[pl.ds(off, CHUNK)], dstb)
            pltpu.sync_copy(s3_h.at[pl.ds(off, CHUNK)], s3b)

            def g_body(g, _):
                sl = pl.ds(g * L, L)
                e = (plsc.load_gather(s1_t, [srcb[sl]])
                     + plsc.load_gather(s2_t, [dstb[sl]])
                     + s3b[sl])
                e = jnp.where(e > 0.0, e, ALPHA * e)
                pb[sl] = jnp.exp(jnp.minimum(e, ECLAMP))
                return 0

            lax.fori_loop(0, GROUPS, g_body, 0)
            pltpu.sync_copy(pb, p_h.at[pl.ds(off, CHUNK)])

            def blk(j, _):
                def cp(g2, _):
                    isrc[pl.ds(g2 * L, L)] = srcb[pl.ds(j * 128 + g2 * L, L)]
                    return 0

                lax.fori_loop(0, 128 // L, cp, 0)
                pltpu.sync_copy(pb.at[pl.ds(j * 128, 128)], den_sp.at[isrc],
                                add=True)
                return 0

            lax.fori_loop(0, CHUNK // 128, blk, 0)
            return 0

        lax.fori_loop(0, nch, chunk_body, 0)
        plsc.subcore_barrier()

        def outs(k, _):
            j = k * NS + s

            @pl.when(j < NSTR)
            def _():
                pltpu.sync_copy(den_sp.at[pl.ds(j * 128, 128)],
                                den_h.at[c, pl.ds(j * 128, 128)])
            return 0

        lax.fori_loop(0, KSTR, outs, 0)

    p, denp = sc_front(src, dst, s3p, s1p, s2p)

    @functools.partial(
        pl.kernel,
        out_type=jax.ShapeDtypeStruct((NC, NT, D_OUT), F32),
        mesh=mesh,
        compiler_params=pltpu.CompilerParams(needs_layout_passes=False),
        scratch_types=[
            pltpu.VMEM((CHUNK,), I32),
            pltpu.VMEM((CHUNK,), I32),
            pltpu.VMEM((CHUNK,), F32),
            pltpu.VMEM((2, 64), I32),
            pltpu.VMEM((2, 64), I32),
            pltpu.VMEM((2, 64, 128), F32),
            pltpu.VMEM((2, 64, 128), F32),
            pltpu.SemaphoreType.DMA,
            pltpu.SemaphoreType.DMA,
            pltpu.SemaphoreType.DMA,
            pltpu.SemaphoreType.DMA,
            pltpu.VMEM_SHARED((NT, 128), F32),
        ],
    )
    def sc_acc(src_h, dst_h, p_h, h2_h, z_h, acc_h,
               srcb, dstb, pb, isrc2, idst2, rows2, zrows2,
               semg0, semg1, sems0, sems1, acc_sp):
        c = lax.axis_index("c")
        s = lax.axis_index("s")
        base, nch = _tile_span(c, s)
        semg = (semg0, semg1)
        sems = (sems0, sems1)
        NBK = CHUNK // 64

        def z1(i, _):
            for g in range(128 // L):
                rows2[0, i, pl.ds(g * L, L)] = jnp.zeros((L,), F32)
                rows2[1, i, pl.ds(g * L, L)] = jnp.zeros((L,), F32)
            return 0

        lax.fori_loop(0, 64, z1, 0)

        def z2(k, _):
            j = k * NS + s

            @pl.when(j < NSTR)
            def _():
                pltpu.sync_copy(rows2.at[0], acc_sp.at[pl.ds(j * 128, 64), :])
                pltpu.sync_copy(rows2.at[1], acc_sp.at[pl.ds(j * 128 + 64, 64), :])
            return 0

        lax.fori_loop(0, KSTR, z2, 0)
        plsc.subcore_barrier()

        def build(t, b):
            def cp(g2, _):
                sl = pl.ds(g2 * L, L)
                bsl = pl.ds(b * 64 + g2 * L, L)
                isrc2[t, sl] = srcb[bsl]
                idst2[t, sl] = dstb[bsl]
                return 0

            lax.fori_loop(0, 64 // L, cp, 0)

        def issue(t, b, off):
            pltpu.async_copy(h2_h.at[idst2.at[t]], rows2.at[t], semg[t])
            pltpu.async_copy(z_h.at[pl.ds(off + b * 64, 64), :], zrows2.at[t],
                             semg[t])

        def wait_gather(t):
            pltpu.make_async_copy(h2_h.at[idst2.at[t]], rows2.at[t],
                                  semg[t]).wait()
            pltpu.make_async_copy(z_h.at[pl.ds(0, 64), :], zrows2.at[t],
                                  semg[t]).wait()

        def wait_scatter(t):
            pltpu.make_async_copy(rows2.at[t], acc_sp.at[isrc2.at[t]],
                                  sems[t]).wait()

        def chunk_body(k, _):
            off = base + k * CHUNK
            pltpu.sync_copy(src_h.at[pl.ds(off, CHUNK)], srcb)
            pltpu.sync_copy(dst_h.at[pl.ds(off, CHUNK)], dstb)
            pltpu.sync_copy(p_h.at[pl.ds(off, CHUNK)], pb)

            build(0, 0)
            issue(0, 0, off)

            def pair(q, _):
                for t2 in range(2):
                    b = q * 2 + t2
                    nb = b + 1
                    o = 1 - t2

                    @pl.when(nb < NBK)
                    def _():
                        @pl.when(nb >= 2)
                        def _():
                            wait_scatter(o)
                        build(o, nb)
                        issue(o, nb, off)

                    wait_gather(t2)

                    def se(e, _):
                        idxv = jnp.full((L,), 0, I32) + (b * 64 + e)
                        pv = plsc.load_gather(pb, [idxv])
                        for g in range(128 // L):
                            sl2 = pl.ds(g * L, L)
                            rows2[t2, e, sl2] = (rows2[t2, e, sl2]
                                                 + zrows2[t2, e, sl2]) * pv
                        return 0

                    lax.fori_loop(0, 64, se, 0)
                    pltpu.async_copy(rows2.at[t2], acc_sp.at[isrc2.at[t2]],
                                     sems[t2], add=True)
                return 0

            lax.fori_loop(0, NBK // 2, pair, 0)
            wait_scatter(0)
            wait_scatter(1)
            return 0

        lax.fori_loop(0, nch, chunk_body, 0)
        plsc.subcore_barrier()

        def outs(k, _):
            j = k * NS + s

            @pl.when(j < NSTR)
            def _():
                pltpu.sync_copy(acc_sp.at[pl.ds(j * 128, 128), :],
                                acc_h.at[c, pl.ds(j * 128, 128), :])
            return 0

        lax.fori_loop(0, KSTR, outs, 0)

    acc = sc_acc(src, dst, p, h2, z)

    return _tc_finalize(h1, denp.reshape(NC, NT, 1)[:, :N], acc[:, :N],
                        N, D_OUT, NC)

# --- scband reference (transcript-rebuilt; emitter-appended) ---
"""Pipeline reference for scband-gatlayer-22617297780843 (READ-ONLY COPY).

The authoritative reference and input builder live on the scoring server;
editing this copy changes nothing except your own understanding.
"""

import jax, jax.numpy as jnp
import numpy as np

N = 10000
E = 320000
D_IN = 128
D_REL = 16
D_OUT = 128
ALPHA = 0.2


def setup_inputs(seed: int = 0) -> dict:
    key = jax.random.key(seed)
    k1, k2, k3, k4, k5 = jax.random.split(key, 5)
    x = jax.random.normal(k1, (N, D_IN), dtype=jnp.float32)
    edge_index = jax.random.randint(k2, (2, E), 0, N, dtype=jnp.int32)
    edge_type_embed = jax.random.normal(k3, (E, D_REL), dtype=jnp.float32)
    # learned params per init_kwargs: W (2*in + nrela_dim, out), a (out, 1)
    W = jax.random.normal(k4, (2 * D_IN + D_REL, D_OUT), dtype=jnp.float32) * 0.05
    a = jax.random.normal(k5, (D_OUT, 1), dtype=jnp.float32) * 0.05
    return {"edge_index": edge_index, "x": x, "edge_type_embed": edge_type_embed, "W": W, "a": a}


def reference(edge_index, x, edge_type_embed, W, a):
    src = edge_index[0]
    dst = edge_index[1]
    num_nodes = x.shape[0]
    # edge_h = cat(x[src], x[dst], edge_type_embed) @ W
    edge_h = jnp.concatenate([x[src, :], x[dst, :], edge_type_embed], axis=1)
    edge_h = jnp.matmul(edge_h, W)
    # attention logits
    e = jnp.matmul(edge_h, a).squeeze(-1)
    e = jnp.where(e > 0, e, ALPHA * e)  # LeakyReLU(alpha)
    # sparse softmax over groups defined by src index
    seg_max = jax.ops.segment_max(e, src, num_segments=num_nodes)
    out = jnp.exp(e - seg_max[src])
    denom = jax.ops.segment_sum(out, src, num_segments=num_nodes)
    alpha = out / (denom[src] + 1e-16)
    # dropout p=0.0 -> identity (eval-equivalent)
    # path message: scatter-add of alpha-weighted edge features to src nodes
    msg = alpha[:, None] * edge_h
    agg = jax.ops.segment_sum(msg, src, num_segments=num_nodes)
    # concat=True -> ELU
    return jax.nn.elu(agg)

if __name__ == "__main__":
    import jax
    _d = setup_inputs()
    print(jax.jit(kernel)(*tuple(_d.values())))

</pallas_src>

<mosaic_0001>
#map = affine_map<(d0, d1) -> (0)>
#map1 = affine_map<(d0, d1) -> (0, 0)>
module attributes {stable_mosaic.version = 14 : i64} {
  func.func @sc_front(%arg0: i32, %arg1: i32, %arg2: memref<327680xi32, #tpu.memory_space<hbm>>, %arg3: memref<327680xi32, #tpu.memory_space<hbm>>, %arg4: memref<327680xf32, #tpu.memory_space<hbm>>, %arg5: memref<10112xf32, #tpu.memory_space<hbm>>, %arg6: memref<10112xf32, #tpu.memory_space<hbm>>, %arg7: memref<327680xf32, #tpu.memory_space<hbm>>, %arg8: memref<2x10112xf32, #tpu.memory_space<hbm>>, %arg9: memref<10112xf32, #tpu.memory_space<vmem>>, %arg10: memref<10112xf32, #tpu.memory_space<vmem>>, %arg11: memref<2048xi32, #tpu.memory_space<vmem>>, %arg12: memref<2048xi32, #tpu.memory_space<vmem>>, %arg13: memref<2048xf32, #tpu.memory_space<vmem>>, %arg14: memref<2048xf32, #tpu.memory_space<vmem>>, %arg15: memref<128xi32, #tpu.memory_space<vmem>>, %arg16: memref<128xf32, #tpu.memory_space<vmem>>, %arg17: memref<10112xf32, #tpu.memory_space<vmem_shared>>) attributes {dimension_semantics = [#tpu.dimension_semantics<core_parallel>, #tpu.dimension_semantics<subcore_parallel>], iteration_bounds = array<i64: 2, 16>, scalar_prefetch = 0 : i64, scratch_operands = 9 : i64, tpu.core_type = #tpu.core_type<sc_vector_subcore>, window_params = [{transform_indices = #map}, {transform_indices = #map}, {transform_indices = #map}, {transform_indices = #map}, {transform_indices = #map}, {transform_indices = #map}, {transform_indices = #map1}]} {
    %eq3A = arith.constant 0 : i32
    %eq3A_0 = arith.cmpi eq, %arg0, %eq3A : i32
    %mul3A = arith.constant 14336 : i32
    %mul3A_1 = arith.muli %arg1, %mul3A : i32
    %mul3A_2 = arith.constant 6144 : i32
    %mul3A_3 = arith.muli %arg1, %mul3A_2 : i32
    %add3A = arith.constant 229376 : i32
    %add3A_4 = arith.addi %add3A, %mul3A_3 : i32
    %select_n3A = arith.select %eq3A_0, %mul3A_1, %add3A_4 : i32
    %eq3A_5 = arith.constant 0 : i32
    %eq3A_6 = arith.cmpi eq, %arg0, %eq3A_5 : i32
    %jit3A = arith.constant 7 : i32
    %jit3A_7 = arith.constant 3 : i32
    %select_n3A_8 = arith.select %eq3A_6, %jit3A, %jit3A_7 : i32
    "tpu.region"() ({
      %run_scoped3A = tpu.sem_alloc : memref<!tpu.dma_semaphore, #tpu.memory_space<semaphore_mem>>
      tpu.enqueue_dma source(%arg5 : memref<10112xf32, #tpu.memory_space<hbm>>) target(%arg9 : memref<10112xf32, #tpu.memory_space<vmem>>) target_semaphore(%run_scoped3A : memref<!tpu.dma_semaphore, #tpu.memory_space<semaphore_mem>>)
      tpu.wait_dma2 semaphore(%run_scoped3A : memref<!tpu.dma_semaphore, #tpu.memory_space<semaphore_mem>>) src(%arg5 : memref<10112xf32, #tpu.memory_space<hbm>>) dst(%arg9 : memref<10112xf32, #tpu.memory_space<vmem>>)
      tpu.yield
    }) : () -> ()
    "tpu.region"() ({
      %run_scoped3A = tpu.sem_alloc : memref<!tpu.dma_semaphore, #tpu.memory_space<semaphore_mem>>
      tpu.enqueue_dma source(%arg6 : memref<10112xf32, #tpu.memory_space<hbm>>) target(%arg10 : memref<10112xf32, #tpu.memory_space<vmem>>) target_semaphore(%run_scoped3A : memref<!tpu.dma_semaphore, #tpu.memory_space<semaphore_mem>>)
      tpu.wait_dma2 semaphore(%run_scoped3A : memref<!tpu.dma_semaphore, #tpu.memory_space<semaphore_mem>>) src(%arg6 : memref<10112xf32, #tpu.memory_space<hbm>>) dst(%arg10 : memref<10112xf32, #tpu.memory_space<vmem>>)
      tpu.yield
    }) : () -> ()
    %scan3A = arith.constant 0 : i32
    %scan3A_9 = arith.constant 0 : i32
    %scan3A_10 = arith.constant 8 : i32
    %scan3A_11 = arith.addi %scan3A_9, %scan3A_10 : i32
    %scan3A_12 = arith.constant 1 : i32
    %scan3A_13 = scf.for %scan3A_41 = %scan3A_9 to %scan3A_11 step %scan3A_12 iter_args(%scan3A_42 = %scan3A) -> (i32)  : i32 {
      %broadcast_in_dim3A = arith.constant 0.000000e+00 : f32
      %broadcast_in_dim3A_43 = vector.broadcast %broadcast_in_dim3A : f32 to vector<16xf32>
      %mul3A_44 = arith.constant 16 : i32
      %mul3A_45 = arith.muli %scan3A_41, %mul3A_44 : i32
      %swap3A = arith.index_cast %mul3A_45 : i32 to index
      %swap3A_46 = tpu.vector_load %arg16[%swap3A] {strides = array<i32>} : memref<128xf32, #tpu.memory_space<vmem>>, vector<16xf32>,
      tpu.vector_store %arg16[%swap3A], %broadcast_in_dim3A_43 {strides = array<i32>} : memref<128xf32, #tpu.memory_space<vmem>>, vector<16xf32>,
      %scan3A_47 = arith.constant 0 : i32
      scf.yield %scan3A_47 : i32
    }
    %scan3A_14 = arith.constant 8 : i32
    %scan3A_15 = arith.constant 0 : i32
    %scan3A_16 = arith.constant 0 : i32
    %scan3A_17 = arith.constant 5 : i32
    %scan3A_18 = arith.addi %scan3A_16, %scan3A_17 : i32
    %scan3A_19 = arith.constant 1 : i32
    %scan3A_20 = scf.for %scan3A_41 = %scan3A_16 to %scan3A_18 step %scan3A_19 iter_args(%scan3A_42 = %scan3A_15) -> (i32)  : i32 {
      %mul3A_43 = arith.constant 16 : i32
      %mul3A_44 = arith.muli %scan3A_41, %mul3A_43 : i32
      %add3A_45 = arith.addi %mul3A_44, %arg1 : i32
      %lt3A = arith.constant 79 : i32
      %lt3A_46 = arith.cmpi slt, %add3A_45, %lt3A : i32
      %convert_element_type3A = arith.extui %lt3A_46 : i1 to i32
      %cond3A = arith.constant 0 : i32
      %cond3A_47 = arith.cmpi ne, %convert_element_type3A, %cond3A : i32
      scf.if %cond3A_47 {
        %mul3A_49 = arith.constant 128 : i32
        %mul3A_50 = arith.muli %add3A_45, %mul3A_49 : i32
        "tpu.region"() ({
          %run_scoped3A = tpu.sem_alloc : memref<!tpu.dma_semaphore, #tpu.memory_space<semaphore_mem>>
          %dma_start3A = tpu.memref_slice %arg17[%mul3A_50] : memref<10112xf32, #tpu.memory_space<vmem_shared>> -> memref<128xf32, #tpu.memory_space<vmem_shared>>
          %dma_start3A_51 = tpu.memref_slice %arg17[%mul3A_50] : memref<10112xf32, #tpu.memory_space<vmem_shared>> -> memref<128xf32, #tpu.memory_space<vmem_shared>>
          tpu.enqueue_dma source(%arg16 : memref<128xf32, #tpu.memory_space<vmem>>) target(%dma_start3A_51 : memref<128xf32, #tpu.memory_space<vmem_shared>>) target_semaphore(%run_scoped3A : memref<!tpu.dma_semaphore, #tpu.memory_space<semaphore_mem>>)
          %dma_wait3A = tpu.memref_slice %arg17[%mul3A_50] : memref<10112xf32, #tpu.memory_space<vmem_shared>> -> memref<128xf32, #tpu.memory_space<vmem_shared>>
          %dma_wait3A_52 = tpu.memref_slice %arg17[%mul3A_50] : memref<10112xf32, #tpu.memory_space<vmem_shared>> -> memref<128xf32, #tpu.memory_space<vmem_shared>>
          tpu.wait_dma2 semaphore(%run_scoped3A : memref<!tpu.dma_semaphore, #tpu.memory_space<semaphore_mem>>) src(%arg16 : memref<128xf32, #tpu.memory_space<vmem>>) dst(%dma_wait3A_52 : memref<128xf32, #tpu.memory_space<vmem_shared>>)
          tpu.yield
        }) : () -> ()
      } else {
      }
      %scan3A_48 = arith.constant 0 : i32
      scf.yield %scan3A_48 : i32
    }
    %scan3A_21 = arith.constant 5 : i32
    %barrier3A = arith.constant 0 : index
    tpu.barrier barrier_id(%barrier3A)
    %while3A = arith.constant 0 : i32
    %while3A_22 = arith.constant 0 : i32
    %while3A_23 = arith.subi %select_n3A_8, %while3A : i32
    %while3A_24 = arith.addi %while3A, %while3A_23 : i32
    %while3A_25 = arith.constant 1 : i32
    %while3A_26 = arith.divsi %while3A_23, %while3A_25 : i32
    %while3A_27 = arith.muli %while3A_26, %while3A_25 : i32
    %while3A_28 = arith.addi %while3A, %while3A_27 : i32
    %while3A_29 = arith.constant 1 : i32
    %while3A_30 = scf.for %while3A_41 = %while3A to %while3A_28 step %while3A_29 iter_args(%while3A_42 = %while3A_22) -> (i32)  : i32 {
      %mul3A_43 = arith.constant 2048 : i32
      %mul3A_44 = arith.muli %while3A_41, %mul3A_43 : i32
      %add3A_45 = arith.addi %select_n3A, %mul3A_44 : i32
      "tpu.region"() ({
        %run_scoped3A = tpu.sem_alloc : memref<!tpu.dma_semaphore, #tpu.memory_space<semaphore_mem>>
        %dma_start3A = tpu.memref_slice %arg2[%add3A_45] : memref<327680xi32, #tpu.memory_space<hbm>> -> memref<2048xi32, #tpu.memory_space<hbm>>
        %dma_start3A_61 = tpu.memref_slice %arg2[%add3A_45] : memref<327680xi32, #tpu.memory_space<hbm>> -> memref<2048xi32, #tpu.memory_space<hbm>>
        tpu.enqueue_dma source(%dma_start3A_61 : memref<2048xi32, #tpu.memory_space<hbm>>) target(%arg11 : memref<2048xi32, #tpu.memory_space<vmem>>) target_semaphore(%run_scoped3A : memref<!tpu.dma_semaphore, #tpu.memory_space<semaphore_mem>>)
        %dma_wait3A = tpu.memref_slice %arg2[%add3A_45] : memref<327680xi32, #tpu.memory_space<hbm>> -> memref<2048xi32, #tpu.memory_space<hbm>>
        %dma_wait3A_62 = tpu.memref_slice %arg2[%add3A_45] : memref<327680xi32, #tpu.memory_space<hbm>> -> memref<2048xi32, #tpu.memory_space<hbm>>
        tpu.wait_dma2 semaphore(%run_scoped3A : memref<!tpu.dma_semaphore, #tpu.memory_space<semaphore_mem>>) src(%dma_wait3A_62 : memref<2048xi32, #tpu.memory_space<hbm>>) dst(%arg11 : memref<2048xi32, #tpu.memory_space<vmem>>)
        tpu.yield
      }) : () -> ()
      "tpu.region"() ({
        %run_scoped3A = tpu.sem_alloc : memref<!tpu.dma_semaphore, #tpu.memory_space<semaphore_mem>>
        %dma_start3A = tpu.memref_slice %arg3[%add3A_45] : memref<327680xi32, #tpu.memory_space<hbm>> -> memref<2048xi32, #tpu.memory_space<hbm>>
        %dma_start3A_61 = tpu.memref_slice %arg3[%add3A_45] : memref<327680xi32, #tpu.memory_space<hbm>> -> memref<2048xi32, #tpu.memory_space<hbm>>
        tpu.enqueue_dma source(%dma_start3A_61 : memref<2048xi32, #tpu.memory_space<hbm>>) target(%arg12 : memref<2048xi32, #tpu.memory_space<vmem>>) target_semaphore(%run_scoped3A : memref<!tpu.dma_semaphore, #tpu.memory_space<semaphore_mem>>)
        %dma_wait3A = tpu.memref_slice %arg3[%add3A_45] : memref<327680xi32, #tpu.memory_space<hbm>> -> memref<2048xi32, #tpu.memory_space<hbm>>
        %dma_wait3A_62 = tpu.memref_slice %arg3[%add3A_45] : memref<327680xi32, #tpu.memory_space<hbm>> -> memref<2048xi32, #tpu.memory_space<hbm>>
        tpu.wait_dma2 semaphore(%run_scoped3A : memref<!tpu.dma_semaphore, #tpu.memory_space<semaphore_mem>>) src(%dma_wait3A_62 : memref<2048xi32, #tpu.memory_space<hbm>>) dst(%arg12 : memref<2048xi32, #tpu.memory_space<vmem>>)
        tpu.yield
      }) : () -> ()
      "tpu.region"() ({
        %run_scoped3A = tpu.sem_alloc : memref<!tpu.dma_semaphore, #tpu.memory_space<semaphore_mem>>
        %dma_start3A = tpu.memref_slice %arg4[%add3A_45] : memref<327680xf32, #tpu.memory_space<hbm>> -> memref<2048xf32, #tpu.memory_space<hbm>>
        %dma_start3A_61 = tpu.memref_slice %arg4[%add3A_45] : memref<327680xf32, #tpu.memory_space<hbm>> -> memref<2048xf32, #tpu.memory_space<hbm>>
        tpu.enqueue_dma source(%dma_start3A_61 : memref<2048xf32, #tpu.memory_space<hbm>>) target(%arg13 : memref<2048xf32, #tpu.memory_space<vmem>>) target_semaphore(%run_scoped3A : memref<!tpu.dma_semaphore, #tpu.memory_space<semaphore_mem>>)
        %dma_wait3A = tpu.memref_slice %arg4[%add3A_45] : memref<327680xf32, #tpu.memory_space<hbm>> -> memref<2048xf32, #tpu.memory_space<hbm>>
        %dma_wait3A_62 = tpu.memref_slice %arg4[%add3A_45] : memref<327680xf32, #tpu.memory_space<hbm>> -> memref<2048xf32, #tpu.memory_space<hbm>>
        tpu.wait_dma2 semaphore(%run_scoped3A : memref<!tpu.dma_semaphore, #tpu.memory_space<semaphore_mem>>) src(%dma_wait3A_62 : memref<2048xf32, #tpu.memory_space<hbm>>) dst(%arg13 : memref<2048xf32, #tpu.memory_space<vmem>>)
        tpu.yield
      }) : () -> ()
      %scan3A_46 = arith.constant 0 : i32
      %scan3A_47 = arith.constant 0 : i32
      %scan3A_48 = arith.constant 128 : i32
      %scan3A_49 = arith.addi %scan3A_47, %scan3A_48 : i32
      %scan3A_50 = arith.constant 1 : i32
      %scan3A_51 = scf.for %scan3A_61 = %scan3A_47 to %scan3A_49 step %scan3A_50 iter_args(%scan3A_62 = %scan3A_46) -> (i32)  : i32 {
        %mul3A_63 = arith.constant 16 : i32
        %mul3A_64 = arith.muli %scan3A_61, %mul3A_63 : i32
        %get3A = arith.index_cast %mul3A_64 : i32 to index
        %get3A_65 = tpu.vector_load %arg11[%get3A] {strides = array<i32>} : memref<2048xi32, #tpu.memory_space<vmem>>, vector<16xi32>,
        %gather3A = tpu.vector_load_idx %arg9[%get3A_65] : memref<10112xf32, #tpu.memory_space<vmem>>[vector<16xi32>], vector<16xf32>,
        %get3A_66 = arith.index_cast %mul3A_64 : i32 to index
        %get3A_67 = tpu.vector_load %arg12[%get3A_66] {strides = array<i32>} : memref<2048xi32, #tpu.memory_space<vmem>>, vector<16xi32>,
        %gather3A_68 = tpu.vector_load_idx %arg10[%get3A_67] : memref<10112xf32, #tpu.memory_space<vmem>>[vector<16xi32>], vector<16xf32>,
        %add3A_69 = arith.addf %gather3A, %gather3A_68 : vector<16xf32>
        %get3A_70 = arith.index_cast %mul3A_64 : i32 to index
        %get3A_71 = tpu.vector_load %arg13[%get3A_70] {strides = array<i32>} : memref<2048xf32, #tpu.memory_space<vmem>>, vector<16xf32>,
        %add3A_72 = arith.addf %add3A_69, %get3A_71 : vector<16xf32>
        %gt3A = arith.constant 0.000000e+00 : f32
        %gt3A_73 = vector.broadcast %gt3A : f32 to vector<16xf32>
        %gt3A_74 = arith.cmpf ogt, %add3A_72, %gt3A_73 : vector<16xf32>
        %mul3A_75 = arith.constant 2.000000e-01 : f32
        %mul3A_76 = vector.broadcast %mul3A_75 : f32 to vector<16xf32>
        %mul3A_77 = arith.mulf %mul3A_76, %add3A_72 : vector<16xf32>
        %select_n3A_78 = arith.select %gt3A_74, %add3A_72, %mul3A_77 : vector<16xi1>, vector<16xf32>
        %min3A = arith.constant 5.000000e+01 : f32
        %min3A_79 = vector.broadcast %min3A : f32 to vector<16xf32>
        %min3A_80 = arith.minimumf %select_n3A_78, %min3A_79 : vector<16xf32>
        %exp3A = math.exp %min3A_80 : vector<16xf32>
        %swap3A = arith.index_cast %mul3A_64 : i32 to index
        %swap3A_81 = tpu.vector_load %arg14[%swap3A] {strides = array<i32>} : memref<2048xf32, #tpu.memory_space<vmem>>, vector<16xf32>,
        tpu.vector_store %arg14[%swap3A], %exp3A {strides = array<i32>} : memref<2048xf32, #tpu.memory_space<vmem>>, vector<16xf32>,
        %scan3A_82 = arith.constant 0 : i32
        scf.yield %scan3A_82 : i32
      }
      %scan3A_52 = arith.constant 128 : i32
      "tpu.region"() ({
        %run_scoped3A = tpu.sem_alloc : memref<!tpu.dma_semaphore, #tpu.memory_space<semaphore_mem>>
        %dma_start3A = tpu.memref_slice %arg7[%add3A_45] : memref<327680xf32, #tpu.memory_space<hbm>> -> memref<2048xf32, #tpu.memory_space<hbm>>
        %dma_start3A_61 = tpu.memref_slice %arg7[%add3A_45] : memref<327680xf32, #tpu.memory_space<hbm>> -> memref<2048xf32, #tpu.memory_space<hbm>>
        tpu.enqueue_dma source(%arg14 : memref<2048xf32, #tpu.memory_space<vmem>>) target(%dma_start3A_61 : memref<2048xf32, #tpu.memory_space<hbm>>) target_semaphore(%run_scoped3A : memref<!tpu.dma_semaphore, #tpu.memory_space<semaphore_mem>>)
        %dma_wait3A = tpu.memref_slice %arg7[%add3A_45] : memref<327680xf32, #tpu.memory_space<hbm>> -> memref<2048xf32, #tpu.memory_space<hbm>>
        %dma_wait3A_62 = tpu.memref_slice %arg7[%add3A_45] : memref<327680xf32, #tpu.memory_space<hbm>> -> memref<2048xf32, #tpu.memory_space<hbm>>
        tpu.wait_dma2 semaphore(%run_scoped3A : memref<!tpu.dma_semaphore, #tpu.memory_space<semaphore_mem>>) src(%arg14 : memref<2048xf32, #tpu.memory_space<vmem>>) dst(%dma_wait3A_62 : memref<2048xf32, #tpu.memory_space<hbm>>)
        tpu.yield
      }) : () -> ()
      %scan3A_53 = arith.constant 0 : i32
      %scan3A_54 = arith.constant 0 : i32
      %scan3A_55 = arith.constant 16 : i32
      %scan3A_56 = arith.addi %scan3A_54, %scan3A_55 : i32
      %scan3A_57 = arith.constant 1 : i32
      %scan3A_58 = scf.for %scan3A_61 = %scan3A_54 to %scan3A_56 step %scan3A_57 iter_args(%scan3A_62 = %scan3A_53) -> (i32)  : i32 {
        %scan3A_63 = arith.constant 0 : i32
        %scan3A_64 = arith.constant 0 : i32
        %scan3A_65 = arith.constant 8 : i32
        %scan3A_66 = arith.addi %scan3A_64, %scan3A_65 : i32
        %scan3A_67 = arith.constant 1 : i32
        %scan3A_68 = scf.for %scan3A_73 = %scan3A_64 to %scan3A_66 step %scan3A_67 iter_args(%scan3A_74 = %scan3A_63) -> (i32)  : i32 {
          %mul3A_75 = arith.constant 128 : i32
          %mul3A_76 = arith.muli %scan3A_61, %mul3A_75 : i32
          %mul3A_77 = arith.constant 16 : i32
          %mul3A_78 = arith.muli %scan3A_73, %mul3A_77 : i32
          %add3A_79 = arith.addi %mul3A_76, %mul3A_78 : i32
          %get3A = arith.index_cast %add3A_79 : i32 to index
          %get3A_80 = tpu.vector_load %arg11[%get3A] {strides = array<i32>} : memref<2048xi32, #tpu.memory_space<vmem>>, vector<16xi32>,
          %mul3A_81 = arith.constant 16 : i32
          %mul3A_82 = arith.muli %scan3A_73, %mul3A_81 : i32
          %swap3A = arith.index_cast %mul3A_82 : i32 to index
          %swap3A_83 = tpu.vector_load %arg15[%swap3A] {strides = array<i32>} : memref<128xi32, #tpu.memory_space<vmem>>, vector<16xi32>,
          tpu.vector_store %arg15[%swap3A], %get3A_80 {strides = array<i32>} : memref<128xi32, #tpu.memory_space<vmem>>, vector<16xi32>,
          %scan3A_84 = arith.constant 0 : i32
          scf.yield %scan3A_84 : i32
        }
        %scan3A_69 = arith.constant 8 : i32
        %mul3A_70 = arith.constant 128 : i32
        %mul3A_71 = arith.muli %scan3A_61, %mul3A_70 : i32
        "tpu.region"() ({
          %run_scoped3A = tpu.sem_alloc : memref<!tpu.dma_semaphore, #tpu.memory_space<semaphore_mem>>
          %dma_start3A = tpu.memref_slice %arg14[%mul3A_71] : memref<2048xf32, #tpu.memory_space<vmem>> -> memref<128xf32, #tpu.memory_space<vmem>>
          %dma_start3A_73 = arith.constant 0 : i32
          %dma_start3A_74 = tpu.memref_slice %arg17[%dma_start3A_73] : memref<10112xf32, #tpu.memory_space<vmem_shared>> -> memref<10112xf32, #tpu.memory_space<vmem_shared>>
          tpu.enqueue_indirect_dma source(%dma_start3A : memref<128xf32, #tpu.memory_space<vmem>>) target(%dma_start3A_74 : memref<10112xf32, #tpu.memory_space<vmem_shared>>) offsets(%arg15 : memref<128xi32, #tpu.memory_space<vmem>>) semaphore(%run_scoped3A : memref<!tpu.dma_semaphore, #tpu.memory_space<semaphore_mem>>) {add = true}
          %dma_wait3A = tpu.memref_slice %arg14[%mul3A_71] : memref<2048xf32, #tpu.memory_space<vmem>> -> memref<128xf32, #tpu.memory_space<vmem>>
          %dma_wait3A_75 = arith.constant 0 : i32
          %dma_wait3A_76 = tpu.memref_slice %arg17[%dma_wait3A_75] : memref<10112xf32, #tpu.memory_space<vmem_shared>> -> memref<10112xf32, #tpu.memory_space<vmem_shared>>
          tpu.wait_indirect_dma semaphore(%run_scoped3A : memref<!tpu.dma_semaphore, #tpu.memory_space<semaphore_mem>>) src(%dma_wait3A : memref<128xf32, #tpu.memory_space<vmem>>) dst(%dma_wait3A_76 : memref<10112xf32, #tpu.memory_space<vmem_shared>>)
          tpu.yield
        }) : () -> ()
        %scan3A_72 = arith.constant 0 : i32
        scf.yield %scan3A_72 : i32
      }
      %scan3A_59 = arith.constant 16 : i32
      %while3A_60 = arith.constant 0 : i32
      scf.yield %while3A_60 : i32
    }
    %while3A_31 = arith.constant 1 : i32
    %while3A_32 = scf.for %while3A_41 = %while3A_28 to %while3A_24 step %while3A_31 iter_args(%while3A_42 = %while3A_30) -> (i32)  : i32 {
      %mul3A_43 = arith.constant 2048 : i32
      %mul3A_44 = arith.muli %while3A_41, %mul3A_43 : i32
      %add3A_45 = arith.addi %select_n3A, %mul3A_44 : i32
      "tpu.region"() ({
        %run_scoped3A = tpu.sem_alloc : memref<!tpu.dma_semaphore, #tpu.memory_space<semaphore_mem>>
        %dma_start3A = tpu.memref_slice %arg2[%add3A_45] : memref<327680xi32, #tpu.memory_space<hbm>> -> memref<2048xi32, #tpu.memory_space<hbm>>
        %dma_start3A_61 = tpu.memref_slice %arg2[%add3A_45] : memref<327680xi32, #tpu.memory_space<hbm>> -> memref<2048xi32, #tpu.memory_space<hbm>>
        tpu.enqueue_dma source(%dma_start3A_61 : memref<2048xi32, #tpu.memory_space<hbm>>) target(%arg11 : memref<2048xi32, #tpu.memory_space<vmem>>) target_semaphore(%run_scoped3A : memref<!tpu.dma_semaphore, #tpu.memory_space<semaphore_mem>>)
        %dma_wait3A = tpu.memref_slice %arg2[%add3A_45] : memref<327680xi32, #tpu.memory_space<hbm>> -> memref<2048xi32, #tpu.memory_space<hbm>>
        %dma_wait3A_62 = tpu.memref_slice %arg2[%add3A_45] : memref<327680xi32, #tpu.memory_space<hbm>> -> memref<2048xi32, #tpu.memory_space<hbm>>
        tpu.wait_dma2 semaphore(%run_scoped3A : memref<!tpu.dma_semaphore, #tpu.memory_space<semaphore_mem>>) src(%dma_wait3A_62 : memref<2048xi32, #tpu.memory_space<hbm>>) dst(%arg11 : memref<2048xi32, #tpu.memory_space<vmem>>)
        tpu.yield
      }) : () -> ()
      "tpu.region"() ({
        %run_scoped3A = tpu.sem_alloc : memref<!tpu.dma_semaphore, #tpu.memory_space<semaphore_mem>>
        %dma_start3A = tpu.memref_slice %arg3[%add3A_45] : memref<327680xi32, #tpu.memory_space<hbm>> -> memref<2048xi32, #tpu.memory_space<hbm>>
        %dma_start3A_61 = tpu.memref_slice %arg3[%add3A_45] : memref<327680xi32, #tpu.memory_space<hbm>> -> memref<2048xi32, #tpu.memory_space<hbm>>
        tpu.enqueue_dma source(%dma_start3A_61 : memref<2048xi32, #tpu.memory_space<hbm>>) target(%arg12 : memref<2048xi32, #tpu.memory_space<vmem>>) target_semaphore(%run_scoped3A : memref<!tpu.dma_semaphore, #tpu.memory_space<semaphore_mem>>)
        %dma_wait3A = tpu.memref_slice %arg3[%add3A_45] : memref<327680xi32, #tpu.memory_space<hbm>> -> memref<2048xi32, #tpu.memory_space<hbm>>
        %dma_wait3A_62 = tpu.memref_slice %arg3[%add3A_45] : memref<327680xi32, #tpu.memory_space<hbm>> -> memref<2048xi32, #tpu.memory_space<hbm>>
        tpu.wait_dma2 semaphore(%run_scoped3A : memref<!tpu.dma_semaphore, #tpu.memory_space<semaphore_mem>>) src(%dma_wait3A_62 : memref<2048xi32, #tpu.memory_space<hbm>>) dst(%arg12 : memref<2048xi32, #tpu.memory_space<vmem>>)
        tpu.yield
      }) : () -> ()
      "tpu.region"() ({
        %run_scoped3A = tpu.sem_alloc : memref<!tpu.dma_semaphore, #tpu.memory_space<semaphore_mem>>
        %dma_start3A = tpu.memref_slice %arg4[%add3A_45] : memref<327680xf32, #tpu.memory_space<hbm>> -> memref<2048xf32, #tpu.memory_space<hbm>>
        %dma_start3A_61 = tpu.memref_slice %arg4[%add3A_45] : memref<327680xf32, #tpu.memory_space<hbm>> -> memref<2048xf32, #tpu.memory_space<hbm>>
        tpu.enqueue_dma source(%dma_start3A_61 : memref<2048xf32, #tpu.memory_space<hbm>>) target(%arg13 : memref<2048xf32, #tpu.memory_space<vmem>>) target_semaphore(%run_scoped3A : memref<!tpu.dma_semaphore, #tpu.memory_space<semaphore_mem>>)
        %dma_wait3A = tpu.memref_slice %arg4[%add3A_45] : memref<327680xf32, #tpu.memory_space<hbm>> -> memref<2048xf32, #tpu.memory_space<hbm>>
        %dma_wait3A_62 = tpu.memref_slice %arg4[%add3A_45] : memref<327680xf32, #tpu.memory_space<hbm>> -> memref<2048xf32, #tpu.memory_space<hbm>>
        tpu.wait_dma2 semaphore(%run_scoped3A : memref<!tpu.dma_semaphore, #tpu.memory_space<semaphore_mem>>) src(%dma_wait3A_62 : memref<2048xf32, #tpu.memory_space<hbm>>) dst(%arg13 : memref<2048xf32, #tpu.memory_space<vmem>>)
        tpu.yield
      }) : () -> ()
      %scan3A_46 = arith.constant 0 : i32
      %scan3A_47 = arith.constant 0 : i32
      %scan3A_48 = arith.constant 128 : i32
      %scan3A_49 = arith.addi %scan3A_47, %scan3A_48 : i32
      %scan3A_50 = arith.constant 1 : i32
      %scan3A_51 = scf.for %scan3A_61 = %scan3A_47 to %scan3A_49 step %scan3A_50 iter_args(%scan3A_62 = %scan3A_46) -> (i32)  : i32 {
        %mul3A_63 = arith.constant 16 : i32
        %mul3A_64 = arith.muli %scan3A_61, %mul3A_63 : i32
        %get3A = arith.index_cast %mul3A_64 : i32 to index
        %get3A_65 = tpu.vector_load %arg11[%get3A] {strides = array<i32>} : memref<2048xi32, #tpu.memory_space<vmem>>, vector<16xi32>,
        %gather3A = tpu.vector_load_idx %arg9[%get3A_65] : memref<10112xf32, #tpu.memory_space<vmem>>[vector<16xi32>], vector<16xf32>,
        %get3A_66 = arith.index_cast %mul3A_64 : i32 to index
        %get3A_67 = tpu.vector_load %arg12[%get3A_66] {strides = array<i32>} : memref<2048xi32, #tpu.memory_space<vmem>>, vector<16xi32>,
        %gather3A_68 = tpu.vector_load_idx %arg10[%get3A_67] : memref<10112xf32, #tpu.memory_space<vmem>>[vector<16xi32>], vector<16xf32>,
        %add3A_69 = arith.addf %gather3A, %gather3A_68 : vector<16xf32>
        %get3A_70 = arith.index_cast %mul3A_64 : i32 to index
        %get3A_71 = tpu.vector_load %arg13[%get3A_70] {strides = array<i32>} : memref<2048xf32, #tpu.memory_space<vmem>>, vector<16xf32>,
        %add3A_72 = arith.addf %add3A_69, %get3A_71 : vector<16xf32>
        %gt3A = arith.constant 0.000000e+00 : f32
        %gt3A_73 = vector.broadcast %gt3A : f32 to vector<16xf32>
        %gt3A_74 = arith.cmpf ogt, %add3A_72, %gt3A_73 : vector<16xf32>
        %mul3A_75 = arith.constant 2.000000e-01 : f32
        %mul3A_76 = vector.broadcast %mul3A_75 : f32 to vector<16xf32>
        %mul3A_77 = arith.mulf %mul3A_76, %add3A_72 : vector<16xf32>
        %select_n3A_78 = arith.select %gt3A_74, %add3A_72, %mul3A_77 : vector<16xi1>, vector<16xf32>
        %min3A = arith.constant 5.000000e+01 : f32
        %min3A_79 = vector.broadcast %min3A : f32 to vector<16xf32>
        %min3A_80 = arith.minimumf %select_n3A_78, %min3A_79 : vector<16xf32>
        %exp3A = math.exp %min3A_80 : vector<16xf32>
        %swap3A = arith.index_cast %mul3A_64 : i32 to index
        %swap3A_81 = tpu.vector_load %arg14[%swap3A] {strides = array<i32>} : memref<2048xf32, #tpu.memory_space<vmem>>, vector<16xf32>,
        tpu.vector_store %arg14[%swap3A], %exp3A {strides = array<i32>} : memref<2048xf32, #tpu.memory_space<vmem>>, vector<16xf32>,
        %scan3A_82 = arith.constant 0 : i32
        scf.yield %scan3A_82 : i32
      }
      %scan3A_52 = arith.constant 128 : i32
      "tpu.region"() ({
        %run_scoped3A = tpu.sem_alloc : memref<!tpu.dma_semaphore, #tpu.memory_space<semaphore_mem>>
        %dma_start3A = tpu.memref_slice %arg7[%add3A_45] : memref<327680xf32, #tpu.memory_space<hbm>> -> memref<2048xf32, #tpu.memory_space<hbm>>
        %dma_start3A_61 = tpu.memref_slice %arg7[%add3A_45] : memref<327680xf32, #tpu.memory_space<hbm>> -> memref<2048xf32, #tpu.memory_space<hbm>>
        tpu.enqueue_dma source(%arg14 : memref<2048xf32, #tpu.memory_space<vmem>>) target(%dma_start3A_61 : memref<2048xf32, #tpu.memory_space<hbm>>) target_semaphore(%run_scoped3A : memref<!tpu.dma_semaphore, #tpu.memory_space<semaphore_mem>>)
        %dma_wait3A = tpu.memref_slice %arg7[%add3A_45] : memref<327680xf32, #tpu.memory_space<hbm>> -> memref<2048xf32, #tpu.memory_space<hbm>>
        %dma_wait3A_62 = tpu.memref_slice %arg7[%add3A_45] : memref<327680xf32, #tpu.memory_space<hbm>> -> memref<2048xf32, #tpu.memory_space<hbm>>
        tpu.wait_dma2 semaphore(%run_scoped3A : memref<!tpu.dma_semaphore, #tpu.memory_space<semaphore_mem>>) src(%arg14 : memref<2048xf32, #tpu.memory_space<vmem>>) dst(%dma_wait3A_62 : memref<2048xf32, #tpu.memory_space<hbm>>)
        tpu.yield
      }) : () -> ()
      %scan3A_53 = arith.constant 0 : i32
      %scan3A_54 = arith.constant 0 : i32
      %scan3A_55 = arith.constant 16 : i32
      %scan3A_56 = arith.addi %scan3A_54, %scan3A_55 : i32
      %scan3A_57 = arith.constant 1 : i32
      %scan3A_58 = scf.for %scan3A_61 = %scan3A_54 to %scan3A_56 step %scan3A_57 iter_args(%scan3A_62 = %scan3A_53) -> (i32)  : i32 {
        %scan3A_63 = arith.constant 0 : i32
        %scan3A_64 = arith.constant 0 : i32
        %scan3A_65 = arith.constant 8 : i32
        %scan3A_66 = arith.addi %scan3A_64, %scan3A_65 : i32
        %scan3A_67 = arith.constant 1 : i32
        %scan3A_68 = scf.for %scan3A_73 = %scan3A_64 to %scan3A_66 step %scan3A_67 iter_args(%scan3A_74 = %scan3A_63) -> (i32)  : i32 {
          %mul3A_75 = arith.constant 128 : i32
          %mul3A_76 = arith.muli %scan3A_61, %mul3A_75 : i32
          %mul3A_77 = arith.constant 16 : i32
          %mul3A_78 = arith.muli %scan3A_73, %mul3A_77 : i32
          %add3A_79 = arith.addi %mul3A_76, %mul3A_78 : i32
          %get3A = arith.index_cast %add3A_79 : i32 to index
          %get3A_80 = tpu.vector_load %arg11[%get3A] {strides = array<i32>} : memref<2048xi32, #tpu.memory_space<vmem>>, vector<16xi32>,
          %mul3A_81 = arith.constant 16 : i32
          %mul3A_82 = arith.muli %scan3A_73, %mul3A_81 : i32
          %swap3A = arith.index_cast %mul3A_82 : i32 to index
          %swap3A_83 = tpu.vector_load %arg15[%swap3A] {strides = array<i32>} : memref<128xi32, #tpu.memory_space<vmem>>, vector<16xi32>,
          tpu.vector_store %arg15[%swap3A], %get3A_80 {strides = array<i32>} : memref<128xi32, #tpu.memory_space<vmem>>, vector<16xi32>,
          %scan3A_84 = arith.constant 0 : i32
          scf.yield %scan3A_84 : i32
        }
        %scan3A_69 = arith.constant 8 : i32
        %mul3A_70 = arith.constant 128 : i32
        %mul3A_71 = arith.muli %scan3A_61, %mul3A_70 : i32
        "tpu.region"() ({
          %run_scoped3A = tpu.sem_alloc : memref<!tpu.dma_semaphore, #tpu.memory_space<semaphore_mem>>
          %dma_start3A = tpu.memref_slice %arg14[%mul3A_71] : memref<2048xf32, #tpu.memory_space<vmem>> -> memref<128xf32, #tpu.memory_space<vmem>>
          %dma_start3A_73 = arith.constant 0 : i32
          %dma_start3A_74 = tpu.memref_slice %arg17[%dma_start3A_73] : memref<10112xf32, #tpu.memory_space<vmem_shared>> -> memref<10112xf32, #tpu.memory_space<vmem_shared>>
          tpu.enqueue_indirect_dma source(%dma_start3A : memref<128xf32, #tpu.memory_space<vmem>>) target(%dma_start3A_74 : memref<10112xf32, #tpu.memory_space<vmem_shared>>) offsets(%arg15 : memref<128xi32, #tpu.memory_space<vmem>>) semaphore(%run_scoped3A : memref<!tpu.dma_semaphore, #tpu.memory_space<semaphore_mem>>) {add = true}
          %dma_wait3A = tpu.memref_slice %arg14[%mul3A_71] : memref<2048xf32, #tpu.memory_space<vmem>> -> memref<128xf32, #tpu.memory_space<vmem>>
          %dma_wait3A_75 = arith.constant 0 : i32
          %dma_wait3A_76 = tpu.memref_slice %arg17[%dma_wait3A_75] : memref<10112xf32, #tpu.memory_space<vmem_shared>> -> memref<10112xf32, #tpu.memory_space<vmem_shared>>
          tpu.wait_indirect_dma semaphore(%run_scoped3A : memref<!tpu.dma_semaphore, #tpu.memory_space<semaphore_mem>>) src(%dma_wait3A : memref<128xf32, #tpu.memory_space<vmem>>) dst(%dma_wait3A_76 : memref<10112xf32, #tpu.memory_space<vmem_shared>>)
          tpu.yield
        }) : () -> ()
        %scan3A_72 = arith.constant 0 : i32
        scf.yield %scan3A_72 : i32
      }
      %scan3A_59 = arith.constant 16 : i32
      %while3A_60 = arith.constant 0 : i32
      scf.yield %while3A_60 : i32
    }
    %barrier3A_33 = arith.constant 0 : index
    tpu.barrier barrier_id(%barrier3A_33)
    %scan3A_34 = arith.constant 0 : i32
    %scan3A_35 = arith.constant 0 : i32
    %scan3A_36 = arith.constant 5 : i32
    %scan3A_37 = arith.addi %scan3A_35, %scan3A_36 : i32
    %scan3A_38 = arith.constant 1 : i32
    %scan3A_39 = scf.for %scan3A_41 = %scan3A_35 to %scan3A_37 step %scan3A_38 iter_args(%scan3A_42 = %scan3A_34) -> (i32)  : i32 {
      %mul3A_43 = arith.constant 16 : i32
      %mul3A_44 = arith.muli %scan3A_41, %mul3A_43 : i32
      %add3A_45 = arith.addi %mul3A_44, %arg1 : i32
      %lt3A = arith.constant 79 : i32
      %lt3A_46 = arith.cmpi slt, %add3A_45, %lt3A : i32
      %convert_element_type3A = arith.extui %lt3A_46 : i1 to i32
      %cond3A = arith.constant 0 : i32
      %cond3A_47 = arith.cmpi ne, %convert_element_type3A, %cond3A : i32
      scf.if %cond3A_47 {
        %mul3A_49 = arith.constant 128 : i32
        %mul3A_50 = arith.muli %add3A_45, %mul3A_49 : i32
        %mul3A_51 = arith.constant 128 : i32
        %mul3A_52 = arith.muli %add3A_45, %mul3A_51 : i32
        "tpu.region"() ({
          %run_scoped3A = tpu.sem_alloc : memref<!tpu.dma_semaphore, #tpu.memory_space<semaphore_mem>>
          %dma_start3A = tpu.memref_slice %arg8[%arg0, %mul3A_52] : memref<2x10112xf32, #tpu.memory_space<hbm>> -> memref<1x128xf32, #tpu.memory_space<hbm>>
          %dma_start3A_53 = tpu.memref_squeeze %dma_start3A : memref<1x128xf32, #tpu.memory_space<hbm>> -> memref<128xf32, #tpu.memory_space<hbm>>
          %dma_start3A_54 = tpu.memref_slice %arg17[%mul3A_50] : memref<10112xf32, #tpu.memory_space<vmem_shared>> -> memref<128xf32, #tpu.memory_space<vmem_shared>>
          tpu.enqueue_dma source(%dma_start3A_54 : memref<128xf32, #tpu.memory_space<vmem_shared>>) target(%dma_start3A_53 : memref<128xf32, #tpu.memory_space<hbm>>) target_semaphore(%run_scoped3A : memref<!tpu.dma_semaphore, #tpu.memory_space<semaphore_mem>>)
          %dma_wait3A = tpu.memref_slice %arg8[%arg0, %mul3A_52] : memref<2x10112xf32, #tpu.memory_space<hbm>> -> memref<1x128xf32, #tpu.memory_space<hbm>>
          %dma_wait3A_55 = tpu.memref_squeeze %dma_wait3A : memref<1x128xf32, #tpu.memory_space<hbm>> -> memref<128xf32, #tpu.memory_space<hbm>>
          %dma_wait3A_56 = tpu.memref_slice %arg17[%mul3A_50] : memref<10112xf32, #tpu.memory_space<vmem_shared>> -> memref<128xf32, #tpu.memory_space<vmem_shared>>
          tpu.wait_dma2 semaphore(%run_scoped3A : memref<!tpu.dma_semaphore, #tpu.memory_space<semaphore_mem>>) src(%dma_wait3A_56 : memref<128xf32, #tpu.memory_space<vmem_shared>>) dst(%dma_wait3A_55 : memref<128xf32, #tpu.memory_space<hbm>>)
          tpu.yield
        }) : () -> ()
      } else {
      }
      %scan3A_48 = arith.constant 0 : i32
      scf.yield %scan3A_48 : i32
    }
    %scan3A_40 = arith.constant 5 : i32
    return
  }
}

#map = affine_map<(d0, d1) -> (0)>
#map1 = affine_map<(d0, d1) -> (0, 0)>
#map2 = affine_map<(d0, d1) -> (0, 0, 0)>
module attributes {stable_mosaic.version = 14 : i64} {
  func.func @sc_acc(%arg0: i32, %arg1: i32, %arg2: memref<327680xi32, #tpu.memory_space<hbm>>, %arg3: memref<327680xi32, #tpu.memory_space<hbm>>, %arg4: memref<327680xf32, #tpu.memory_space<hbm>>, %arg5: memref<10000x128xf32, #tpu.memory_space<hbm>>, %arg6: memref<327680x128xf32, #tpu.memory_space<hbm>>, %arg7: memref<2x10112x128xf32, #tpu.memory_space<hbm>>, %arg8: memref<2048xi32, #tpu.memory_space<vmem>>, %arg9: memref<2048xi32, #tpu.memory_space<vmem>>, %arg10: memref<2048xf32, #tpu.memory_space<vmem>>, %arg11: memref<2x64xi32, #tpu.memory_space<vmem>>, %arg12: memref<2x64xi32, #tpu.memory_space<vmem>>, %arg13: memref<2x64x128xf32, #tpu.memory_space<vmem>>, %arg14: memref<2x64x128xf32, #tpu.memory_space<vmem>>, %arg15: memref<!tpu.dma_semaphore, #tpu.memory_space<semaphore_mem>>, %arg16: memref<!tpu.dma_semaphore, #tpu.memory_space<semaphore_mem>>, %arg17: memref<!tpu.dma_semaphore, #tpu.memory_space<semaphore_mem>>, %arg18: memref<!tpu.dma_semaphore, #tpu.memory_space<semaphore_mem>>, %arg19: memref<10112x128xf32, #tpu.memory_space<vmem_shared>>) attributes {dimension_semantics = [#tpu.dimension_semantics<core_parallel>, #tpu.dimension_semantics<subcore_parallel>], iteration_bounds = array<i64: 2, 16>, scalar_prefetch = 0 : i64, scratch_operands = 12 : i64, tpu.core_type = #tpu.core_type<sc_vector_subcore>, window_params = [{transform_indices = #map}, {transform_indices = #map}, {transform_indices = #map}, {transform_indices = #map1}, {transform_indices = #map1}, {transform_indices = #map2}]} {
    %eq3A = arith.constant 0 : i32
    %eq3A_0 = arith.cmpi eq, %arg0, %eq3A : i32
    %mul3A = arith.constant 14336 : i32
    %mul3A_1 = arith.muli %arg1, %mul3A : i32
    %mul3A_2 = arith.constant 6144 : i32
    %mul3A_3 = arith.muli %arg1, %mul3A_2 : i32
    %add3A = arith.constant 229376 : i32
    %add3A_4 = arith.addi %add3A, %mul3A_3 : i32
    %select_n3A = arith.select %eq3A_0, %mul3A_1, %add3A_4 : i32
    %eq3A_5 = arith.constant 0 : i32
    %eq3A_6 = arith.cmpi eq, %arg0, %eq3A_5 : i32
    %jit3A = arith.constant 7 : i32
    %jit3A_7 = arith.constant 3 : i32
    %select_n3A_8 = arith.select %eq3A_6, %jit3A, %jit3A_7 : i32
    %scan3A = arith.constant 0 : i32
    %scan3A_9 = arith.constant 0 : i32
    %scan3A_10 = arith.constant 64 : i32
    %scan3A_11 = arith.addi %scan3A_9, %scan3A_10 : i32
    %scan3A_12 = arith.constant 1 : i32
    %scan3A_13 = scf.for %scan3A_41 = %scan3A_9 to %scan3A_11 step %scan3A_12 iter_args(%scan3A_42 = %scan3A) -> (i32)  : i32 {
      %broadcast_in_dim3A = arith.constant 0.000000e+00 : f32
      %broadcast_in_dim3A_43 = vector.broadcast %broadcast_in_dim3A : f32 to vector<16xf32>
      %swap3A = arith.constant 0 : i32
      %swap3A_44 = arith.index_cast %swap3A : i32 to index
      %swap3A_45 = arith.index_cast %scan3A_41 : i32 to index
      %swap3A_46 = arith.constant 0 : index
      %swap3A_47 = tpu.vector_load %arg13[%swap3A_44, %swap3A_45, %swap3A_46] {strides = array<i32>} : memref<2x64x128xf32, #tpu.memory_space<vmem>>, vector<16xf32>,
      tpu.vector_store %arg13[%swap3A_44, %swap3A_45, %swap3A_46], %broadcast_in_dim3A_43 {strides = array<i32>} : memref<2x64x128xf32, #tpu.memory_space<vmem>>, vector<16xf32>,
      %broadcast_in_dim3A_48 = arith.constant 0.000000e+00 : f32
      %broadcast_in_dim3A_49 = vector.broadcast %broadcast_in_dim3A_48 : f32 to vector<16xf32>
      %swap3A_50 = arith.constant 1 : i32
      %swap3A_51 = arith.index_cast %swap3A_50 : i32 to index
      %swap3A_52 = arith.index_cast %scan3A_41 : i32 to index
      %swap3A_53 = arith.constant 0 : index
      %swap3A_54 = tpu.vector_load %arg13[%swap3A_51, %swap3A_52, %swap3A_53] {strides = array<i32>} : memref<2x64x128xf32, #tpu.memory_space<vmem>>, vector<16xf32>,
      tpu.vector_store %arg13[%swap3A_51, %swap3A_52, %swap3A_53], %broadcast_in_dim3A_49 {strides = array<i32>} : memref<2x64x128xf32, #tpu.memory_space<vmem>>, vector<16xf32>,
      %broadcast_in_dim3A_55 = arith.constant 0.000000e+00 : f32
      %broadcast_in_dim3A_56 = vector.broadcast %broadcast_in_dim3A_55 : f32 to vector<16xf32>
      %swap3A_57 = arith.constant 0 : i32
      %swap3A_58 = arith.index_cast %swap3A_57 : i32 to index
      %swap3A_59 = arith.index_cast %scan3A_41 : i32 to index
      %swap3A_60 = arith.constant 16 : index
      %swap3A_61 = tpu.vector_load %arg13[%swap3A_58, %swap3A_59, %swap3A_60] {strides = array<i32>} : memref<2x64x128xf32, #tpu.memory_space<vmem>>, vector<16xf32>,
      tpu.vector_store %arg13[%swap3A_58, %swap3A_59, %swap3A_60], %broadcast_in_dim3A_56 {strides = array<i32>} : memref<2x64x128xf32, #tpu.memory_space<vmem>>, vector<16xf32>,
      %broadcast_in_dim3A_62 = arith.constant 0.000000e+00 : f32
      %broadcast_in_dim3A_63 = vector.broadcast %broadcast_in_dim3A_62 : f32 to vector<16xf32>
      %swap3A_64 = arith.constant 1 : i32
      %swap3A_65 = arith.index_cast %swap3A_64 : i32 to index
      %swap3A_66 = arith.index_cast %scan3A_41 : i32 to index
      %swap3A_67 = arith.constant 16 : index
      %swap3A_68 = tpu.vector_load %arg13[%swap3A_65, %swap3A_66, %swap3A_67] {strides = array<i32>} : memref<2x64x128xf32, #tpu.memory_space<vmem>>, vector<16xf32>,
      tpu.vector_store %arg13[%swap3A_65, %swap3A_66, %swap3A_67], %broadcast_in_dim3A_63 {strides = array<i32>} : memref<2x64x128xf32, #tpu.memory_space<vmem>>, vector<16xf32>,
      %broadcast_in_dim3A_69 = arith.constant 0.000000e+00 : f32
      %broadcast_in_dim3A_70 = vector.broadcast %broadcast_in_dim3A_69 : f32 to vector<16xf32>
      %swap3A_71 = arith.constant 0 : i32
      %swap3A_72 = arith.index_cast %swap3A_71 : i32 to index
      %swap3A_73 = arith.index_cast %scan3A_41 : i32 to index
      %swap3A_74 = arith.constant 32 : index
      %swap3A_75 = tpu.vector_load %arg13[%swap3A_72, %swap3A_73, %swap3A_74] {strides = array<i32>} : memref<2x64x128xf32, #tpu.memory_space<vmem>>, vector<16xf32>,
      tpu.vector_store %arg13[%swap3A_72, %swap3A_73, %swap3A_74], %broadcast_in_dim3A_70 {strides = array<i32>} : memref<2x64x128xf32, #tpu.memory_space<vmem>>, vector<16xf32>,
      %broadcast_in_dim3A_76 = arith.constant 0.000000e+00 : f32
      %broadcast_in_dim3A_77 = vector.broadcast %broadcast_in_dim3A_76 : f32 to vector<16xf32>
      %swap3A_78 = arith.constant 1 : i32
      %swap3A_79 = arith.index_cast %swap3A_78 : i32 to index
      %swap3A_80 = arith.index_cast %scan3A_41 : i32 to index
      %swap3A_81 = arith.constant 32 : index
      %swap3A_82 = tpu.vector_load %arg13[%swap3A_79, %swap3A_80, %swap3A_81] {strides = array<i32>} : memref<2x64x128xf32, #tpu.memory_space<vmem>>, vector<16xf32>,
      tpu.vector_store %arg13[%swap3A_79, %swap3A_80, %swap3A_81], %broadcast_in_dim3A_77 {strides = array<i32>} : memref<2x64x128xf32, #tpu.memory_space<vmem>>, vector<16xf32>,
      %broadcast_in_dim3A_83 = arith.constant 0.000000e+00 : f32
      %broadcast_in_dim3A_84 = vector.broadcast %broadcast_in_dim3A_83 : f32 to vector<16xf32>
      %swap3A_85 = arith.constant 0 : i32
      %swap3A_86 = arith.index_cast %swap3A_85 : i32 to index
      %swap3A_87 = arith.index_cast %scan3A_41 : i32 to index
      %swap3A_88 = arith.constant 48 : index
      %swap3A_89 = tpu.vector_load %arg13[%swap3A_86, %swap3A_87, %swap3A_88] {strides = array<i32>} : memref<2x64x128xf32, #tpu.memory_space<vmem>>, vector<16xf32>,
      tpu.vector_store %arg13[%swap3A_86, %swap3A_87, %swap3A_88], %broadcast_in_dim3A_84 {strides = array<i32>} : memref<2x64x128xf32, #tpu.memory_space<vmem>>, vector<16xf32>,
      %broadcast_in_dim3A_90 = arith.constant 0.000000e+00 : f32
      %broadcast_in_dim3A_91 = vector.broadcast %broadcast_in_dim3A_90 : f32 to vector<16xf32>
      %swap3A_92 = arith.constant 1 : i32
      %swap3A_93 = arith.index_cast %swap3A_92 : i32 to index
      %swap3A_94 = arith.index_cast %scan3A_41 : i32 to index
      %swap3A_95 = arith.constant 48 : index
      %swap3A_96 = tpu.vector_load %arg13[%swap3A_93, %swap3A_94, %swap3A_95] {strides = array<i32>} : memref<2x64x128xf32, #tpu.memory_space<vmem>>, vector<16xf32>,
      tpu.vector_store %arg13[%swap3A_93, %swap3A_94, %swap3A_95], %broadcast_in_dim3A_91 {strides = array<i32>} : memref<2x64x128xf32, #tpu.memory_space<vmem>>, vector<16xf32>,
      %broadcast_in_dim3A_97 = arith.constant 0.000000e+00 : f32
      %broadcast_in_dim3A_98 = vector.broadcast %broadcast_in_dim3A_97 : f32 to vector<16xf32>
      %swap3A_99 = arith.constant 0 : i32
      %swap3A_100 = arith.index_cast %swap3A_99 : i32 to index
      %swap3A_101 = arith.index_cast %scan3A_41 : i32 to index
      %swap3A_102 = arith.constant 64 : index
      %swap3A_103 = tpu.vector_load %arg13[%swap3A_100, %swap3A_101, %swap3A_102] {strides = array<i32>} : memref<2x64x128xf32, #tpu.memory_space<vmem>>, vector<16xf32>,
      tpu.vector_store %arg13[%swap3A_100, %swap3A_101, %swap3A_102], %broadcast_in_dim3A_98 {strides = array<i32>} : memref<2x64x128xf32, #tpu.memory_space<vmem>>, vector<16xf32>,
      %broadcast_in_dim3A_104 = arith.constant 0.000000e+00 : f32
      %broadcast_in_dim3A_105 = vector.broadcast %broadcast_in_dim3A_104 : f32 to vector<16xf32>
      %swap3A_106 = arith.constant 1 : i32
      %swap3A_107 = arith.index_cast %swap3A_106 : i32 to index
      %swap3A_108 = arith.index_cast %scan3A_41 : i32 to index
      %swap3A_109 = arith.constant 64 : index
      %swap3A_110 = tpu.vector_load %arg13[%swap3A_107, %swap3A_108, %swap3A_109] {strides = array<i32>} : memref<2x64x128xf32, #tpu.memory_space<vmem>>, vector<16xf32>,
      tpu.vector_store %arg13[%swap3A_107, %swap3A_108, %swap3A_109], %broadcast_in_dim3A_105 {strides = array<i32>} : memref<2x64x128xf32, #tpu.memory_space<vmem>>, vector<16xf32>,
      %broadcast_in_dim3A_111 = arith.constant 0.000000e+00 : f32
      %broadcast_in_dim3A_112 = vector.broadcast %broadcast_in_dim3A_111 : f32 to vector<16xf32>
      %swap3A_113 = arith.constant 0 : i32
      %swap3A_114 = arith.index_cast %swap3A_113 : i32 to index
      %swap3A_115 = arith.index_cast %scan3A_41 : i32 to index
      %swap3A_116 = arith.constant 80 : index
      %swap3A_117 = tpu.vector_load %arg13[%swap3A_114, %swap3A_115, %swap3A_116] {strides = array<i32>} : memref<2x64x128xf32, #tpu.memory_space<vmem>>, vector<16xf32>,
      tpu.vector_store %arg13[%swap3A_114, %swap3A_115, %swap3A_116], %broadcast_in_dim3A_112 {strides = array<i32>} : memref<2x64x128xf32, #tpu.memory_space<vmem>>, vector<16xf32>,
      %broadcast_in_dim3A_118 = arith.constant 0.000000e+00 : f32
      %broadcast_in_dim3A_119 = vector.broadcast %broadcast_in_dim3A_118 : f32 to vector<16xf32>
      %swap3A_120 = arith.constant 1 : i32
      %swap3A_121 = arith.index_cast %swap3A_120 : i32 to index
      %swap3A_122 = arith.index_cast %scan3A_41 : i32 to index
      %swap3A_123 = arith.constant 80 : index
      %swap3A_124 = tpu.vector_load %arg13[%swap3A_121, %swap3A_122, %swap3A_123] {strides = array<i32>} : memref<2x64x128xf32, #tpu.memory_space<vmem>>, vector<16xf32>,
      tpu.vector_store %arg13[%swap3A_121, %swap3A_122, %swap3A_123], %broadcast_in_dim3A_119 {strides = array<i32>} : memref<2x64x128xf32, #tpu.memory_space<vmem>>, vector<16xf32>,
      %broadcast_in_dim3A_125 = arith.constant 0.000000e+00 : f32
      %broadcast_in_dim3A_126 = vector.broadcast %broadcast_in_dim3A_125 : f32 to vector<16xf32>
      %swap3A_127 = arith.constant 0 : i32
      %swap3A_128 = arith.index_cast %swap3A_127 : i32 to index
      %swap3A_129 = arith.index_cast %scan3A_41 : i32 to index
      %swap3A_130 = arith.constant 96 : index
      %swap3A_131 = tpu.vector_load %arg13[%swap3A_128, %swap3A_129, %swap3A_130] {strides = array<i32>} : memref<2x64x128xf32, #tpu.memory_space<vmem>>, vector<16xf32>,
      tpu.vector_store %arg13[%swap3A_128, %swap3A_129, %swap3A_130], %broadcast_in_dim3A_126 {strides = array<i32>} : memref<2x64x128xf32, #tpu.memory_space<vmem>>, vector<16xf32>,
      %broadcast_in_dim3A_132 = arith.constant 0.000000e+00 : f32
      %broadcast_in_dim3A_133 = vector.broadcast %broadcast_in_dim3A_132 : f32 to vector<16xf32>
      %swap3A_134 = arith.constant 1 : i32
      %swap3A_135 = arith.index_cast %swap3A_134 : i32 to index
      %swap3A_136 = arith.index_cast %scan3A_41 : i32 to index
      %swap3A_137 = arith.constant 96 : index
      %swap3A_138 = tpu.vector_load %arg13[%swap3A_135, %swap3A_136, %swap3A_137] {strides = array<i32>} : memref<2x64x128xf32, #tpu.memory_space<vmem>>, vector<16xf32>,
      tpu.vector_store %arg13[%swap3A_135, %swap3A_136, %swap3A_137], %broadcast_in_dim3A_133 {strides = array<i32>} : memref<2x64x128xf32, #tpu.memory_space<vmem>>, vector<16xf32>,
      %broadcast_in_dim3A_139 = arith.constant 0.000000e+00 : f32
      %broadcast_in_dim3A_140 = vector.broadcast %broadcast_in_dim3A_139 : f32 to vector<16xf32>
      %swap3A_141 = arith.constant 0 : i32
      %swap3A_142 = arith.index_cast %swap3A_141 : i32 to index
      %swap3A_143 = arith.index_cast %scan3A_41 : i32 to index
      %swap3A_144 = arith.constant 112 : index
      %swap3A_145 = tpu.vector_load %arg13[%swap3A_142, %swap3A_143, %swap3A_144] {strides = array<i32>} : memref<2x64x128xf32, #tpu.memory_space<vmem>>, vector<16xf32>,
      tpu.vector_store %arg13[%swap3A_142, %swap3A_143, %swap3A_144], %broadcast_in_dim3A_140 {strides = array<i32>} : memref<2x64x128xf32, #tpu.memory_space<vmem>>, vector<16xf32>,
      %broadcast_in_dim3A_146 = arith.constant 0.000000e+00 : f32
      %broadcast_in_dim3A_147 = vector.broadcast %broadcast_in_dim3A_146 : f32 to vector<16xf32>
      %swap3A_148 = arith.constant 1 : i32
      %swap3A_149 = arith.index_cast %swap3A_148 : i32 to index
      %swap3A_150 = arith.index_cast %scan3A_41 : i32 to index
      %swap3A_151 = arith.constant 112 : index
      %swap3A_152 = tpu.vector_load %arg13[%swap3A_149, %swap3A_150, %swap3A_151] {strides = array<i32>} : memref<2x64x128xf32, #tpu.memory_space<vmem>>, vector<16xf32>,
      tpu.vector_store %arg13[%swap3A_149, %swap3A_150, %swap3A_151], %broadcast_in_dim3A_147 {strides = array<i32>} : memref<2x64x128xf32, #tpu.memory_space<vmem>>, vector<16xf32>,
      %scan3A_153 = arith.constant 0 : i32
      scf.yield %scan3A_153 : i32
    }
    %scan3A_14 = arith.constant 64 : i32
    %scan3A_15 = arith.constant 0 : i32
    %scan3A_16 = arith.constant 0 : i32
    %scan3A_17 = arith.constant 5 : i32
    %scan3A_18 = arith.addi %scan3A_16, %scan3A_17 : i32
    %scan3A_19 = arith.constant 1 : i32
    %scan3A_20 = scf.for %scan3A_41 = %scan3A_16 to %scan3A_18 step %scan3A_19 iter_args(%scan3A_42 = %scan3A_15) -> (i32)  : i32 {
      %mul3A_43 = arith.constant 16 : i32
      %mul3A_44 = arith.muli %scan3A_41, %mul3A_43 : i32
      %add3A_45 = arith.addi %mul3A_44, %arg1 : i32
      %lt3A = arith.constant 79 : i32
      %lt3A_46 = arith.cmpi slt, %add3A_45, %lt3A : i32
      %convert_element_type3A = arith.extui %lt3A_46 : i1 to i32
      %cond3A = arith.constant 0 : i32
      %cond3A_47 = arith.cmpi ne, %convert_element_type3A, %cond3A : i32
      scf.if %cond3A_47 {
        %mul3A_49 = arith.constant 128 : i32
        %mul3A_50 = arith.muli %add3A_45, %mul3A_49 : i32
        %run_scoped3A = arith.constant 0 : i32
        "tpu.region"() ({
          %run_scoped3A_56 = tpu.sem_alloc : memref<!tpu.dma_semaphore, #tpu.memory_space<semaphore_mem>>
          %dma_start3A = arith.constant 0 : i32
          %dma_start3A_57 = arith.constant 0 : i32
          %dma_start3A_58 = tpu.memref_slice %arg13[%run_scoped3A, %dma_start3A, %dma_start3A_57] : memref<2x64x128xf32, #tpu.memory_space<vmem>> -> memref<1x64x128xf32, #tpu.memory_space<vmem>>
          %dma_start3A_59 = tpu.memref_squeeze %dma_start3A_58 : memref<1x64x128xf32, #tpu.memory_space<vmem>> -> memref<64x128xf32, #tpu.memory_space<vmem>>
          %dma_start3A_60 = arith.constant 0 : i32
          %dma_start3A_61 = tpu.memref_slice %arg19[%mul3A_50, %dma_start3A_60] : memref<10112x128xf32, #tpu.memory_space<vmem_shared>> -> memref<64x128xf32, #tpu.memory_space<vmem_shared>>
          %dma_start3A_62 = arith.constant 0 : i32
          %dma_start3A_63 = tpu.memref_slice %arg19[%mul3A_50, %dma_start3A_62] : memref<10112x128xf32, #tpu.memory_space<vmem_shared>> -> memref<64x128xf32, #tpu.memory_space<vmem_shared>>
          %dma_start3A_64 = arith.constant 0 : i32
          %dma_start3A_65 = arith.constant 0 : i32
          %dma_start3A_66 = tpu.memref_slice %arg13[%run_scoped3A, %dma_start3A_64, %dma_start3A_65] : memref<2x64x128xf32, #tpu.memory_space<vmem>> -> memref<1x64x128xf32, #tpu.memory_space<vmem>>
          %dma_start3A_67 = tpu.memref_squeeze %dma_start3A_66 : memref<1x64x128xf32, #tpu.memory_space<vmem>> -> memref<64x128xf32, #tpu.memory_space<vmem>>
          tpu.enqueue_dma source(%dma_start3A_67 : memref<64x128xf32, #tpu.memory_space<vmem>>) target(%dma_start3A_63 : memref<64x128xf32, #tpu.memory_space<vmem_shared>>) target_semaphore(%run_scoped3A_56 : memref<!tpu.dma_semaphore, #tpu.memory_space<semaphore_mem>>)
          %dma_wait3A = arith.constant 0 : i32
          %dma_wait3A_68 = arith.constant 0 : i32
          %dma_wait3A_69 = tpu.memref_slice %arg13[%run_scoped3A, %dma_wait3A, %dma_wait3A_68] : memref<2x64x128xf32, #tpu.memory_space<vmem>> -> memref<1x64x128xf32, #tpu.memory_space<vmem>>
          %dma_wait3A_70 = tpu.memref_squeeze %dma_wait3A_69 : memref<1x64x128xf32, #tpu.memory_space<vmem>> -> memref<64x128xf32, #tpu.memory_space<vmem>>
          %dma_wait3A_71 = arith.constant 0 : i32
          %dma_wait3A_72 = tpu.memref_slice %arg19[%mul3A_50, %dma_wait3A_71] : memref<10112x128xf32, #tpu.memory_space<vmem_shared>> -> memref<64x128xf32, #tpu.memory_space<vmem_shared>>
          %dma_wait3A_73 = arith.constant 0 : i32
          %dma_wait3A_74 = tpu.memref_slice %arg19[%mul3A_50, %dma_wait3A_73] : memref<10112x128xf32, #tpu.memory_space<vmem_shared>> -> memref<64x128xf32, #tpu.memory_space<vmem_shared>>
          %dma_wait3A_75 = arith.constant 0 : i32
          %dma_wait3A_76 = arith.constant 0 : i32
          %dma_wait3A_77 = tpu.memref_slice %arg13[%run_scoped3A, %dma_wait3A_75, %dma_wait3A_76] : memref<2x64x128xf32, #tpu.memory_space<vmem>> -> memref<1x64x128xf32, #tpu.memory_space<vmem>>
          %dma_wait3A_78 = tpu.memref_squeeze %dma_wait3A_77 : memref<1x64x128xf32, #tpu.memory_space<vmem>> -> memref<64x128xf32, #tpu.memory_space<vmem>>
          tpu.wait_dma2 semaphore(%run_scoped3A_56 : memref<!tpu.dma_semaphore, #tpu.memory_space<semaphore_mem>>) src(%dma_wait3A_78 : memref<64x128xf32, #tpu.memory_space<vmem>>) dst(%dma_wait3A_74 : memref<64x128xf32, #tpu.memory_space<vmem_shared>>)
          tpu.yield
        }) : () -> ()
        %mul3A_51 = arith.constant 128 : i32
        %mul3A_52 = arith.muli %add3A_45, %mul3A_51 : i32
        %add3A_53 = arith.constant 64 : i32
        %add3A_54 = arith.addi %mul3A_52, %add3A_53 : i32
        %run_scoped3A_55 = arith.constant 1 : i32
        "tpu.region"() ({
          %run_scoped3A_56 = tpu.sem_alloc : memref<!tpu.dma_semaphore, #tpu.memory_space<semaphore_mem>>
          %dma_start3A = arith.constant 0 : i32
          %dma_start3A_57 = arith.constant 0 : i32
          %dma_start3A_58 = tpu.memref_slice %arg13[%run_scoped3A_55, %dma_start3A, %dma_start3A_57] : memref<2x64x128xf32, #tpu.memory_space<vmem>> -> memref<1x64x128xf32, #tpu.memory_space<vmem>>
          %dma_start3A_59 = tpu.memref_squeeze %dma_start3A_58 : memref<1x64x128xf32, #tpu.memory_space<vmem>> -> memref<64x128xf32, #tpu.memory_space<vmem>>
          %dma_start3A_60 = arith.constant 0 : i32
          %dma_start3A_61 = tpu.memref_slice %arg19[%add3A_54, %dma_start3A_60] : memref<10112x128xf32, #tpu.memory_space<vmem_shared>> -> memref<64x128xf32, #tpu.memory_space<vmem_shared>>
          %dma_start3A_62 = arith.constant 0 : i32
          %dma_start3A_63 = tpu.memref_slice %arg19[%add3A_54, %dma_start3A_62] : memref<10112x128xf32, #tpu.memory_space<vmem_shared>> -> memref<64x128xf32, #tpu.memory_space<vmem_shared>>
          %dma_start3A_64 = arith.constant 0 : i32
          %dma_start3A_65 = arith.constant 0 : i32
          %dma_start3A_66 = tpu.memref_slice %arg13[%run_scoped3A_55, %dma_start3A_64, %dma_start3A_65] : memref<2x64x128xf32, #tpu.memory_space<vmem>> -> memref<1x64x128xf32, #tpu.memory_space<vmem>>
          %dma_start3A_67 = tpu.memref_squeeze %dma_start3A_66 : memref<1x64x128xf32, #tpu.memory_space<vmem>> -> memref<64x128xf32, #tpu.memory_space<vmem>>
          tpu.enqueue_dma source(%dma_start3A_67 : memref<64x128xf32, #tpu.memory_space<vmem>>) target(%dma_start3A_63 : memref<64x128xf32, #tpu.memory_space<vmem_shared>>) target_semaphore(%run_scoped3A_56 : memref<!tpu.dma_semaphore, #tpu.memory_space<semaphore_mem>>)
          %dma_wait3A = arith.constant 0 : i32
          %dma_wait3A_68 = arith.constant 0 : i32
          %dma_wait3A_69 = tpu.memref_slice %arg13[%run_scoped3A_55, %dma_wait3A, %dma_wait3A_68] : memref<2x64x128xf32, #tpu.memory_space<vmem>> -> memref<1x64x128xf32, #tpu.memory_space<vmem>>
          %dma_wait3A_70 = tpu.memref_squeeze %dma_wait3A_69 : memref<1x64x128xf32, #tpu.memory_space<vmem>> -> memref<64x128xf32, #tpu.memory_space<vmem>>
          %dma_wait3A_71 = arith.constant 0 : i32
          %dma_wait3A_72 = tpu.memref_slice %arg19[%add3A_54, %dma_wait3A_71] : memref<10112x128xf32, #tpu.memory_space<vmem_shared>> -> memref<64x128xf32, #tpu.memory_space<vmem_shared>>
          %dma_wait3A_73 = arith.constant 0 : i32
          %dma_wait3A_74 = tpu.memref_slice %arg19[%add3A_54, %dma_wait3A_73] : memref<10112x128xf32, #tpu.memory_space<vmem_shared>> -> memref<64x128xf32, #tpu.memory_space<vmem_shared>>
          %dma_wait3A_75 = arith.constant 0 : i32
          %dma_wait3A_76 = arith.constant 0 : i32
          %dma_wait3A_77 = tpu.memref_slice %arg13[%run_scoped3A_55, %dma_wait3A_75, %dma_wait3A_76] : memref<2x64x128xf32, #tpu.memory_space<vmem>> -> memref<1x64x128xf32, #tpu.memory_space<vmem>>
          %dma_wait3A_78 = tpu.memref_squeeze %dma_wait3A_77 : memref<1x64x128xf32, #tpu.memory_space<vmem>> -> memref<64x128xf32, #tpu.memory_space<vmem>>
          tpu.wait_dma2 semaphore(%run_scoped3A_56 : memref<!tpu.dma_semaphore, #tpu.memory_space<semaphore_mem>>) src(%dma_wait3A_78 : memref<64x128xf32, #tpu.memory_space<vmem>>) dst(%dma_wait3A_74 : memref<64x128xf32, #tpu.memory_space<vmem_shared>>)
          tpu.yield
        }) : () -> ()
      } else {
      }
      %scan3A_48 = arith.constant 0 : i32
      scf.yield %scan3A_48 : i32
    }
    %scan3A_21 = arith.constant 5 : i32
    %barrier3A = arith.constant 0 : index
    tpu.barrier barrier_id(%barrier3A)
    %while3A = arith.constant 0 : i32
    %while3A_22 = arith.constant 0 : i32
    %while3A_23 = arith.subi %select_n3A_8, %while3A : i32
    %while3A_24 = arith.addi %while3A, %while3A_23 : i32
    %while3A_25 = arith.constant 1 : i32
    %while3A_26 = arith.divsi %while3A_23, %while3A_25 : i32
    %while3A_27 = arith.muli %while3A_26, %while3A_25 : i32
    %while3A_28 = arith.addi %while3A, %while3A_27 : i32
    %while3A_29 = arith.constant 1 : i32
    %while3A_30 = scf.for %while3A_41 = %while3A to %while3A_28 step %while3A_29 iter_args(%while3A_42 = %while3A_22) -> (i32)  : i32 {
      %mul3A_43 = arith.constant 2048 : i32
      %mul3A_44 = arith.muli %while3A_41, %mul3A_43 : i32
      %add3A_45 = arith.addi %select_n3A, %mul3A_44 : i32
      "tpu.region"() ({
        %run_scoped3A = tpu.sem_alloc : memref<!tpu.dma_semaphore, #tpu.memory_space<semaphore_mem>>
        %dma_start3A_110 = tpu.memref_slice %arg2[%add3A_45] : memref<327680xi32, #tpu.memory_space<hbm>> -> memref<2048xi32, #tpu.memory_space<hbm>>
        %dma_start3A_111 = tpu.memref_slice %arg2[%add3A_45] : memref<327680xi32, #tpu.memory_space<hbm>> -> memref<2048xi32, #tpu.memory_space<hbm>>
        tpu.enqueue_dma source(%dma_start3A_111 : memref<2048xi32, #tpu.memory_space<hbm>>) target(%arg8 : memref<2048xi32, #tpu.memory_space<vmem>>) target_semaphore(%run_scoped3A : memref<!tpu.dma_semaphore, #tpu.memory_space<semaphore_mem>>)
        %dma_wait3A_112 = tpu.memref_slice %arg2[%add3A_45] : memref<327680xi32, #tpu.memory_space<hbm>> -> memref<2048xi32, #tpu.memory_space<hbm>>
        %dma_wait3A_113 = tpu.memref_slice %arg2[%add3A_45] : memref<327680xi32, #tpu.memory_space<hbm>> -> memref<2048xi32, #tpu.memory_space<hbm>>
        tpu.wait_dma2 semaphore(%run_scoped3A : memref<!tpu.dma_semaphore, #tpu.memory_space<semaphore_mem>>) src(%dma_wait3A_113 : memref<2048xi32, #tpu.memory_space<hbm>>) dst(%arg8 : memref<2048xi32, #tpu.memory_space<vmem>>)
        tpu.yield
      }) : () -> ()
      "tpu.region"() ({
        %run_scoped3A = tpu.sem_alloc : memref<!tpu.dma_semaphore, #tpu.memory_space<semaphore_mem>>
        %dma_start3A_110 = tpu.memref_slice %arg3[%add3A_45] : memref<327680xi32, #tpu.memory_space<hbm>> -> memref<2048xi32, #tpu.memory_space<hbm>>
        %dma_start3A_111 = tpu.memref_slice %arg3[%add3A_45] : memref<327680xi32, #tpu.memory_space<hbm>> -> memref<2048xi32, #tpu.memory_space<hbm>>
        tpu.enqueue_dma source(%dma_start3A_111 : memref<2048xi32, #tpu.memory_space<hbm>>) target(%arg9 : memref<2048xi32, #tpu.memory_space<vmem>>) target_semaphore(%run_scoped3A : memref<!tpu.dma_semaphore, #tpu.memory_space<semaphore_mem>>)
        %dma_wait3A_112 = tpu.memref_slice %arg3[%add3A_45] : memref<327680xi32, #tpu.memory_space<hbm>> -> memref<2048xi32, #tpu.memory_space<hbm>>
        %dma_wait3A_113 = tpu.memref_slice %arg3[%add3A_45] : memref<327680xi32, #tpu.memory_space<hbm>> -> memref<2048xi32, #tpu.memory_space<hbm>>
        tpu.wait_dma2 semaphore(%run_scoped3A : memref<!tpu.dma_semaphore, #tpu.memory_space<semaphore_mem>>) src(%dma_wait3A_113 : memref<2048xi32, #tpu.memory_space<hbm>>) dst(%arg9 : memref<2048xi32, #tpu.memory_space<vmem>>)
        tpu.yield
      }) : () -> ()
      "tpu.region"() ({
        %run_scoped3A = tpu.sem_alloc : memref<!tpu.dma_semaphore, #tpu.memory_space<semaphore_mem>>
        %dma_start3A_110 = tpu.memref_slice %arg4[%add3A_45] : memref<327680xf32, #tpu.memory_space<hbm>> -> memref<2048xf32, #tpu.memory_space<hbm>>
        %dma_start3A_111 = tpu.memref_slice %arg4[%add3A_45] : memref<327680xf32, #tpu.memory_space<hbm>> -> memref<2048xf32, #tpu.memory_space<hbm>>
        tpu.enqueue_dma source(%dma_start3A_111 : memref<2048xf32, #tpu.memory_space<hbm>>) target(%arg10 : memref<2048xf32, #tpu.memory_space<vmem>>) target_semaphore(%run_scoped3A : memref<!tpu.dma_semaphore, #tpu.memory_space<semaphore_mem>>)
        %dma_wait3A_112 = tpu.memref_slice %arg4[%add3A_45] : memref<327680xf32, #tpu.memory_space<hbm>> -> memref<2048xf32, #tpu.memory_space<hbm>>
        %dma_wait3A_113 = tpu.memref_slice %arg4[%add3A_45] : memref<327680xf32, #tpu.memory_space<hbm>> -> memref<2048xf32, #tpu.memory_space<hbm>>
        tpu.wait_dma2 semaphore(%run_scoped3A : memref<!tpu.dma_semaphore, #tpu.memory_space<semaphore_mem>>) src(%dma_wait3A_113 : memref<2048xf32, #tpu.memory_space<hbm>>) dst(%arg10 : memref<2048xf32, #tpu.memory_space<vmem>>)
        tpu.yield
      }) : () -> ()
      %scan3A_46 = arith.constant 0 : i32
      %scan3A_47 = arith.constant 0 : i32
      %scan3A_48 = arith.constant 4 : i32
      %scan3A_49 = arith.addi %scan3A_47, %scan3A_48 : i32
      %scan3A_50 = arith.constant 1 : i32
      %scan3A_51 = scf.for %scan3A_110 = %scan3A_47 to %scan3A_49 step %scan3A_50 iter_args(%scan3A_111 = %scan3A_46) -> (i32)  : i32 {
        %mul3A_112 = arith.constant 16 : i32
        %mul3A_113 = arith.muli %scan3A_110, %mul3A_112 : i32
        %mul3A_114 = arith.constant 16 : i32
        %mul3A_115 = arith.muli %scan3A_110, %mul3A_114 : i32
        %add3A_116 = arith.constant 0 : i32
        %add3A_117 = arith.addi %add3A_116, %mul3A_115 : i32
        %get3A = arith.index_cast %add3A_117 : i32 to index
        %get3A_118 = tpu.vector_load %arg8[%get3A] {strides = array<i32>} : memref<2048xi32, #tpu.memory_space<vmem>>, vector<16xi32>,
        %swap3A = arith.constant 0 : i32
        %swap3A_119 = arith.index_cast %swap3A : i32 to index
        %swap3A_120 = arith.index_cast %mul3A_113 : i32 to index
        %swap3A_121 = tpu.vector_load %arg11[%swap3A_119, %swap3A_120] {strides = array<i32>} : memref<2x64xi32, #tpu.memory_space<vmem>>, vector<16xi32>,
        tpu.vector_store %arg11[%swap3A_119, %swap3A_120], %get3A_118 {strides = array<i32>} : memref<2x64xi32, #tpu.memory_space<vmem>>, vector<16xi32>,
        %get3A_122 = arith.index_cast %add3A_117 : i32 to index
        %get3A_123 = tpu.vector_load %arg9[%get3A_122] {strides = array<i32>} : memref<2048xi32, #tpu.memory_space<vmem>>, vector<16xi32>,
        %swap3A_124 = arith.constant 0 : i32
        %swap3A_125 = arith.index_cast %swap3A_124 : i32 to index
        %swap3A_126 = arith.index_cast %mul3A_113 : i32 to index
        %swap3A_127 = tpu.vector_load %arg12[%swap3A_125, %swap3A_126] {strides = array<i32>} : memref<2x64xi32, #tpu.memory_space<vmem>>, vector<16xi32>,
        tpu.vector_store %arg12[%swap3A_125, %swap3A_126], %get3A_123 {strides = array<i32>} : memref<2x64xi32, #tpu.memory_space<vmem>>, vector<16xi32>,
        %scan3A_128 = arith.constant 0 : i32
        scf.yield %scan3A_128 : i32
      }
      %scan3A_52 = arith.constant 4 : i32
      %dma_start3A = arith.constant 0 : i32
      %dma_start3A_53 = arith.constant 0 : i32
      %dma_start3A_54 = arith.constant 0 : i32
      %dma_start3A_55 = arith.constant 0 : i32
      %dma_start3A_56 = tpu.memref_slice %arg13[%dma_start3A_53, %dma_start3A_54, %dma_start3A_55] : memref<2x64x128xf32, #tpu.memory_space<vmem>> -> memref<1x64x128xf32, #tpu.memory_space<vmem>>
      %dma_start3A_57 = tpu.memref_squeeze %dma_start3A_56 : memref<1x64x128xf32, #tpu.memory_space<vmem>> -> memref<64x128xf32, #tpu.memory_space<vmem>>
      %dma_start3A_58 = arith.constant 0 : i32
      %dma_start3A_59 = tpu.memref_slice %arg12[%dma_start3A, %dma_start3A_58] : memref<2x64xi32, #tpu.memory_space<vmem>> -> memref<1x64xi32, #tpu.memory_space<vmem>>
      %dma_start3A_60 = tpu.memref_squeeze %dma_start3A_59 : memref<1x64xi32, #tpu.memory_space<vmem>> -> memref<64xi32, #tpu.memory_space<vmem>>
      %dma_start3A_61 = arith.constant 0 : i32
      %dma_start3A_62 = arith.constant 0 : i32
      %dma_start3A_63 = tpu.memref_slice %arg5[%dma_start3A_61, %dma_start3A_62] : memref<10000x128xf32, #tpu.memory_space<hbm>> -> memref<10000x128xf32, #tpu.memory_space<hbm>>
      tpu.enqueue_indirect_dma source(%dma_start3A_63 : memref<10000x128xf32, #tpu.memory_space<hbm>>) target(%dma_start3A_57 : memref<64x128xf32, #tpu.memory_space<vmem>>) offsets(%dma_start3A_60 : memref<64xi32, #tpu.memory_space<vmem>>) semaphore(%arg15 : memref<!tpu.dma_semaphore, #tpu.memory_space<semaphore_mem>>)
      %add3A_64 = arith.constant 0 : i32
      %add3A_65 = arith.addi %add3A_45, %add3A_64 : i32
      %dma_start3A_66 = arith.constant 0 : i32
      %dma_start3A_67 = arith.constant 0 : i32
      %dma_start3A_68 = arith.constant 0 : i32
      %dma_start3A_69 = tpu.memref_slice %arg14[%dma_start3A_66, %dma_start3A_67, %dma_start3A_68] : memref<2x64x128xf32, #tpu.memory_space<vmem>> -> memref<1x64x128xf32, #tpu.memory_space<vmem>>
      %dma_start3A_70 = tpu.memref_squeeze %dma_start3A_69 : memref<1x64x128xf32, #tpu.memory_space<vmem>> -> memref<64x128xf32, #tpu.memory_space<vmem>>
      %dma_start3A_71 = arith.constant 0 : i32
      %dma_start3A_72 = tpu.memref_slice %arg6[%add3A_65, %dma_start3A_71] : memref<327680x128xf32, #tpu.memory_space<hbm>> -> memref<64x128xf32, #tpu.memory_space<hbm>>
      %dma_start3A_73 = arith.constant 0 : i32
      %dma_start3A_74 = arith.constant 0 : i32
      %dma_start3A_75 = tpu.memref_slice %arg14[%dma_start3A_66, %dma_start3A_73, %dma_start3A_74] : memref<2x64x128xf32, #tpu.memory_space<vmem>> -> memref<1x64x128xf32, #tpu.memory_space<vmem>>
      %dma_start3A_76 = tpu.memref_squeeze %dma_start3A_75 : memref<1x64x128xf32, #tpu.memory_space<vmem>> -> memref<64x128xf32, #tpu.memory_space<vmem>>
      %dma_start3A_77 = arith.constant 0 : i32
      %dma_start3A_78 = tpu.memref_slice %arg6[%add3A_65, %dma_start3A_77] : memref<327680x128xf32, #tpu.memory_space<hbm>> -> memref<64x128xf32, #tpu.memory_space<hbm>>
      tpu.enqueue_dma source(%dma_start3A_78 : memref<64x128xf32, #tpu.memory_space<hbm>>) target(%dma_start3A_76 : memref<64x128xf32, #tpu.memory_space<vmem>>) target_semaphore(%arg15 : memref<!tpu.dma_semaphore, #tpu.memory_space<semaphore_mem>>)
      %scan3A_79 = arith.constant 0 : i32
      %scan3A_80 = arith.constant 0 : i32
      %scan3A_81 = arith.constant 16 : i32
      %scan3A_82 = arith.addi %scan3A_80, %scan3A_81 : i32
      %scan3A_83 = arith.constant 1 : i32
      %scan3A_84 = scf.for %scan3A_110 = %scan3A_80 to %scan3A_82 step %scan3A_83 iter_args(%scan3A_111 = %scan3A_79) -> (i32)  : i32 {
        %mul3A_112 = arith.constant 2 : i32
        %mul3A_113 = arith.muli %scan3A_110, %mul3A_112 : i32
        %add3A_114 = arith.constant 0 : i32
        %add3A_115 = arith.addi %mul3A_113, %add3A_114 : i32
        %add3A_116 = arith.constant 1 : i32
        %add3A_117 = arith.addi %add3A_115, %add3A_116 : i32
        %lt3A = arith.constant 32 : i32
        %lt3A_118 = arith.cmpi slt, %add3A_117, %lt3A : i32
        %convert_element_type3A = arith.extui %lt3A_118 : i1 to i32
        %cond3A = arith.constant 0 : i32
        %cond3A_119 = arith.cmpi ne, %convert_element_type3A, %cond3A : i32
        scf.if %cond3A_119 {
          %ge3A = arith.constant 2 : i32
          %ge3A_224 = arith.cmpi sge, %add3A_117, %ge3A : i32
          %convert_element_type3A_225 = arith.extui %ge3A_224 : i1 to i32
          %cond3A_226 = arith.constant 0 : i32
          %cond3A_227 = arith.cmpi ne, %convert_element_type3A_225, %cond3A_226 : i32
          scf.if %cond3A_227 {
            %dma_wait3A_263 = arith.constant 1 : i32
            %dma_wait3A_264 = arith.constant 1 : i32
            %dma_wait3A_265 = arith.constant 0 : i32
            %dma_wait3A_266 = arith.constant 0 : i32
            %dma_wait3A_267 = tpu.memref_slice %arg13[%dma_wait3A_263, %dma_wait3A_265, %dma_wait3A_266] : memref<2x64x128xf32, #tpu.memory_space<vmem>> -> memref<1x64x128xf32, #tpu.memory_space<vmem>>
            %dma_wait3A_268 = tpu.memref_squeeze %dma_wait3A_267 : memref<1x64x128xf32, #tpu.memory_space<vmem>> -> memref<64x128xf32, #tpu.memory_space<vmem>>
            %dma_wait3A_269 = arith.constant 0 : i32
            %dma_wait3A_270 = tpu.memref_slice %arg11[%dma_wait3A_264, %dma_wait3A_269] : memref<2x64xi32, #tpu.memory_space<vmem>> -> memref<1x64xi32, #tpu.memory_space<vmem>>
            %dma_wait3A_271 = tpu.memref_squeeze %dma_wait3A_270 : memref<1x64xi32, #tpu.memory_space<vmem>> -> memref<64xi32, #tpu.memory_space<vmem>>
            %dma_wait3A_272 = arith.constant 0 : i32
            %dma_wait3A_273 = arith.constant 0 : i32
            %dma_wait3A_274 = tpu.memref_slice %arg19[%dma_wait3A_272, %dma_wait3A_273] : memref<10112x128xf32, #tpu.memory_space<vmem_shared>> -> memref<10112x128xf32, #tpu.memory_space<vmem_shared>>
            tpu.wait_indirect_dma semaphore(%arg18 : memref<!tpu.dma_semaphore, #tpu.memory_space<semaphore_mem>>) src(%dma_wait3A_268 : memref<64x128xf32, #tpu.memory_space<vmem>>) dst(%dma_wait3A_274 : memref<10112x128xf32, #tpu.memory_space<vmem_shared>>)
          } else {
          }
          %scan3A_228 = arith.constant 0 : i32
          %scan3A_229 = arith.constant 0 : i32
          %scan3A_230 = arith.constant 4 : i32
          %scan3A_231 = arith.addi %scan3A_229, %scan3A_230 : i32
          %scan3A_232 = arith.constant 1 : i32
          %scan3A_233 = scf.for %scan3A_263 = %scan3A_229 to %scan3A_231 step %scan3A_232 iter_args(%scan3A_264 = %scan3A_228) -> (i32)  : i32 {
            %mul3A_265 = arith.constant 16 : i32
            %mul3A_266 = arith.muli %scan3A_263, %mul3A_265 : i32
            %mul3A_267 = arith.constant 64 : i32
            %mul3A_268 = arith.muli %add3A_117, %mul3A_267 : i32
            %mul3A_269 = arith.constant 16 : i32
            %mul3A_270 = arith.muli %scan3A_263, %mul3A_269 : i32
            %add3A_271 = arith.addi %mul3A_268, %mul3A_270 : i32
            %get3A = arith.index_cast %add3A_271 : i32 to index
            %get3A_272 = tpu.vector_load %arg8[%get3A] {strides = array<i32>} : memref<2048xi32, #tpu.memory_space<vmem>>, vector<16xi32>,
            %swap3A = arith.constant 1 : i32
            %swap3A_273 = arith.index_cast %swap3A : i32 to index
            %swap3A_274 = arith.index_cast %mul3A_266 : i32 to index
            %swap3A_275 = tpu.vector_load %arg11[%swap3A_273, %swap3A_274] {strides = array<i32>} : memref<2x64xi32, #tpu.memory_space<vmem>>, vector<16xi32>,
            tpu.vector_store %arg11[%swap3A_273, %swap3A_274], %get3A_272 {strides = array<i32>} : memref<2x64xi32, #tpu.memory_space<vmem>>, vector<16xi32>,
            %get3A_276 = arith.index_cast %add3A_271 : i32 to index
            %get3A_277 = tpu.vector_load %arg9[%get3A_276] {strides = array<i32>} : memref<2048xi32, #tpu.memory_space<vmem>>, vector<16xi32>,
            %swap3A_278 = arith.constant 1 : i32
            %swap3A_279 = arith.index_cast %swap3A_278 : i32 to index
            %swap3A_280 = arith.index_cast %mul3A_266 : i32 to index
            %swap3A_281 = tpu.vector_load %arg12[%swap3A_279, %swap3A_280] {strides = array<i32>} : memref<2x64xi32, #tpu.memory_space<vmem>>, vector<16xi32>,
            tpu.vector_store %arg12[%swap3A_279, %swap3A_280], %get3A_277 {strides = array<i32>} : memref<2x64xi32, #tpu.memory_space<vmem>>, vector<16xi32>,
            %scan3A_282 = arith.constant 0 : i32
            scf.yield %scan3A_282 : i32
          }
          %scan3A_234 = arith.constant 4 : i32
          %dma_start3A_235 = arith.constant 1 : i32
          %dma_start3A_236 = arith.constant 1 : i32
          %dma_start3A_237 = arith.constant 0 : i32
          %dma_start3A_238 = arith.constant 0 : i32
          %dma_start3A_239 = tpu.memref_slice %arg13[%dma_start3A_236, %dma_start3A_237, %dma_start3A_238] : memref<2x64x128xf32, #tpu.memory_space<vmem>> -> memref<1x64x128xf32, #tpu.memory_space<vmem>>
          %dma_start3A_240 = tpu.memref_squeeze %dma_start3A_239 : memref<1x64x128xf32, #tpu.memory_space<vmem>> -> memref<64x128xf32, #tpu.memory_space<vmem>>
          %dma_start3A_241 = arith.constant 0 : i32
          %dma_start3A_242 = tpu.memref_slice %arg12[%dma_start3A_235, %dma_start3A_241] : memref<2x64xi32, #tpu.memory_space<vmem>> -> memref<1x64xi32, #tpu.memory_space<vmem>>
          %dma_start3A_243 = tpu.memref_squeeze %dma_start3A_242 : memref<1x64xi32, #tpu.memory_space<vmem>> -> memref<64xi32, #tpu.memory_space<vmem>>
          %dma_start3A_244 = arith.constant 0 : i32
          %dma_start3A_245 = arith.constant 0 : i32
          %dma_start3A_246 = tpu.memref_slice %arg5[%dma_start3A_244, %dma_start3A_245] : memref<10000x128xf32, #tpu.memory_space<hbm>> -> memref<10000x128xf32, #tpu.memory_space<hbm>>
          tpu.enqueue_indirect_dma source(%dma_start3A_246 : memref<10000x128xf32, #tpu.memory_space<hbm>>) target(%dma_start3A_240 : memref<64x128xf32, #tpu.memory_space<vmem>>) offsets(%dma_start3A_243 : memref<64xi32, #tpu.memory_space<vmem>>) semaphore(%arg16 : memref<!tpu.dma_semaphore, #tpu.memory_space<semaphore_mem>>)
          %mul3A_247 = arith.constant 64 : i32
          %mul3A_248 = arith.muli %add3A_117, %mul3A_247 : i32
          %add3A_249 = arith.addi %add3A_45, %mul3A_248 : i32
          %dma_start3A_250 = arith.constant 1 : i32
          %dma_start3A_251 = arith.constant 0 : i32
          %dma_start3A_252 = arith.constant 0 : i32
          %dma_start3A_253 = tpu.memref_slice %arg14[%dma_start3A_250, %dma_start3A_251, %dma_start3A_252] : memref<2x64x128xf32, #tpu.memory_space<vmem>> -> memref<1x64x128xf32, #tpu.memory_space<vmem>>
          %dma_start3A_254 = tpu.memref_squeeze %dma_start3A_253 : memref<1x64x128xf32, #tpu.memory_space<vmem>> -> memref<64x128xf32, #tpu.memory_space<vmem>>
          %dma_start3A_255 = arith.constant 0 : i32
          %dma_start3A_256 = tpu.memref_slice %arg6[%add3A_249, %dma_start3A_255] : memref<327680x128xf32, #tpu.memory_space<hbm>> -> memref<64x128xf32, #tpu.memory_space<hbm>>
          %dma_start3A_257 = arith.constant 0 : i32
          %dma_start3A_258 = arith.constant 0 : i32
          %dma_start3A_259 = tpu.memref_slice %arg14[%dma_start3A_250, %dma_start3A_257, %dma_start3A_258] : memref<2x64x128xf32, #tpu.memory_space<vmem>> -> memref<1x64x128xf32, #tpu.memory_space<vmem>>
          %dma_start3A_260 = tpu.memref_squeeze %dma_start3A_259 : memref<1x64x128xf32, #tpu.memory_space<vmem>> -> memref<64x128xf32, #tpu.memory_space<vmem>>
          %dma_start3A_261 = arith.constant 0 : i32
          %dma_start3A_262 = tpu.memref_slice %arg6[%add3A_249, %dma_start3A_261] : memref<327680x128xf32, #tpu.memory_space<hbm>> -> memref<64x128xf32, #tpu.memory_space<hbm>>
          tpu.enqueue_dma source(%dma_start3A_262 : memref<64x128xf32, #tpu.memory_space<hbm>>) target(%dma_start3A_260 : memref<64x128xf32, #tpu.memory_space<vmem>>) target_semaphore(%arg16 : memref<!tpu.dma_semaphore, #tpu.memory_space<semaphore_mem>>)
        } else {
        }
        %dma_wait3A_120 = arith.constant 0 : i32
        %dma_wait3A_121 = arith.constant 0 : i32
        %dma_wait3A_122 = arith.constant 0 : i32
        %dma_wait3A_123 = arith.constant 0 : i32
        %dma_wait3A_124 = tpu.memref_slice %arg13[%dma_wait3A_121, %dma_wait3A_122, %dma_wait3A_123] : memref<2x64x128xf32, #tpu.memory_space<vmem>> -> memref<1x64x128xf32, #tpu.memory_space<vmem>>
        %dma_wait3A_125 = tpu.memref_squeeze %dma_wait3A_124 : memref<1x64x128xf32, #tpu.memory_space<vmem>> -> memref<64x128xf32, #tpu.memory_space<vmem>>
        %dma_wait3A_126 = arith.constant 0 : i32
        %dma_wait3A_127 = tpu.memref_slice %arg12[%dma_wait3A_120, %dma_wait3A_126] : memref<2x64xi32, #tpu.memory_space<vmem>> -> memref<1x64xi32, #tpu.memory_space<vmem>>
        %dma_wait3A_128 = tpu.memref_squeeze %dma_wait3A_127 : memref<1x64xi32, #tpu.memory_space<vmem>> -> memref<64xi32, #tpu.memory_space<vmem>>
        %dma_wait3A_129 = arith.constant 0 : i32
        %dma_wait3A_130 = arith.constant 0 : i32
        %dma_wait3A_131 = tpu.memref_slice %arg5[%dma_wait3A_129, %dma_wait3A_130] : memref<10000x128xf32, #tpu.memory_space<hbm>> -> memref<10000x128xf32, #tpu.memory_space<hbm>>
        tpu.wait_indirect_dma semaphore(%arg15 : memref<!tpu.dma_semaphore, #tpu.memory_space<semaphore_mem>>) src(%dma_wait3A_131 : memref<10000x128xf32, #tpu.memory_space<hbm>>) dst(%dma_wait3A_125 : memref<64x128xf32, #tpu.memory_space<vmem>>)
        %dma_wait3A_132 = arith.constant 0 : i32
        %dma_wait3A_133 = arith.constant 0 : i32
        %dma_wait3A_134 = arith.constant 0 : i32
        %dma_wait3A_135 = tpu.memref_slice %arg14[%dma_wait3A_132, %dma_wait3A_133, %dma_wait3A_134] : memref<2x64x128xf32, #tpu.memory_space<vmem>> -> memref<1x64x128xf32, #tpu.memory_space<vmem>>
        %dma_wait3A_136 = tpu.memref_squeeze %dma_wait3A_135 : memref<1x64x128xf32, #tpu.memory_space<vmem>> -> memref<64x128xf32, #tpu.memory_space<vmem>>
        %dma_wait3A_137 = arith.constant 0 : i32
        %dma_wait3A_138 = arith.constant 0 : i32
        %dma_wait3A_139 = tpu.memref_slice %arg6[%dma_wait3A_137, %dma_wait3A_138] : memref<327680x128xf32, #tpu.memory_space<hbm>> -> memref<64x128xf32, #tpu.memory_space<hbm>>
        %dma_wait3A_140 = arith.constant 0 : i32
        %dma_wait3A_141 = arith.constant 0 : i32
        %dma_wait3A_142 = tpu.memref_slice %arg14[%dma_wait3A_132, %dma_wait3A_140, %dma_wait3A_141] : memref<2x64x128xf32, #tpu.memory_space<vmem>> -> memref<1x64x128xf32, #tpu.memory_space<vmem>>
        %dma_wait3A_143 = tpu.memref_squeeze %dma_wait3A_142 : memref<1x64x128xf32, #tpu.memory_space<vmem>> -> memref<64x128xf32, #tpu.memory_space<vmem>>
        %dma_wait3A_144 = arith.constant 0 : i32
        %dma_wait3A_145 = arith.constant 0 : i32
        %dma_wait3A_146 = tpu.memref_slice %arg6[%dma_wait3A_144, %dma_wait3A_145] : memref<327680x128xf32, #tpu.memory_space<hbm>> -> memref<64x128xf32, #tpu.memory_space<hbm>>
        tpu.wait_dma2 semaphore(%arg15 : memref<!tpu.dma_semaphore, #tpu.memory_space<semaphore_mem>>) src(%dma_wait3A_146 : memref<64x128xf32, #tpu.memory_space<hbm>>) dst(%dma_wait3A_143 : memref<64x128xf32, #tpu.memory_space<vmem>>)
        %scan3A_147 = arith.constant 0 : i32
        %scan3A_148 = arith.constant 0 : i32
        %scan3A_149 = arith.constant 64 : i32
        %scan3A_150 = arith.addi %scan3A_148, %scan3A_149 : i32
        %scan3A_151 = arith.constant 1 : i32
        %scan3A_152 = scf.for %scan3A_224 = %scan3A_148 to %scan3A_150 step %scan3A_151 iter_args(%scan3A_225 = %scan3A_147) -> (i32)  : i32 {
          %broadcast_in_dim3A = arith.constant 0 : i32
          %broadcast_in_dim3A_226 = vector.broadcast %broadcast_in_dim3A : i32 to vector<16xi32>
          %mul3A_227 = arith.constant 64 : i32
          %mul3A_228 = arith.muli %add3A_115, %mul3A_227 : i32
          %add3A_229 = arith.addi %mul3A_228, %scan3A_224 : i32
          %add3A_230 = vector.broadcast %add3A_229 : i32 to vector<16xi32>
          %add3A_231 = arith.addi %broadcast_in_dim3A_226, %add3A_230 : vector<16xi32>
          %gather3A = tpu.vector_load_idx %arg10[%add3A_231] : memref<2048xf32, #tpu.memory_space<vmem>>[vector<16xi32>], vector<16xf32>,
          %get3A = arith.constant 0 : i32
          %get3A_232 = arith.index_cast %get3A : i32 to index
          %get3A_233 = arith.index_cast %scan3A_224 : i32 to index
          %get3A_234 = arith.constant 0 : index
          %get3A_235 = tpu.vector_load %arg13[%get3A_232, %get3A_233, %get3A_234] {strides = array<i32>} : memref<2x64x128xf32, #tpu.memory_space<vmem>>, vector<16xf32>,
          %get3A_236 = arith.constant 0 : i32
          %get3A_237 = arith.index_cast %get3A_236 : i32 to index
          %get3A_238 = arith.index_cast %scan3A_224 : i32 to index
          %get3A_239 = arith.constant 0 : index
          %get3A_240 = tpu.vector_load %arg14[%get3A_237, %get3A_238, %get3A_239] {strides = array<i32>} : memref<2x64x128xf32, #tpu.memory_space<vmem>>, vector<16xf32>,
          %add3A_241 = arith.addf %get3A_235, %get3A_240 : vector<16xf32>
          %mul3A_242 = arith.mulf %add3A_241, %gather3A : vector<16xf32>
          %swap3A = arith.constant 0 : i32
          %swap3A_243 = arith.index_cast %swap3A : i32 to index
          %swap3A_244 = arith.index_cast %scan3A_224 : i32 to index
          %swap3A_245 = arith.constant 0 : index
          %swap3A_246 = tpu.vector_load %arg13[%swap3A_243, %swap3A_244, %swap3A_245] {strides = array<i32>} : memref<2x64x128xf32, #tpu.memory_space<vmem>>, vector<16xf32>,
          tpu.vector_store %arg13[%swap3A_243, %swap3A_244, %swap3A_245], %mul3A_242 {strides = array<i32>} : memref<2x64x128xf32, #tpu.memory_space<vmem>>, vector<16xf32>,
          %get3A_247 = arith.constant 0 : i32
          %get3A_248 = arith.index_cast %get3A_247 : i32 to index
          %get3A_249 = arith.index_cast %scan3A_224 : i32 to index
          %get3A_250 = arith.constant 16 : index
          %get3A_251 = tpu.vector_load %arg13[%get3A_248, %get3A_249, %get3A_250] {strides = array<i32>} : memref<2x64x128xf32, #tpu.memory_space<vmem>>, vector<16xf32>,
          %get3A_252 = arith.constant 0 : i32
          %get3A_253 = arith.index_cast %get3A_252 : i32 to index
          %get3A_254 = arith.index_cast %scan3A_224 : i32 to index
          %get3A_255 = arith.constant 16 : index
          %get3A_256 = tpu.vector_load %arg14[%get3A_253, %get3A_254, %get3A_255] {strides = array<i32>} : memref<2x64x128xf32, #tpu.memory_space<vmem>>, vector<16xf32>,
          %add3A_257 = arith.addf %get3A_251, %get3A_256 : vector<16xf32>
          %mul3A_258 = arith.mulf %add3A_257, %gather3A : vector<16xf32>
          %swap3A_259 = arith.constant 0 : i32
          %swap3A_260 = arith.index_cast %swap3A_259 : i32 to index
          %swap3A_261 = arith.index_cast %scan3A_224 : i32 to index
          %swap3A_262 = arith.constant 16 : index
          %swap3A_263 = tpu.vector_load %arg13[%swap3A_260, %swap3A_261, %swap3A_262] {strides = array<i32>} : memref<2x64x128xf32, #tpu.memory_space<vmem>>, vector<16xf32>,
          tpu.vector_store %arg13[%swap3A_260, %swap3A_261, %swap3A_262], %mul3A_258 {strides = array<i32>} : memref<2x64x128xf32, #tpu.memory_space<vmem>>, vector<16xf32>,
          %get3A_264 = arith.constant 0 : i32
          %get3A_265 = arith.index_cast %get3A_264 : i32 to index
          %get3A_266 = arith.index_cast %scan3A_224 : i32 to index
          %get3A_267 = arith.constant 32 : index
          %get3A_268 = tpu.vector_load %arg13[%get3A_265, %get3A_266, %get3A_267] {strides = array<i32>} : memref<2x64x128xf32, #tpu.memory_space<vmem>>, vector<16xf32>,
          %get3A_269 = arith.constant 0 : i32
          %get3A_270 = arith.index_cast %get3A_269 : i32 to index
          %get3A_271 = arith.index_cast %scan3A_224 : i32 to index
          %get3A_272 = arith.constant 32 : index
          %get3A_273 = tpu.vector_load %arg14[%get3A_270, %get3A_271, %get3A_272] {strides = array<i32>} : memref<2x64x128xf32, #tpu.memory_space<vmem>>, vector<16xf32>,
          %add3A_274 = arith.addf %get3A_268, %get3A_273 : vector<16xf32>
          %mul3A_275 = arith.mulf %add3A_274, %gather3A : vector<16xf32>
          %swap3A_276 = arith.constant 0 : i32
          %swap3A_277 = arith.index_cast %swap3A_276 : i32 to index
          %swap3A_278 = arith.index_cast %scan3A_224 : i32 to index
          %swap3A_279 = arith.constant 32 : index
          %swap3A_280 = tpu.vector_load %arg13[%swap3A_277, %swap3A_278, %swap3A_279] {strides = array<i32>} : memref<2x64x128xf32, #tpu.memory_space<vmem>>, vector<16xf32>,
          tpu.vector_store %arg13[%swap3A_277, %swap3A_278, %swap3A_279], %mul3A_275 {strides = array<i32>} : memref<2x64x128xf32, #tpu.memory_space<vmem>>, vector<16xf32>,
          %get3A_281 = arith.constant 0 : i32
          %get3A_282 = arith.index_cast %get3A_281 : i32 to index
          %get3A_283 = arith.index_cast %scan3A_224 : i32 to index
          %get3A_284 = arith.constant 48 : index
          %get3A_285 = tpu.vector_load %arg13[%get3A_282, %get3A_283, %get3A_284] {strides = array<i32>} : memref<2x64x128xf32, #tpu.memory_space<vmem>>, vector<16xf32>,
          %get3A_286 = arith.constant 0 : i32
          %get3A_287 = arith.index_cast %get3A_286 : i32 to index
          %get3A_288 = arith.index_cast %scan3A_224 : i32 to index
          %get3A_289 = arith.constant 48 : index
          %get3A_290 = tpu.vector_load %arg14[%get3A_287, %get3A_288, %get3A_289] {strides = array<i32>} : memref<2x64x128xf32, #tpu.memory_space<vmem>>, vector<16xf32>,
          %add3A_291 = arith.addf %get3A_285, %get3A_290 : vector<16xf32>
          %mul3A_292 = arith.mulf %add3A_291, %gather3A : vector<16xf32>
          %swap3A_293 = arith.constant 0 : i32
          %swap3A_294 = arith.index_cast %swap3A_293 : i32 to index
          %swap3A_295 = arith.index_cast %scan3A_224 : i32 to index
          %swap3A_296 = arith.constant 48 : index
          %swap3A_297 = tpu.vector_load %arg13[%swap3A_294, %swap3A_295, %swap3A_296] {strides = array<i32>} : memref<2x64x128xf32, #tpu.memory_space<vmem>>, vector<16xf32>,
          tpu.vector_store %arg13[%swap3A_294, %swap3A_295, %swap3A_296], %mul3A_292 {strides = array<i32>} : memref<2x64x128xf32, #tpu.memory_space<vmem>>, vector<16xf32>,
          %get3A_298 = arith.constant 0 : i32
          %get3A_299 = arith.index_cast %get3A_298 : i32 to index
          %get3A_300 = arith.index_cast %scan3A_224 : i32 to index
          %get3A_301 = arith.constant 64 : index
          %get3A_302 = tpu.vector_load %arg13[%get3A_299, %get3A_300, %get3A_301] {strides = array<i32>} : memref<2x64x128xf32, #tpu.memory_space<vmem>>, vector<16xf32>,
          %get3A_303 = arith.constant 0 : i32
          %get3A_304 = arith.index_cast %get3A_303 : i32 to index
          %get3A_305 = arith.index_cast %scan3A_224 : i32 to index
          %get3A_306 = arith.constant 64 : index
          %get3A_307 = tpu.vector_load %arg14[%get3A_304, %get3A_305, %get3A_306] {strides = array<i32>} : memref<2x64x128xf32, #tpu.memory_space<vmem>>, vector<16xf32>,
          %add3A_308 = arith.addf %get3A_302, %get3A_307 : vector<16xf32>
          %mul3A_309 = arith.mulf %add3A_308, %gather3A : vector<16xf32>
          %swap3A_310 = arith.constant 0 : i32
          %swap3A_311 = arith.index_cast %swap3A_310 : i32 to index
          %swap3A_312 = arith.index_cast %scan3A_224 : i32 to index
          %swap3A_313 = arith.constant 64 : index
          %swap3A_314 = tpu.vector_load %arg13[%swap3A_311, %swap3A_312, %swap3A_313] {strides = array<i32>} : memref<2x64x128xf32, #tpu.memory_space<vmem>>, vector<16xf32>,
          tpu.vector_store %arg13[%swap3A_311, %swap3A_312, %swap3A_313], %mul3A_309 {strides = array<i32>} : memref<2x64x128xf32, #tpu.memory_space<vmem>>, vector<16xf32>,
          %get3A_315 = arith.constant 0 : i32
          %get3A_316 = arith.index_cast %get3A_315 : i32 to index
          %get3A_317 = arith.index_cast %scan3A_224 : i32 to index
          %get3A_318 = arith.constant 80 : index
          %get3A_319 = tpu.vector_load %arg13[%get3A_316, %get3A_317, %get3A_318] {strides = array<i32>} : memref<2x64x128xf32, #tpu.memory_space<vmem>>, vector<16xf32>,
          %get3A_320 = arith.constant 0 : i32
          %get3A_321 = arith.index_cast %get3A_320 : i32 to index
          %get3A_322 = arith.index_cast %scan3A_224 : i32 to index
          %get3A_323 = arith.constant 80 : index
          %get3A_324 = tpu.vector_load %arg14[%get3A_321, %get3A_322, %get3A_323] {strides = array<i32>} : memref<2x64x128xf32, #tpu.memory_space<vmem>>, vector<16xf32>,
          %add3A_325 = arith.addf %get3A_319, %get3A_324 : vector<16xf32>
          %mul3A_326 = arith.mulf %add3A_325, %gather3A : vector<16xf32>
          %swap3A_327 = arith.constant 0 : i32
          %swap3A_328 = arith.index_cast %swap3A_327 : i32 to index
          %swap3A_329 = arith.index_cast %scan3A_224 : i32 to index
          %swap3A_330 = arith.constant 80 : index
          %swap3A_331 = tpu.vector_load %arg13[%swap3A_328, %swap3A_329, %swap3A_330] {strides = array<i32>} : memref<2x64x128xf32, #tpu.memory_space<vmem>>, vector<16xf32>,
          tpu.vector_store %arg13[%swap3A_328, %swap3A_329, %swap3A_330], %mul3A_326 {strides = array<i32>} : memref<2x64x128xf32, #tpu.memory_space<vmem>>, vector<16xf32>,
          %get3A_332 = arith.constant 0 : i32
          %get3A_333 = arith.index_cast %get3A_332 : i32 to index
          %get3A_334 = arith.index_cast %scan3A_224 : i32 to index
          %get3A_335 = arith.constant 96 : index
          %get3A_336 = tpu.vector_load %arg13[%get3A_333, %get3A_334, %get3A_335] {strides = array<i32>} : memref<2x64x128xf32, #tpu.memory_space<vmem>>, vector<16xf32>,
          %get3A_337 = arith.constant 0 : i32
          %get3A_338 = arith.index_cast %get3A_337 : i32 to index
          %get3A_339 = arith.index_cast %scan3A_224 : i32 to index
          %get3A_340 = arith.constant 96 : index
          %get3A_341 = tpu.vector_load %arg14[%get3A_338, %get3A_339, %get3A_340] {strides = array<i32>} : memref<2x64x128xf32, #tpu.memory_space<vmem>>, vector<16xf32>,
          %add3A_342 = arith.addf %get3A_336, %get3A_341 : vector<16xf32>
          %mul3A_343 = arith.mulf %add3A_342, %gather3A : vector<16xf32>
          %swap3A_344 = arith.constant 0 : i32
          %swap3A_345 = arith.index_cast %swap3A_344 : i32 to index
          %swap3A_346 = arith.index_cast %scan3A_224 : i32 to index
          %swap3A_347 = arith.constant 96 : index
          %swap3A_348 = tpu.vector_load %arg13[%swap3A_345, %swap3A_346, %swap3A_347] {strides = array<i32>} : memref<2x64x128xf32, #tpu.memory_space<vmem>>, vector<16xf32>,
          tpu.vector_store %arg13[%swap3A_345, %swap3A_346, %swap3A_347], %mul3A_343 {strides = array<i32>} : memref<2x64x128xf32, #tpu.memory_space<vmem>>, vector<16xf32>,
          %get3A_349 = arith.constant 0 : i32
          %get3A_350 = arith.index_cast %get3A_349 : i32 to index
          %get3A_351 = arith.index_cast %scan3A_224 : i32 to index
          %get3A_352 = arith.constant 112 : index
          %get3A_353 = tpu.vector_load %arg13[%get3A_350, %get3A_351, %get3A_352] {strides = array<i32>} : memref<2x64x128xf32, #tpu.memory_space<vmem>>, vector<16xf32>,
          %get3A_354 = arith.constant 0 : i32
          %get3A_355 = arith.index_cast %get3A_354 : i32 to index
          %get3A_356 = arith.index_cast %scan3A_224 : i32 to index
          %get3A_357 = arith.constant 112 : index
          %get3A_358 = tpu.vector_load %arg14[%get3A_355, %get3A_356, %get3A_357] {strides = array<i32>} : memref<2x64x128xf32, #tpu.memory_space<vmem>>, vector<16xf32>,
          %add3A_359 = arith.addf %get3A_353, %get3A_358 : vector<16xf32>
          %mul3A_360 = arith.mulf %add3A_359, %gather3A : vector<16xf32>
          %swap3A_361 = arith.constant 0 : i32
          %swap3A_362 = arith.index_cast %swap3A_361 : i32 to index
          %swap3A_363 = arith.index_cast %scan3A_224 : i32 to index
          %swap3A_364 = arith.constant 112 : index
          %swap3A_365 = tpu.vector_load %arg13[%swap3A_362, %swap3A_363, %swap3A_364] {strides = array<i32>} : memref<2x64x128xf32, #tpu.memory_space<vmem>>, vector<16xf32>,
          tpu.vector_store %arg13[%swap3A_362, %swap3A_363, %swap3A_364], %mul3A_360 {strides = array<i32>} : memref<2x64x128xf32, #tpu.memory_space<vmem>>, vector<16xf32>,
          %scan3A_366 = arith.constant 0 : i32
          scf.yield %scan3A_366 : i32
        }
        %scan3A_153 = arith.constant 64 : i32
        %dma_start3A_154 = arith.constant 0 : i32
        %dma_start3A_155 = arith.constant 0 : i32
        %dma_start3A_156 = arith.constant 0 : i32
        %dma_start3A_157 = arith.constant 0 : i32
        %dma_start3A_158 = tpu.memref_slice %arg13[%dma_start3A_154, %dma_start3A_156, %dma_start3A_157] : memref<2x64x128xf32, #tpu.memory_space<vmem>> -> memref<1x64x128xf32, #tpu.memory_space<vmem>>
        %dma_start3A_159 = tpu.memref_squeeze %dma_start3A_158 : memref<1x64x128xf32, #tpu.memory_space<vmem>> -> memref<64x128xf32, #tpu.memory_space<vmem>>
        %dma_start3A_160 = arith.constant 0 : i32
        %dma_start3A_161 = tpu.memref_slice %arg11[%dma_start3A_155, %dma_start3A_160] : memref<2x64xi32, #tpu.memory_space<vmem>> -> memref<1x64xi32, #tpu.memory_space<vmem>>
        %dma_start3A_162 = tpu.memref_squeeze %dma_start3A_161 : memref<1x64xi32, #tpu.memory_space<vmem>> -> memref<64xi32, #tpu.memory_space<vmem>>
        %dma_start3A_163 = arith.constant 0 : i32
        %dma_start3A_164 = arith.constant 0 : i32
        %dma_start3A_165 = tpu.memref_slice %arg19[%dma_start3A_163, %dma_start3A_164] : memref<10112x128xf32, #tpu.memory_space<vmem_shared>> -> memref<10112x128xf32, #tpu.memory_space<vmem_shared>>
        tpu.enqueue_indirect_dma source(%dma_start3A_159 : memref<64x128xf32, #tpu.memory_space<vmem>>) target(%dma_start3A_165 : memref<10112x128xf32, #tpu.memory_space<vmem_shared>>) offsets(%dma_start3A_162 : memref<64xi32, #tpu.memory_space<vmem>>) semaphore(%arg17 : memref<!tpu.dma_semaphore, #tpu.memory_space<semaphore_mem>>) {add = true}
        %mul3A_166 = arith.constant 2 : i32
        %mul3A_167 = arith.muli %scan3A_110, %mul3A_166 : i32
        %add3A_168 = arith.constant 1 : i32
        %add3A_169 = arith.addi %mul3A_167, %add3A_168 : i32
        %add3A_170 = arith.constant 1 : i32
        %add3A_171 = arith.addi %add3A_169, %add3A_170 : i32
        %lt3A_172 = arith.constant 32 : i32
        %lt3A_173 = arith.cmpi slt, %add3A_171, %lt3A_172 : i32
        %convert_element_type3A_174 = arith.extui %lt3A_173 : i1 to i32
        %cond3A_175 = arith.constant 0 : i32
        %cond3A_176 = arith.cmpi ne, %convert_element_type3A_174, %cond3A_175 : i32
        scf.if %cond3A_176 {
          %ge3A = arith.constant 2 : i32
          %ge3A_224 = arith.cmpi sge, %add3A_171, %ge3A : i32
          %convert_element_type3A_225 = arith.extui %ge3A_224 : i1 to i32
          %cond3A_226 = arith.constant 0 : i32
          %cond3A_227 = arith.cmpi ne, %convert_element_type3A_225, %cond3A_226 : i32
          scf.if %cond3A_227 {
            %dma_wait3A_263 = arith.constant 0 : i32
            %dma_wait3A_264 = arith.constant 0 : i32
            %dma_wait3A_265 = arith.constant 0 : i32
            %dma_wait3A_266 = arith.constant 0 : i32
            %dma_wait3A_267 = tpu.memref_slice %arg13[%dma_wait3A_263, %dma_wait3A_265, %dma_wait3A_266] : memref<2x64x128xf32, #tpu.memory_space<vmem>> -> memref<1x64x128xf32, #tpu.memory_space<vmem>>
            %dma_wait3A_268 = tpu.memref_squeeze %dma_wait3A_267 : memref<1x64x128xf32, #tpu.memory_space<vmem>> -> memref<64x128xf32, #tpu.memory_space<vmem>>
            %dma_wait3A_269 = arith.constant 0 : i32
            %dma_wait3A_270 = tpu.memref_slice %arg11[%dma_wait3A_264, %dma_wait3A_269] : memref<2x64xi32, #tpu.memory_space<vmem>> -> memref<1x64xi32, #tpu.memory_space<vmem>>
            %dma_wait3A_271 = tpu.memref_squeeze %dma_wait3A_270 : memref<1x64xi32, #tpu.memory_space<vmem>> -> memref<64xi32, #tpu.memory_space<vmem>>
            %dma_wait3A_272 = arith.constant 0 : i32
            %dma_wait3A_273 = arith.constant 0 : i32
            %dma_wait3A_274 = tpu.memref_slice %arg19[%dma_wait3A_272, %dma_wait3A_273] : memref<10112x128xf32, #tpu.memory_space<vmem_shared>> -> memref<10112x128xf32, #tpu.memory_space<vmem_shared>>
            tpu.wait_indirect_dma semaphore(%arg17 : memref<!tpu.dma_semaphore, #tpu.memory_space<semaphore_mem>>) src(%dma_wait3A_268 : memref<64x128xf32, #tpu.memory_space<vmem>>) dst(%dma_wait3A_274 : memref<10112x128xf32, #tpu.memory_space<vmem_shared>>)
          } else {
          }
          %scan3A_228 = arith.constant 0 : i32
          %scan3A_229 = arith.constant 0 : i32
          %scan3A_230 = arith.constant 4 : i32
          %scan3A_231 = arith.addi %scan3A_229, %scan3A_230 : i32
          %scan3A_232 = arith.constant 1 : i32
          %scan3A_233 = scf.for %scan3A_263 = %scan3A_229 to %scan3A_231 step %scan3A_232 iter_args(%scan3A_264 = %scan3A_228) -> (i32)  : i32 {
            %mul3A_265 = arith.constant 16 : i32
            %mul3A_266 = arith.muli %scan3A_263, %mul3A_265 : i32
            %mul3A_267 = arith.constant 64 : i32
            %mul3A_268 = arith.muli %add3A_171, %mul3A_267 : i32
            %mul3A_269 = arith.constant 16 : i32
            %mul3A_270 = arith.muli %scan3A_263, %mul3A_269 : i32
            %add3A_271 = arith.addi %mul3A_268, %mul3A_270 : i32
            %get3A = arith.index_cast %add3A_271 : i32 to index
            %get3A_272 = tpu.vector_load %arg8[%get3A] {strides = array<i32>} : memref<2048xi32, #tpu.memory_space<vmem>>, vector<16xi32>,
            %swap3A = arith.constant 0 : i32
            %swap3A_273 = arith.index_cast %swap3A : i32 to index
            %swap3A_274 = arith.index_cast %mul3A_266 : i32 to index
            %swap3A_275 = tpu.vector_load %arg11[%swap3A_273, %swap3A_274] {strides = array<i32>} : memref<2x64xi32, #tpu.memory_space<vmem>>, vector<16xi32>,
            tpu.vector_store %arg11[%swap3A_273, %swap3A_274], %get3A_272 {strides = array<i32>} : memref<2x64xi32, #tpu.memory_space<vmem>>, vector<16xi32>,
            %get3A_276 = arith.index_cast %add3A_271 : i32 to index
            %get3A_277 = tpu.vector_load %arg9[%get3A_276] {strides = array<i32>} : memref<2048xi32, #tpu.memory_space<vmem>>, vector<16xi32>,
            %swap3A_278 = arith.constant 0 : i32
            %swap3A_279 = arith.index_cast %swap3A_278 : i32 to index
            %swap3A_280 = arith.index_cast %mul3A_266 : i32 to index
            %swap3A_281 = tpu.vector_load %arg12[%swap3A_279, %swap3A_280] {strides = array<i32>} : memref<2x64xi32, #tpu.memory_space<vmem>>, vector<16xi32>,
            tpu.vector_store %arg12[%swap3A_279, %swap3A_280], %get3A_277 {strides = array<i32>} : memref<2x64xi32, #tpu.memory_space<vmem>>, vector<16xi32>,
            %scan3A_282 = arith.constant 0 : i32
            scf.yield %scan3A_282 : i32
          }
          %scan3A_234 = arith.constant 4 : i32
          %dma_start3A_235 = arith.constant 0 : i32
          %dma_start3A_236 = arith.constant 0 : i32
          %dma_start3A_237 = arith.constant 0 : i32
          %dma_start3A_238 = arith.constant 0 : i32
          %dma_start3A_239 = tpu.memref_slice %arg13[%dma_start3A_236, %dma_start3A_237, %dma_start3A_238] : memref<2x64x128xf32, #tpu.memory_space<vmem>> -> memref<1x64x128xf32, #tpu.memory_space<vmem>>
          %dma_start3A_240 = tpu.memref_squeeze %dma_start3A_239 : memref<1x64x128xf32, #tpu.memory_space<vmem>> -> memref<64x128xf32, #tpu.memory_space<vmem>>
          %dma_start3A_241 = arith.constant 0 : i32
          %dma_start3A_242 = tpu.memref_slice %arg12[%dma_start3A_235, %dma_start3A_241] : memref<2x64xi32, #tpu.memory_space<vmem>> -> memref<1x64xi32, #tpu.memory_space<vmem>>
          %dma_start3A_243 = tpu.memref_squeeze %dma_start3A_242 : memref<1x64xi32, #tpu.memory_space<vmem>> -> memref<64xi32, #tpu.memory_space<vmem>>
          %dma_start3A_244 = arith.constant 0 : i32
          %dma_start3A_245 = arith.constant 0 : i32
          %dma_start3A_246 = tpu.memref_slice %arg5[%dma_start3A_244, %dma_start3A_245] : memref<10000x128xf32, #tpu.memory_space<hbm>> -> memref<10000x128xf32, #tpu.memory_space<hbm>>
          tpu.enqueue_indirect_dma source(%dma_start3A_246 : memref<10000x128xf32, #tpu.memory_space<hbm>>) target(%dma_start3A_240 : memref<64x128xf32, #tpu.memory_space<vmem>>) offsets(%dma_start3A_243 : memref<64xi32, #tpu.memory_space<vmem>>) semaphore(%arg15 : memref<!tpu.dma_semaphore, #tpu.memory_space<semaphore_mem>>)
          %mul3A_247 = arith.constant 64 : i32
          %mul3A_248 = arith.muli %add3A_171, %mul3A_247 : i32
          %add3A_249 = arith.addi %add3A_45, %mul3A_248 : i32
          %dma_start3A_250 = arith.constant 0 : i32
          %dma_start3A_251 = arith.constant 0 : i32
          %dma_start3A_252 = arith.constant 0 : i32
          %dma_start3A_253 = tpu.memref_slice %arg14[%dma_start3A_250, %dma_start3A_251, %dma_start3A_252] : memref<2x64x128xf32, #tpu.memory_space<vmem>> -> memref<1x64x128xf32, #tpu.memory_space<vmem>>
          %dma_start3A_254 = tpu.memref_squeeze %dma_start3A_253 : memref<1x64x128xf32, #tpu.memory_space<vmem>> -> memref<64x128xf32, #tpu.memory_space<vmem>>
          %dma_start3A_255 = arith.constant 0 : i32
          %dma_start3A_256 = tpu.memref_slice %arg6[%add3A_249, %dma_start3A_255] : memref<327680x128xf32, #tpu.memory_space<hbm>> -> memref<64x128xf32, #tpu.memory_space<hbm>>
          %dma_start3A_257 = arith.constant 0 : i32
          %dma_start3A_258 = arith.constant 0 : i32
          %dma_start3A_259 = tpu.memref_slice %arg14[%dma_start3A_250, %dma_start3A_257, %dma_start3A_258] : memref<2x64x128xf32, #tpu.memory_space<vmem>> -> memref<1x64x128xf32, #tpu.memory_space<vmem>>
          %dma_start3A_260 = tpu.memref_squeeze %dma_start3A_259 : memref<1x64x128xf32, #tpu.memory_space<vmem>> -> memref<64x128xf32, #tpu.memory_space<vmem>>
          %dma_start3A_261 = arith.constant 0 : i32
          %dma_start3A_262 = tpu.memref_slice %arg6[%add3A_249, %dma_start3A_261] : memref<327680x128xf32, #tpu.memory_space<hbm>> -> memref<64x128xf32, #tpu.memory_space<hbm>>
          tpu.enqueue_dma source(%dma_start3A_262 : memref<64x128xf32, #tpu.memory_space<hbm>>) target(%dma_start3A_260 : memref<64x128xf32, #tpu.memory_space<vmem>>) target_semaphore(%arg15 : memref<!tpu.dma_semaphore, #tpu.memory_space<semaphore_mem>>)
        } else {
        }
        %dma_wait3A_177 = arith.constant 1 : i32
        %dma_wait3A_178 = arith.constant 1 : i32
        %dma_wait3A_179 = arith.constant 0 : i32
        %dma_wait3A_180 = arith.constant 0 : i32
        %dma_wait3A_181 = tpu.memref_slice %arg13[%dma_wait3A_178, %dma_wait3A_179, %dma_wait3A_180] : memref<2x64x128xf32, #tpu.memory_space<vmem>> -> memref<1x64x128xf32, #tpu.memory_space<vmem>>
        %dma_wait3A_182 = tpu.memref_squeeze %dma_wait3A_181 : memref<1x64x128xf32, #tpu.memory_space<vmem>> -> memref<64x128xf32, #tpu.memory_space<vmem>>
        %dma_wait3A_183 = arith.constant 0 : i32
        %dma_wait3A_184 = tpu.memref_slice %arg12[%dma_wait3A_177, %dma_wait3A_183] : memref<2x64xi32, #tpu.memory_space<vmem>> -> memref<1x64xi32, #tpu.memory_space<vmem>>
        %dma_wait3A_185 = tpu.memref_squeeze %dma_wait3A_184 : memref<1x64xi32, #tpu.memory_space<vmem>> -> memref<64xi32, #tpu.memory_space<vmem>>
        %dma_wait3A_186 = arith.constant 0 : i32
        %dma_wait3A_187 = arith.constant 0 : i32
        %dma_wait3A_188 = tpu.memref_slice %arg5[%dma_wait3A_186, %dma_wait3A_187] : memref<10000x128xf32, #tpu.memory_space<hbm>> -> memref<10000x128xf32, #tpu.memory_space<hbm>>
        tpu.wait_indirect_dma semaphore(%arg16 : memref<!tpu.dma_semaphore, #tpu.memory_space<semaphore_mem>>) src(%dma_wait3A_188 : memref<10000x128xf32, #tpu.memory_space<hbm>>) dst(%dma_wait3A_182 : memref<64x128xf32, #tpu.memory_space<vmem>>)
        %dma_wait3A_189 = arith.constant 1 : i32
        %dma_wait3A_190 = arith.constant 0 : i32
        %dma_wait3A_191 = arith.constant 0 : i32
        %dma_wait3A_192 = tpu.memref_slice %arg14[%dma_wait3A_189, %dma_wait3A_190, %dma_wait3A_191] : memref<2x64x128xf32, #tpu.memory_space<vmem>> -> memref<1x64x128xf32, #tpu.memory_space<vmem>>
        %dma_wait3A_193 = tpu.memref_squeeze %dma_wait3A_192 : memref<1x64x128xf32, #tpu.memory_space<vmem>> -> memref<64x128xf32, #tpu.memory_space<vmem>>
        %dma_wait3A_194 = arith.constant 0 : i32
        %dma_wait3A_195 = arith.constant 0 : i32
        %dma_wait3A_196 = tpu.memref_slice %arg6[%dma_wait3A_194, %dma_wait3A_195] : memref<327680x128xf32, #tpu.memory_space<hbm>> -> memref<64x128xf32, #tpu.memory_space<hbm>>
        %dma_wait3A_197 = arith.constant 0 : i32
        %dma_wait3A_198 = arith.constant 0 : i32
        %dma_wait3A_199 = tpu.memref_slice %arg14[%dma_wait3A_189, %dma_wait3A_197, %dma_wait3A_198] : memref<2x64x128xf32, #tpu.memory_space<vmem>> -> memref<1x64x128xf32, #tpu.memory_space<vmem>>
        %dma_wait3A_200 = tpu.memref_squeeze %dma_wait3A_199 : memref<1x64x128xf32, #tpu.memory_space<vmem>> -> memref<64x128xf32, #tpu.memory_space<vmem>>
        %dma_wait3A_201 = arith.constant 0 : i32
        %dma_wait3A_202 = arith.constant 0 : i32
        %dma_wait3A_203 = tpu.memref_slice %arg6[%dma_wait3A_201, %dma_wait3A_202] : memref<327680x128xf32, #tpu.memory_space<hbm>> -> memref<64x128xf32, #tpu.memory_space<hbm>>
        tpu.wait_dma2 semaphore(%arg16 : memref<!tpu.dma_semaphore, #tpu.memory_space<semaphore_mem>>) src(%dma_wait3A_203 : memref<64x128xf32, #tpu.memory_space<hbm>>) dst(%dma_wait3A_200 : memref<64x128xf32, #tpu.memory_space<vmem>>)
        %scan3A_204 = arith.constant 0 : i32
        %scan3A_205 = arith.constant 0 : i32
        %scan3A_206 = arith.constant 64 : i32
        %scan3A_207 = arith.addi %scan3A_205, %scan3A_206 : i32
        %scan3A_208 = arith.constant 1 : i32
        %scan3A_209 = scf.for %scan3A_224 = %scan3A_205 to %scan3A_207 step %scan3A_208 iter_args(%scan3A_225 = %scan3A_204) -> (i32)  : i32 {
          %broadcast_in_dim3A = arith.constant 0 : i32
          %broadcast_in_dim3A_226 = vector.broadcast %broadcast_in_dim3A : i32 to vector<16xi32>
          %mul3A_227 = arith.constant 64 : i32
          %mul3A_228 = arith.muli %add3A_169, %mul3A_227 : i32
          %add3A_229 = arith.addi %mul3A_228, %scan3A_224 : i32
          %add3A_230 = vector.broadcast %add3A_229 : i32 to vector<16xi32>
          %add3A_231 = arith.addi %broadcast_in_dim3A_226, %add3A_230 : vector<16xi32>
          %gather3A = tpu.vector_load_idx %arg10[%add3A_231] : memref<2048xf32, #tpu.memory_space<vmem>>[vector<16xi32>], vector<16xf32>,
          %get3A = arith.constant 1 : i32
          %get3A_232 = arith.index_cast %get3A : i32 to index
          %get3A_233 = arith.index_cast %scan3A_224 : i32 to index
          %get3A_234 = arith.constant 0 : index
          %get3A_235 = tpu.vector_load %arg13[%get3A_232, %get3A_233, %get3A_234] {strides = array<i32>} : memref<2x64x128xf32, #tpu.memory_space<vmem>>, vector<16xf32>,
          %get3A_236 = arith.constant 1 : i32
          %get3A_237 = arith.index_cast %get3A_236 : i32 to index
          %get3A_238 = arith.index_cast %scan3A_224 : i32 to index
          %get3A_239 = arith.constant 0 : index
          %get3A_240 = tpu.vector_load %arg14[%get3A_237, %get3A_238, %get3A_239] {strides = array<i32>} : memref<2x64x128xf32, #tpu.memory_space<vmem>>, vector<16xf32>,
          %add3A_241 = arith.addf %get3A_235, %get3A_240 : vector<16xf32>
          %mul3A_242 = arith.mulf %add3A_241, %gather3A : vector<16xf32>
          %swap3A = arith.constant 1 : i32
          %swap3A_243 = arith.index_cast %swap3A : i32 to index
          %swap3A_244 = arith.index_cast %scan3A_224 : i32 to index
          %swap3A_245 = arith.constant 0 : index
          %swap3A_246 = tpu.vector_load %arg13[%swap3A_243, %swap3A_244, %swap3A_245] {strides = array<i32>} : memref<2x64x128xf32, #tpu.memory_space<vmem>>, vector<16xf32>,
          tpu.vector_store %arg13[%swap3A_243, %swap3A_244, %swap3A_245], %mul3A_242 {strides = array<i32>} : memref<2x64x128xf32, #tpu.memory_space<vmem>>, vector<16xf32>,
          %get3A_247 = arith.constant 1 : i32
          %get3A_248 = arith.index_cast %get3A_247 : i32 to index
          %get3A_249 = arith.index_cast %scan3A_224 : i32 to index
          %get3A_250 = arith.constant 16 : index
          %get3A_251 = tpu.vector_load %arg13[%get3A_248, %get3A_249, %get3A_250] {strides = array<i32>} : memref<2x64x128xf32, #tpu.memory_space<vmem>>, vector<16xf32>,
          %get3A_252 = arith.constant 1 : i32
          %get3A_253 = arith.index_cast %get3A_252 : i32 to index
          %get3A_254 = arith.index_cast %scan3A_224 : i32 to index
          %get3A_255 = arith.constant 16 : index
          %get3A_256 = tpu.vector_load %arg14[%get3A_253, %get3A_254, %get3A_255] {strides = array<i32>} : memref<2x64x128xf32, #tpu.memory_space<vmem>>, vector<16xf32>,
          %add3A_257 = arith.addf %get3A_251, %get3A_256 : vector<16xf32>
          %mul3A_258 = arith.mulf %add3A_257, %gather3A : vector<16xf32>
          %swap3A_259 = arith.constant 1 : i32
          %swap3A_260 = arith.index_cast %swap3A_259 : i32 to index
          %swap3A_261 = arith.index_cast %scan3A_224 : i32 to index
          %swap3A_262 = arith.constant 16 : index
          %swap3A_263 = tpu.vector_load %arg13[%swap3A_260, %swap3A_261, %swap3A_262] {strides = array<i32>} : memref<2x64x128xf32, #tpu.memory_space<vmem>>, vector<16xf32>,
          tpu.vector_store %arg13[%swap3A_260, %swap3A_261, %swap3A_262], %mul3A_258 {strides = array<i32>} : memref<2x64x128xf32, #tpu.memory_space<vmem>>, vector<16xf32>,
          %get3A_264 = arith.constant 1 : i32
          %get3A_265 = arith.index_cast %get3A_264 : i32 to index
          %get3A_266 = arith.index_cast %scan3A_224 : i32 to index
          %get3A_267 = arith.constant 32 : index
          %get3A_268 = tpu.vector_load %arg13[%get3A_265, %get3A_266, %get3A_267] {strides = array<i32>} : memref<2x64x128xf32, #tpu.memory_space<vmem>>, vector<16xf32>,
          %get3A_269 = arith.constant 1 : i32
          %get3A_270 = arith.index_cast %get3A_269 : i32 to index
          %get3A_271 = arith.index_cast %scan3A_224 : i32 to index
          %get3A_272 = arith.constant 32 : index
          %get3A_273 = tpu.vector_load %arg14[%get3A_270, %get3A_271, %get3A_272] {strides = array<i32>} : memref<2x64x128xf32, #tpu.memory_space<vmem>>, vector<16xf32>,
          %add3A_274 = arith.addf %get3A_268, %get3A_273 : vector<16xf32>
          %mul3A_275 = arith.mulf %add3A_274, %gather3A : vector<16xf32>
          %swap3A_276 = arith.constant 1 : i32
          %swap3A_277 = arith.index_cast %swap3A_276 : i32 to index
          %swap3A_278 = arith.index_cast %scan3A_224 : i32 to index
          %swap3A_279 = arith.constant 32 : index
          %swap3A_280 = tpu.vector_load %arg13[%swap3A_277, %swap3A_278, %swap3A_279] {strides = array<i32>} : memref<2x64x128xf32, #tpu.memory_space<vmem>>, vector<16xf32>,
          tpu.vector_store %arg13[%swap3A_277, %swap3A_278, %swap3A_279], %mul3A_275 {strides = array<i32>} : memref<2x64x128xf32, #tpu.memory_space<vmem>>, vector<16xf32>,
          %get3A_281 = arith.constant 1 : i32
          %get3A_282 = arith.index_cast %get3A_281 : i32 to index
          %get3A_283 = arith.index_cast %scan3A_224 : i32 to index
          %get3A_284 = arith.constant 48 : index
          %get3A_285 = tpu.vector_load %arg13[%get3A_282, %get3A_283, %get3A_284] {strides = array<i32>} : memref<2x64x128xf32, #tpu.memory_space<vmem>>, vector<16xf32>,
          %get3A_286 = arith.constant 1 : i32
          %get3A_287 = arith.index_cast %get3A_286 : i32 to index
          %get3A_288 = arith.index_cast %scan3A_224 : i32 to index
          %get3A_289 = arith.constant 48 : index
          %get3A_290 = tpu.vector_load %arg14[%get3A_287, %get3A_288, %get3A_289] {strides = array<i32>} : memref<2x64x128xf32, #tpu.memory_space<vmem>>, vector<16xf32>,
          %add3A_291 = arith.addf %get3A_285, %get3A_290 : vector<16xf32>
          %mul3A_292 = arith.mulf %add3A_291, %gather3A : vector<16xf32>
          %swap3A_293 = arith.constant 1 : i32
          %swap3A_294 = arith.index_cast %swap3A_293 : i32 to index
          %swap3A_295 = arith.index_cast %scan3A_224 : i32 to index
          %swap3A_296 = arith.constant 48 : index
          %swap3A_297 = tpu.vector_load %arg13[%swap3A_294, %swap3A_295, %swap3A_296] {strides = array<i32>} : memref<2x64x128xf32, #tpu.memory_space<vmem>>, vector<16xf32>,
          tpu.vector_store %arg13[%swap3A_294, %swap3A_295, %swap3A_296], %mul3A_292 {strides = array<i32>} : memref<2x64x128xf32, #tpu.memory_space<vmem>>, vector<16xf32>,
          %get3A_298 = arith.constant 1 : i32
          %get3A_299 = arith.index_cast %get3A_298 : i32 to index
          %get3A_300 = arith.index_cast %scan3A_224 : i32 to index
          %get3A_301 = arith.constant 64 : index
          %get3A_302 = tpu.vector_load %arg13[%get3A_299, %get3A_300, %get3A_301] {strides = array<i32>} : memref<2x64x128xf32, #tpu.memory_space<vmem>>, vector<16xf32>,
          %get3A_303 = arith.constant 1 : i32
          %get3A_304 = arith.index_cast %get3A_303 : i32 to index
          %get3A_305 = arith.index_cast %scan3A_224 : i32 to index
          %get3A_306 = arith.constant 64 : index
          %get3A_307 = tpu.vector_load %arg14[%get3A_304, %get3A_305, %get3A_306] {strides = array<i32>} : memref<2x64x128xf32, #tpu.memory_space<vmem>>, vector<16xf32>,
          %add3A_308 = arith.addf %get3A_302, %get3A_307 : vector<16xf32>
          %mul3A_309 = arith.mulf %add3A_308, %gather3A : vector<16xf32>
          %swap3A_310 = arith.constant 1 : i32
          %swap3A_311 = arith.index_cast %swap3A_310 : i32 to index
          %swap3A_312 = arith.index_cast %scan3A_224 : i32 to index
          %swap3A_313 = arith.constant 64 : index
          %swap3A_314 = tpu.vector_load %arg13[%swap3A_311, %swap3A_312, %swap3A_313] {strides = array<i32>} : memref<2x64x128xf32, #tpu.memory_space<vmem>>, vector<16xf32>,
          tpu.vector_store %arg13[%swap3A_311, %swap3A_312, %swap3A_313], %mul3A_309 {strides = array<i32>} : memref<2x64x128xf32, #tpu.memory_space<vmem>>, vector<16xf32>,
          %get3A_315 = arith.constant 1 : i32
          %get3A_316 = arith.index_cast %get3A_315 : i32 to index
          %get3A_317 = arith.index_cast %scan3A_224 : i32 to index
          %get3A_318 = arith.constant 80 : index
          %get3A_319 = tpu.vector_load %arg13[%get3A_316, %get3A_317, %get3A_318] {strides = array<i32>} : memref<2x64x128xf32, #tpu.memory_space<vmem>>, vector<16xf32>,
          %get3A_320 = arith.constant 1 : i32
          %get3A_321 = arith.index_cast %get3A_320 : i32 to index
          %get3A_322 = arith.index_cast %scan3A_224 : i32 to index
          %get3A_323 = arith.constant 80 : index
          %get3A_324 = tpu.vector_load %arg14[%get3A_321, %get3A_322, %get3A_323] {strides = array<i32>} : memref<2x64x128xf32, #tpu.memory_space<vmem>>, vector<16xf32>,
          %add3A_325 = arith.addf %get3A_319, %get3A_324 : vector<16xf32>
          %mul3A_326 = arith.mulf %add3A_325, %gather3A : vector<16xf32>
          %swap3A_327 = arith.constant 1 : i32
          %swap3A_328 = arith.index_cast %swap3A_327 : i32 to index
          %swap3A_329 = arith.index_cast %scan3A_224 : i32 to index
          %swap3A_330 = arith.constant 80 : index
          %swap3A_331 = tpu.vector_load %arg13[%swap3A_328, %swap3A_329, %swap3A_330] {strides = array<i32>} : memref<2x64x128xf32, #tpu.memory_space<vmem>>, vector<16xf32>,
          tpu.vector_store %arg13[%swap3A_328, %swap3A_329, %swap3A_330], %mul3A_326 {strides = array<i32>} : memref<2x64x128xf32, #tpu.memory_space<vmem>>, vector<16xf32>,
          %get3A_332 = arith.constant 1 : i32
          %get3A_333 = arith.index_cast %get3A_332 : i32 to index
          %get3A_334 = arith.index_cast %scan3A_224 : i32 to index
          %get3A_335 = arith.constant 96 : index
          %get3A_336 = tpu.vector_load %arg13[%get3A_333, %get3A_334, %get3A_335] {strides = array<i32>} : memref<2x64x128xf32, #tpu.memory_space<vmem>>, vector<16xf32>,
          %get3A_337 = arith.constant 1 : i32
          %get3A_338 = arith.index_cast %get3A_337 : i32 to index
          %get3A_339 = arith.index_cast %scan3A_224 : i32 to index
          %get3A_340 = arith.constant 96 : index
          %get3A_341 = tpu.vector_load %arg14[%get3A_338, %get3A_339, %get3A_340] {strides = array<i32>} : memref<2x64x128xf32, #tpu.memory_space<vmem>>, vector<16xf32>,
          %add3A_342 = arith.addf %get3A_336, %get3A_341 : vector<16xf32>
          %mul3A_343 = arith.mulf %add3A_342, %gather3A : vector<16xf32>
          %swap3A_344 = arith.constant 1 : i32
          %swap3A_345 = arith.index_cast %swap3A_344 : i32 to index
          %swap3A_346 = arith.index_cast %scan3A_224 : i32 to index
          %swap3A_347 = arith.constant 96 : index
          %swap3A_348 = tpu.vector_load %arg13[%swap3A_345, %swap3A_346, %swap3A_347] {strides = array<i32>} : memref<2x64x128xf32, #tpu.memory_space<vmem>>, vector<16xf32>,
          tpu.vector_store %arg13[%swap3A_345, %swap3A_346, %swap3A_347], %mul3A_343 {strides = array<i32>} : memref<2x64x128xf32, #tpu.memory_space<vmem>>, vector<16xf32>,
          %get3A_349 = arith.constant 1 : i32
          %get3A_350 = arith.index_cast %get3A_349 : i32 to index
          %get3A_351 = arith.index_cast %scan3A_224 : i32 to index
          %get3A_352 = arith.constant 112 : index
          %get3A_353 = tpu.vector_load %arg13[%get3A_350, %get3A_351, %get3A_352] {strides = array<i32>} : memref<2x64x128xf32, #tpu.memory_space<vmem>>, vector<16xf32>,
          %get3A_354 = arith.constant 1 : i32
          %get3A_355 = arith.index_cast %get3A_354 : i32 to index
          %get3A_356 = arith.index_cast %scan3A_224 : i32 to index
          %get3A_357 = arith.constant 112 : index
          %get3A_358 = tpu.vector_load %arg14[%get3A_355, %get3A_356, %get3A_357] {strides = array<i32>} : memref<2x64x128xf32, #tpu.memory_space<vmem>>, vector<16xf32>,
          %add3A_359 = arith.addf %get3A_353, %get3A_358 : vector<16xf32>
          %mul3A_360 = arith.mulf %add3A_359, %gather3A : vector<16xf32>
          %swap3A_361 = arith.constant 1 : i32
          %swap3A_362 = arith.index_cast %swap3A_361 : i32 to index
          %swap3A_363 = arith.index_cast %scan3A_224 : i32 to index
          %swap3A_364 = arith.constant 112 : index
          %swap3A_365 = tpu.vector_load %arg13[%swap3A_362, %swap3A_363, %swap3A_364] {strides = array<i32>} : memref<2x64x128xf32, #tpu.memory_space<vmem>>, vector<16xf32>,
          tpu.vector_store %arg13[%swap3A_362, %swap3A_363, %swap3A_364], %mul3A_360 {strides = array<i32>} : memref<2x64x128xf32, #tpu.memory_space<vmem>>, vector<16xf32>,
          %scan3A_366 = arith.constant 0 : i32
          scf.yield %scan3A_366 : i32
        }
        %scan3A_210 = arith.constant 64 : i32
        %dma_start3A_211 = arith.constant 1 : i32
        %dma_start3A_212 = arith.constant 1 : i32
        %dma_start3A_213 = arith.constant 0 : i32
        %dma_start3A_214 = arith.constant 0 : i32
        %dma_start3A_215 = tpu.memref_slice %arg13[%dma_start3A_211, %dma_start3A_213, %dma_start3A_214] : memref<2x64x128xf32, #tpu.memory_space<vmem>> -> memref<1x64x128xf32, #tpu.memory_space<vmem>>
        %dma_start3A_216 = tpu.memref_squeeze %dma_start3A_215 : memref<1x64x128xf32, #tpu.memory_space<vmem>> -> memref<64x128xf32, #tpu.memory_space<vmem>>
        %dma_start3A_217 = arith.constant 0 : i32
        %dma_start3A_218 = tpu.memref_slice %arg11[%dma_start3A_212, %dma_start3A_217] : memref<2x64xi32, #tpu.memory_space<vmem>> -> memref<1x64xi32, #tpu.memory_space<vmem>>
        %dma_start3A_219 = tpu.memref_squeeze %dma_start3A_218 : memref<1x64xi32, #tpu.memory_space<vmem>> -> memref<64xi32, #tpu.memory_space<vmem>>
        %dma_start3A_220 = arith.constant 0 : i32
        %dma_start3A_221 = arith.constant 0 : i32
        %dma_start3A_222 = tpu.memref_slice %arg19[%dma_start3A_220, %dma_start3A_221] : memref<10112x128xf32, #tpu.memory_space<vmem_shared>> -> memref<10112x128xf32, #tpu.memory_space<vmem_shared>>
        tpu.enqueue_indirect_dma source(%dma_start3A_216 : memref<64x128xf32, #tpu.memory_space<vmem>>) target(%dma_start3A_222 : memref<10112x128xf32, #tpu.memory_space<vmem_shared>>) offsets(%dma_start3A_219 : memref<64xi32, #tpu.memory_space<vmem>>) semaphore(%arg18 : memref<!tpu.dma_semaphore, #tpu.memory_space<semaphore_mem>>) {add = true}
        %scan3A_223 = arith.constant 0 : i32
        scf.yield %scan3A_223 : i32
      }
      %scan3A_85 = arith.constant 16 : i32
      %dma_wait3A = arith.constant 0 : i32
      %dma_wait3A_86 = arith.constant 0 : i32
      %dma_wait3A_87 = arith.constant 0 : i32
      %dma_wait3A_88 = arith.constant 0 : i32
      %dma_wait3A_89 = tpu.memref_slice %arg13[%dma_wait3A, %dma_wait3A_87, %dma_wait3A_88] : memref<2x64x128xf32, #tpu.memory_space<vmem>> -> memref<1x64x128xf32, #tpu.memory_space<vmem>>
      %dma_wait3A_90 = tpu.memref_squeeze %dma_wait3A_89 : memref<1x64x128xf32, #tpu.memory_space<vmem>> -> memref<64x128xf32, #tpu.memory_space<vmem>>
      %dma_wait3A_91 = arith.constant 0 : i32
      %dma_wait3A_92 = tpu.memref_slice %arg11[%dma_wait3A_86, %dma_wait3A_91] : memref<2x64xi32, #tpu.memory_space<vmem>> -> memref<1x64xi32, #tpu.memory_space<vmem>>
      %dma_wait3A_93 = tpu.memref_squeeze %dma_wait3A_92 : memref<1x64xi32, #tpu.memory_space<vmem>> -> memref<64xi32, #tpu.memory_space<vmem>>
      %dma_wait3A_94 = arith.constant 0 : i32
      %dma_wait3A_95 = arith.constant 0 : i32
      %dma_wait3A_96 = tpu.memref_slice %arg19[%dma_wait3A_94, %dma_wait3A_95] : memref<10112x128xf32, #tpu.memory_space<vmem_shared>> -> memref<10112x128xf32, #tpu.memory_space<vmem_shared>>
      tpu.wait_indirect_dma semaphore(%arg17 : memref<!tpu.dma_semaphore, #tpu.memory_space<semaphore_mem>>) src(%dma_wait3A_90 : memref<64x128xf32, #tpu.memory_space<vmem>>) dst(%dma_wait3A_96 : memref<10112x128xf32, #tpu.memory_space<vmem_shared>>)
      %dma_wait3A_97 = arith.constant 1 : i32
      %dma_wait3A_98 = arith.constant 1 : i32
      %dma_wait3A_99 = arith.constant 0 : i32
      %dma_wait3A_100 = arith.constant 0 : i32
      %dma_wait3A_101 = tpu.memref_slice %arg13[%dma_wait3A_97, %dma_wait3A_99, %dma_wait3A_100] : memref<2x64x128xf32, #tpu.memory_space<vmem>> -> memref<1x64x128xf32, #tpu.memory_space<vmem>>
      %dma_wait3A_102 = tpu.memref_squeeze %dma_wait3A_101 : memref<1x64x128xf32, #tpu.memory_space<vmem>> -> memref<64x128xf32, #tpu.memory_space<vmem>>
      %dma_wait3A_103 = arith.constant 0 : i32
      %dma_wait3A_104 = tpu.memref_slice %arg11[%dma_wait3A_98, %dma_wait3A_103] : memref<2x64xi32, #tpu.memory_space<vmem>> -> memref<1x64xi32, #tpu.memory_space<vmem>>
      %dma_wait3A_105 = tpu.memref_squeeze %dma_wait3A_104 : memref<1x64xi32, #tpu.memory_space<vmem>> -> memref<64xi32, #tpu.memory_space<vmem>>
      %dma_wait3A_106 = arith.constant 0 : i32
      %dma_wait3A_107 = arith.constant 0 : i32
      %dma_wait3A_108 = tpu.memref_slice %arg19[%dma_wait3A_106, %dma_wait3A_107] : memref<10112x128xf32, #tpu.memory_space<vmem_shared>> -> memref<10112x128xf32, #tpu.memory_space<vmem_shared>>
      tpu.wait_indirect_dma semaphore(%arg18 : memref<!tpu.dma_semaphore, #tpu.memory_space<semaphore_mem>>) src(%dma_wait3A_102 : memref<64x128xf32, #tpu.memory_space<vmem>>) dst(%dma_wait3A_108 : memref<10112x128xf32, #tpu.memory_space<vmem_shared>>)
      %while3A_109 = arith.constant 0 : i32
      scf.yield %while3A_109 : i32
    }
    %while3A_31 = arith.constant 1 : i32
    %while3A_32 = scf.for %while3A_41 = %while3A_28 to %while3A_24 step %while3A_31 iter_args(%while3A_42 = %while3A_30) -> (i32)  : i32 {
      %mul3A_43 = arith.constant 2048 : i32
      %mul3A_44 = arith.muli %while3A_41, %mul3A_43 : i32
      %add3A_45 = arith.addi %select_n3A, %mul3A_44 : i32
      "tpu.region"() ({
        %run_scoped3A = tpu.sem_alloc : memref<!tpu.dma_semaphore, #tpu.memory_space<semaphore_mem>>
        %dma_start3A_110 = tpu.memref_slice %arg2[%add3A_45] : memref<327680xi32, #tpu.memory_space<hbm>> -> memref<2048xi32, #tpu.memory_space<hbm>>
        %dma_start3A_111 = tpu.memref_slice %arg2[%add3A_45] : memref<327680xi32, #tpu.memory_space<hbm>> -> memref<2048xi32, #tpu.memory_space<hbm>>
        tpu.enqueue_dma source(%dma_start3A_111 : memref<2048xi32, #tpu.memory_space<hbm>>) target(%arg8 : memref<2048xi32, #tpu.memory_space<vmem>>) target_semaphore(%run_scoped3A : memref<!tpu.dma_semaphore, #tpu.memory_space<semaphore_mem>>)
        %dma_wait3A_112 = tpu.memref_slice %arg2[%add3A_45] : memref<327680xi32, #tpu.memory_space<hbm>> -> memref<2048xi32, #tpu.memory_space<hbm>>
        %dma_wait3A_113 = tpu.memref_slice %arg2[%add3A_45] : memref<327680xi32, #tpu.memory_space<hbm>> -> memref<2048xi32, #tpu.memory_space<hbm>>
        tpu.wait_dma2 semaphore(%run_scoped3A : memref<!tpu.dma_semaphore, #tpu.memory_space<semaphore_mem>>) src(%dma_wait3A_113 : memref<2048xi32, #tpu.memory_space<hbm>>) dst(%arg8 : memref<2048xi32, #tpu.memory_space<vmem>>)
        tpu.yield
      }) : () -> ()
      "tpu.region"() ({
        %run_scoped3A = tpu.sem_alloc : memref<!tpu.dma_semaphore, #tpu.memory_space<semaphore_mem>>
        %dma_start3A_110 = tpu.memref_slice %arg3[%add3A_45] : memref<327680xi32, #tpu.memory_space<hbm>> -> memref<2048xi32, #tpu.memory_space<hbm>>
        %dma_start3A_111 = tpu.memref_slice %arg3[%add3A_45] : memref<327680xi32, #tpu.memory_space<hbm>> -> memref<2048xi32, #tpu.memory_space<hbm>>
        tpu.enqueue_dma source(%dma_start3A_111 : memref<2048xi32, #tpu.memory_space<hbm>>) target(%arg9 : memref<2048xi32, #tpu.memory_space<vmem>>) target_semaphore(%run_scoped3A : memref<!tpu.dma_semaphore, #tpu.memory_space<semaphore_mem>>)
        %dma_wait3A_112 = tpu.memref_slice %arg3[%add3A_45] : memref<327680xi32, #tpu.memory_space<hbm>> -> memref<2048xi32, #tpu.memory_space<hbm>>
        %dma_wait3A_113 = tpu.memref_slice %arg3[%add3A_45] : memref<327680xi32, #tpu.memory_space<hbm>> -> memref<2048xi32, #tpu.memory_space<hbm>>
        tpu.wait_dma2 semaphore(%run_scoped3A : memref<!tpu.dma_semaphore, #tpu.memory_space<semaphore_mem>>) src(%dma_wait3A_113 : memref<2048xi32, #tpu.memory_space<hbm>>) dst(%arg9 : memref<2048xi32, #tpu.memory_space<vmem>>)
        tpu.yield
      }) : () -> ()
      "tpu.region"() ({
        %run_scoped3A = tpu.sem_alloc : memref<!tpu.dma_semaphore, #tpu.memory_space<semaphore_mem>>
        %dma_start3A_110 = tpu.memref_slice %arg4[%add3A_45] : memref<327680xf32, #tpu.memory_space<hbm>> -> memref<2048xf32, #tpu.memory_space<hbm>>
        %dma_start3A_111 = tpu.memref_slice %arg4[%add3A_45] : memref<327680xf32, #tpu.memory_space<hbm>> -> memref<2048xf32, #tpu.memory_space<hbm>>
        tpu.enqueue_dma source(%dma_start3A_111 : memref<2048xf32, #tpu.memory_space<hbm>>) target(%arg10 : memref<2048xf32, #tpu.memory_space<vmem>>) target_semaphore(%run_scoped3A : memref<!tpu.dma_semaphore, #tpu.memory_space<semaphore_mem>>)
        %dma_wait3A_112 = tpu.memref_slice %arg4[%add3A_45] : memref<327680xf32, #tpu.memory_space<hbm>> -> memref<2048xf32, #tpu.memory_space<hbm>>
        %dma_wait3A_113 = tpu.memref_slice %arg4[%add3A_45] : memref<327680xf32, #tpu.memory_space<hbm>> -> memref<2048xf32, #tpu.memory_space<hbm>>
        tpu.wait_dma2 semaphore(%run_scoped3A : memref<!tpu.dma_semaphore, #tpu.memory_space<semaphore_mem>>) src(%dma_wait3A_113 : memref<2048xf32, #tpu.memory_space<hbm>>) dst(%arg10 : memref<2048xf32, #tpu.memory_space<vmem>>)
        tpu.yield
      }) : () -> ()
      %scan3A_46 = arith.constant 0 : i32
      %scan3A_47 = arith.constant 0 : i32
      %scan3A_48 = arith.constant 4 : i32
      %scan3A_49 = arith.addi %scan3A_47, %scan3A_48 : i32
      %scan3A_50 = arith.constant 1 : i32
      %scan3A_51 = scf.for %scan3A_110 = %scan3A_47 to %scan3A_49 step %scan3A_50 iter_args(%scan3A_111 = %scan3A_46) -> (i32)  : i32 {
        %mul3A_112 = arith.constant 16 : i32
        %mul3A_113 = arith.muli %scan3A_110, %mul3A_112 : i32
        %mul3A_114 = arith.constant 16 : i32
        %mul3A_115 = arith.muli %scan3A_110, %mul3A_114 : i32
        %add3A_116 = arith.constant 0 : i32
        %add3A_117 = arith.addi %add3A_116, %mul3A_115 : i32
        %get3A = arith.index_cast %add3A_117 : i32 to index
        %get3A_118 = tpu.vector_load %arg8[%get3A] {strides = array<i32>} : memref<2048xi32, #tpu.memory_space<vmem>>, vector<16xi32>,
        %swap3A = arith.constant 0 : i32
        %swap3A_119 = arith.index_cast %swap3A : i32 to index
        %swap3A_120 = arith.index_cast %mul3A_113 : i32 to index
        %swap3A_121 = tpu.vector_load %arg11[%swap3A_119, %swap3A_120] {strides = array<i32>} : memref<2x64xi32, #tpu.memory_space<vmem>>, vector<16xi32>,
        tpu.vector_store %arg11[%swap3A_119, %swap3A_120], %get3A_118 {strides = array<i32>} : memref<2x64xi32, #tpu.memory_space<vmem>>, vector<16xi32>,
        %get3A_122 = arith.index_cast %add3A_117 : i32 to index
        %get3A_123 = tpu.vector_load %arg9[%get3A_122] {strides = array<i32>} : memref<2048xi32, #tpu.memory_space<vmem>>, vector<16xi32>,
        %swap3A_124 = arith.constant 0 : i32
        %swap3A_125 = arith.index_cast %swap3A_124 : i32 to index
        %swap3A_126 = arith.index_cast %mul3A_113 : i32 to index
        %swap3A_127 = tpu.vector_load %arg12[%swap3A_125, %swap3A_126] {strides = array<i32>} : memref<2x64xi32, #tpu.memory_space<vmem>>, vector<16xi32>,
        tpu.vector_store %arg12[%swap3A_125, %swap3A_126], %get3A_123 {strides = array<i32>} : memref<2x64xi32, #tpu.memory_space<vmem>>, vector<16xi32>,
        %scan3A_128 = arith.constant 0 : i32
        scf.yield %scan3A_128 : i32
      }
      %scan3A_52 = arith.constant 4 : i32
      %dma_start3A = arith.constant 0 : i32
      %dma_start3A_53 = arith.constant 0 : i32
      %dma_start3A_54 = arith.constant 0 : i32
      %dma_start3A_55 = arith.constant 0 : i32
      %dma_start3A_56 = tpu.memref_slice %arg13[%dma_start3A_53, %dma_start3A_54, %dma_start3A_55] : memref<2x64x128xf32, #tpu.memory_space<vmem>> -> memref<1x64x128xf32, #tpu.memory_space<vmem>>
      %dma_start3A_57 = tpu.memref_squeeze %dma_start3A_56 : memref<1x64x128xf32, #tpu.memory_space<vmem>> -> memref<64x128xf32, #tpu.memory_space<vmem>>
      %dma_start3A_58 = arith.constant 0 : i32
      %dma_start3A_59 = tpu.memref_slice %arg12[%dma_start3A, %dma_start3A_58] : memref<2x64xi32, #tpu.memory_space<vmem>> -> memref<1x64xi32, #tpu.memory_space<vmem>>
      %dma_start3A_60 = tpu.memref_squeeze %dma_start3A_59 : memref<1x64xi32, #tpu.memory_space<vmem>> -> memref<64xi32, #tpu.memory_space<vmem>>
      %dma_start3A_61 = arith.constant 0 : i32
      %dma_start3A_62 = arith.constant 0 : i32
      %dma_start3A_63 = tpu.memref_slice %arg5[%dma_start3A_61, %dma_start3A_62] : memref<10000x128xf32, #tpu.memory_space<hbm>> -> memref<10000x128xf32, #tpu.memory_space<hbm>>
      tpu.enqueue_indirect_dma source(%dma_start3A_63 : memref<10000x128xf32, #tpu.memory_space<hbm>>) target(%dma_start3A_57 : memref<64x128xf32, #tpu.memory_space<vmem>>) offsets(%dma_start3A_60 : memref<64xi32, #tpu.memory_space<vmem>>) semaphore(%arg15 : memref<!tpu.dma_semaphore, #tpu.memory_space<semaphore_mem>>)
      %add3A_64 = arith.constant 0 : i32
      %add3A_65 = arith.addi %add3A_45, %add3A_64 : i32
      %dma_start3A_66 = arith.constant 0 : i32
      %dma_start3A_67 = arith.constant 0 : i32
      %dma_start3A_68 = arith.constant 0 : i32
      %dma_start3A_69 = tpu.memref_slice %arg14[%dma_start3A_66, %dma_start3A_67, %dma_start3A_68] : memref<2x64x128xf32, #tpu.memory_space<vmem>> -> memref<1x64x128xf32, #tpu.memory_space<vmem>>
      %dma_start3A_70 = tpu.memref_squeeze %dma_start3A_69 : memref<1x64x128xf32, #tpu.memory_space<vmem>> -> memref<64x128xf32, #tpu.memory_space<vmem>>
      %dma_start3A_71 = arith.constant 0 : i32
      %dma_start3A_72 = tpu.memref_slice %arg6[%add3A_65, %dma_start3A_71] : memref<327680x128xf32, #tpu.memory_space<hbm>> -> memref<64x128xf32, #tpu.memory_space<hbm>>
      %dma_start3A_73 = arith.constant 0 : i32
      %dma_start3A_74 = arith.constant 0 : i32
      %dma_start3A_75 = tpu.memref_slice %arg14[%dma_start3A_66, %dma_start3A_73, %dma_start3A_74] : memref<2x64x128xf32, #tpu.memory_space<vmem>> -> memref<1x64x128xf32, #tpu.memory_space<vmem>>
      %dma_start3A_76 = tpu.memref_squeeze %dma_start3A_75 : memref<1x64x128xf32, #tpu.memory_space<vmem>> -> memref<64x128xf32, #tpu.memory_space<vmem>>
      %dma_start3A_77 = arith.constant 0 : i32
      %dma_start3A_78 = tpu.memref_slice %arg6[%add3A_65, %dma_start3A_77] : memref<327680x128xf32, #tpu.memory_space<hbm>> -> memref<64x128xf32, #tpu.memory_space<hbm>>
      tpu.enqueue_dma source(%dma_start3A_78 : memref<64x128xf32, #tpu.memory_space<hbm>>) target(%dma_start3A_76 : memref<64x128xf32, #tpu.memory_space<vmem>>) target_semaphore(%arg15 : memref<!tpu.dma_semaphore, #tpu.memory_space<semaphore_mem>>)
      %scan3A_79 = arith.constant 0 : i32
      %scan3A_80 = arith.constant 0 : i32
      %scan3A_81 = arith.constant 16 : i32
      %scan3A_82 = arith.addi %scan3A_80, %scan3A_81 : i32
      %scan3A_83 = arith.constant 1 : i32
      %scan3A_84 = scf.for %scan3A_110 = %scan3A_80 to %scan3A_82 step %scan3A_83 iter_args(%scan3A_111 = %scan3A_79) -> (i32)  : i32 {
        %mul3A_112 = arith.constant 2 : i32
        %mul3A_113 = arith.muli %scan3A_110, %mul3A_112 : i32
        %add3A_114 = arith.constant 0 : i32
        %add3A_115 = arith.addi %mul3A_113, %add3A_114 : i32
        %add3A_116 = arith.constant 1 : i32
        %add3A_117 = arith.addi %add3A_115, %add3A_116 : i32
        %lt3A = arith.constant 32 : i32
        %lt3A_118 = arith.cmpi slt, %add3A_117, %lt3A : i32
        %convert_element_type3A = arith.extui %lt3A_118 : i1 to i32
        %cond3A = arith.constant 0 : i32
        %cond3A_119 = arith.cmpi ne, %convert_element_type3A, %cond3A : i32
        scf.if %cond3A_119 {
          %ge3A = arith.constant 2 : i32
          %ge3A_224 = arith.cmpi sge, %add3A_117, %ge3A : i32
          %convert_element_type3A_225 = arith.extui %ge3A_224 : i1 to i32
          %cond3A_226 = arith.constant 0 : i32
          %cond3A_227 = arith.cmpi ne, %convert_element_type3A_225, %cond3A_226 : i32
          scf.if %cond3A_227 {
            %dma_wait3A_263 = arith.constant 1 : i32
            %dma_wait3A_264 = arith.constant 1 : i32
            %dma_wait3A_265 = arith.constant 0 : i32
            %dma_wait3A_266 = arith.constant 0 : i32
            %dma_wait3A_267 = tpu.memref_slice %arg13[%dma_wait3A_263, %dma_wait3A_265, %dma_wait3A_266] : memref<2x64x128xf32, #tpu.memory_space<vmem>> -> memref<1x64x128xf32, #tpu.memory_space<vmem>>
            %dma_wait3A_268 = tpu.memref_squeeze %dma_wait3A_267 : memref<1x64x128xf32, #tpu.memory_space<vmem>> -> memref<64x128xf32, #tpu.memory_space<vmem>>
            %dma_wait3A_269 = arith.constant 0 : i32
            %dma_wait3A_270 = tpu.memref_slice %arg11[%dma_wait3A_264, %dma_wait3A_269] : memref<2x64xi32, #tpu.memory_space<vmem>> -> memref<1x64xi32, #tpu.memory_space<vmem>>
            %dma_wait3A_271 = tpu.memref_squeeze %dma_wait3A_270 : memref<1x64xi32, #tpu.memory_space<vmem>> -> memref<64xi32, #tpu.memory_space<vmem>>
            %dma_wait3A_272 = arith.constant 0 : i32
            %dma_wait3A_273 = arith.constant 0 : i32
            %dma_wait3A_274 = tpu.memref_slice %arg19[%dma_wait3A_272, %dma_wait3A_273] : memref<10112x128xf32, #tpu.memory_space<vmem_shared>> -> memref<10112x128xf32, #tpu.memory_space<vmem_shared>>
            tpu.wait_indirect_dma semaphore(%arg18 : memref<!tpu.dma_semaphore, #tpu.memory_space<semaphore_mem>>) src(%dma_wait3A_268 : memref<64x128xf32, #tpu.memory_space<vmem>>) dst(%dma_wait3A_274 : memref<10112x128xf32, #tpu.memory_space<vmem_shared>>)
          } else {
          }
          %scan3A_228 = arith.constant 0 : i32
          %scan3A_229 = arith.constant 0 : i32
          %scan3A_230 = arith.constant 4 : i32
          %scan3A_231 = arith.addi %scan3A_229, %scan3A_230 : i32
          %scan3A_232 = arith.constant 1 : i32
          %scan3A_233 = scf.for %scan3A_263 = %scan3A_229 to %scan3A_231 step %scan3A_232 iter_args(%scan3A_264 = %scan3A_228) -> (i32)  : i32 {
            %mul3A_265 = arith.constant 16 : i32
            %mul3A_266 = arith.muli %scan3A_263, %mul3A_265 : i32
            %mul3A_267 = arith.constant 64 : i32
            %mul3A_268 = arith.muli %add3A_117, %mul3A_267 : i32
            %mul3A_269 = arith.constant 16 : i32
            %mul3A_270 = arith.muli %scan3A_263, %mul3A_269 : i32
            %add3A_271 = arith.addi %mul3A_268, %mul3A_270 : i32
            %get3A = arith.index_cast %add3A_271 : i32 to index
            %get3A_272 = tpu.vector_load %arg8[%get3A] {strides = array<i32>} : memref<2048xi32, #tpu.memory_space<vmem>>, vector<16xi32>,
            %swap3A = arith.constant 1 : i32
            %swap3A_273 = arith.index_cast %swap3A : i32 to index
            %swap3A_274 = arith.index_cast %mul3A_266 : i32 to index
            %swap3A_275 = tpu.vector_load %arg11[%swap3A_273, %swap3A_274] {strides = array<i32>} : memref<2x64xi32, #tpu.memory_space<vmem>>, vector<16xi32>,
            tpu.vector_store %arg11[%swap3A_273, %swap3A_274], %get3A_272 {strides = array<i32>} : memref<2x64xi32, #tpu.memory_space<vmem>>, vector<16xi32>,
            %get3A_276 = arith.index_cast %add3A_271 : i32 to index
            %get3A_277 = tpu.vector_load %arg9[%get3A_276] {strides = array<i32>} : memref<2048xi32, #tpu.memory_space<vmem>>, vector<16xi32>,
            %swap3A_278 = arith.constant 1 : i32
            %swap3A_279 = arith.index_cast %swap3A_278 : i32 to index
            %swap3A_280 = arith.index_cast %mul3A_266 : i32 to index
            %swap3A_281 = tpu.vector_load %arg12[%swap3A_279, %swap3A_280] {strides = array<i32>} : memref<2x64xi32, #tpu.memory_space<vmem>>, vector<16xi32>,
            tpu.vector_store %arg12[%swap3A_279, %swap3A_280], %get3A_277 {strides = array<i32>} : memref<2x64xi32, #tpu.memory_space<vmem>>, vector<16xi32>,
            %scan3A_282 = arith.constant 0 : i32
            scf.yield %scan3A_282 : i32
          }
          %scan3A_234 = arith.constant 4 : i32
          %dma_start3A_235 = arith.constant 1 : i32
          %dma_start3A_236 = arith.constant 1 : i32
          %dma_start3A_237 = arith.constant 0 : i32
          %dma_start3A_238 = arith.constant 0 : i32
          %dma_start3A_239 = tpu.memref_slice %arg13[%dma_start3A_236, %dma_start3A_237, %dma_start3A_238] : memref<2x64x128xf32, #tpu.memory_space<vmem>> -> memref<1x64x128xf32, #tpu.memory_space<vmem>>
          %dma_start3A_240 = tpu.memref_squeeze %dma_start3A_239 : memref<1x64x128xf32, #tpu.memory_space<vmem>> -> memref<64x128xf32, #tpu.memory_space<vmem>>
          %dma_start3A_241 = arith.constant 0 : i32
          %dma_start3A_242 = tpu.memref_slice %arg12[%dma_start3A_235, %dma_start3A_241] : memref<2x64xi32, #tpu.memory_space<vmem>> -> memref<1x64xi32, #tpu.memory_space<vmem>>
          %dma_start3A_243 = tpu.memref_squeeze %dma_start3A_242 : memref<1x64xi32, #tpu.memory_space<vmem>> -> memref<64xi32, #tpu.memory_space<vmem>>
          %dma_start3A_244 = arith.constant 0 : i32
          %dma_start3A_245 = arith.constant 0 : i32
          %dma_start3A_246 = tpu.memref_slice %arg5[%dma_start3A_244, %dma_start3A_245] : memref<10000x128xf32, #tpu.memory_space<hbm>> -> memref<10000x128xf32, #tpu.memory_space<hbm>>
          tpu.enqueue_indirect_dma source(%dma_start3A_246 : memref<10000x128xf32, #tpu.memory_space<hbm>>) target(%dma_start3A_240 : memref<64x128xf32, #tpu.memory_space<vmem>>) offsets(%dma_start3A_243 : memref<64xi32, #tpu.memory_space<vmem>>) semaphore(%arg16 : memref<!tpu.dma_semaphore, #tpu.memory_space<semaphore_mem>>)
          %mul3A_247 = arith.constant 64 : i32
          %mul3A_248 = arith.muli %add3A_117, %mul3A_247 : i32
          %add3A_249 = arith.addi %add3A_45, %mul3A_248 : i32
          %dma_start3A_250 = arith.constant 1 : i32
          %dma_start3A_251 = arith.constant 0 : i32
          %dma_start3A_252 = arith.constant 0 : i32
          %dma_start3A_253 = tpu.memref_slice %arg14[%dma_start3A_250, %dma_start3A_251, %dma_start3A_252] : memref<2x64x128xf32, #tpu.memory_space<vmem>> -> memref<1x64x128xf32, #tpu.memory_space<vmem>>
          %dma_start3A_254 = tpu.memref_squeeze %dma_start3A_253 : memref<1x64x128xf32, #tpu.memory_space<vmem>> -> memref<64x128xf32, #tpu.memory_space<vmem>>
          %dma_start3A_255 = arith.constant 0 : i32
          %dma_start3A_256 = tpu.memref_slice %arg6[%add3A_249, %dma_start3A_255] : memref<327680x128xf32, #tpu.memory_space<hbm>> -> memref<64x128xf32, #tpu.memory_space<hbm>>
          %dma_start3A_257 = arith.constant 0 : i32
          %dma_start3A_258 = arith.constant 0 : i32
          %dma_start3A_259 = tpu.memref_slice %arg14[%dma_start3A_250, %dma_start3A_257, %dma_start3A_258] : memref<2x64x128xf32, #tpu.memory_space<vmem>> -> memref<1x64x128xf32, #tpu.memory_space<vmem>>
          %dma_start3A_260 = tpu.memref_squeeze %dma_start3A_259 : memref<1x64x128xf32, #tpu.memory_space<vmem>> -> memref<64x128xf32, #tpu.memory_space<vmem>>
          %dma_start3A_261 = arith.constant 0 : i32
          %dma_start3A_262 = tpu.memref_slice %arg6[%add3A_249, %dma_start3A_261] : memref<327680x128xf32, #tpu.memory_space<hbm>> -> memref<64x128xf32, #tpu.memory_space<hbm>>
          tpu.enqueue_dma source(%dma_start3A_262 : memref<64x128xf32, #tpu.memory_space<hbm>>) target(%dma_start3A_260 : memref<64x128xf32, #tpu.memory_space<vmem>>) target_semaphore(%arg16 : memref<!tpu.dma_semaphore, #tpu.memory_space<semaphore_mem>>)
        } else {
        }
        %dma_wait3A_120 = arith.constant 0 : i32
        %dma_wait3A_121 = arith.constant 0 : i32
        %dma_wait3A_122 = arith.constant 0 : i32
        %dma_wait3A_123 = arith.constant 0 : i32
        %dma_wait3A_124 = tpu.memref_slice %arg13[%dma_wait3A_121, %dma_wait3A_122, %dma_wait3A_123] : memref<2x64x128xf32, #tpu.memory_space<vmem>> -> memref<1x64x128xf32, #tpu.memory_space<vmem>>
        %dma_wait3A_125 = tpu.memref_squeeze %dma_wait3A_124 : memref<1x64x128xf32, #tpu.memory_space<vmem>> -> memref<64x128xf32, #tpu.memory_space<vmem>>
        %dma_wait3A_126 = arith.constant 0 : i32
        %dma_wait3A_127 = tpu.memref_slice %arg12[%dma_wait3A_120, %dma_wait3A_126] : memref<2x64xi32, #tpu.memory_space<vmem>> -> memref<1x64xi32, #tpu.memory_space<vmem>>
        %dma_wait3A_128 = tpu.memref_squeeze %dma_wait3A_127 : memref<1x64xi32, #tpu.memory_space<vmem>> -> memref<64xi32, #tpu.memory_space<vmem>>
        %dma_wait3A_129 = arith.constant 0 : i32
        %dma_wait3A_130 = arith.constant 0 : i32
        %dma_wait3A_131 = tpu.memref_slice %arg5[%dma_wait3A_129, %dma_wait3A_130] : memref<10000x128xf32, #tpu.memory_space<hbm>> -> memref<10000x128xf32, #tpu.memory_space<hbm>>
        tpu.wait_indirect_dma semaphore(%arg15 : memref<!tpu.dma_semaphore, #tpu.memory_space<semaphore_mem>>) src(%dma_wait3A_131 : memref<10000x128xf32, #tpu.memory_space<hbm>>) dst(%dma_wait3A_125 : memref<64x128xf32, #tpu.memory_space<vmem>>)
        %dma_wait3A_132 = arith.constant 0 : i32
        %dma_wait3A_133 = arith.constant 0 : i32
        %dma_wait3A_134 = arith.constant 0 : i32
        %dma_wait3A_135 = tpu.memref_slice %arg14[%dma_wait3A_132, %dma_wait3A_133, %dma_wait3A_134] : memref<2x64x128xf32, #tpu.memory_space<vmem>> -> memref<1x64x128xf32, #tpu.memory_space<vmem>>
        %dma_wait3A_136 = tpu.memref_squeeze %dma_wait3A_135 : memref<1x64x128xf32, #tpu.memory_space<vmem>> -> memref<64x128xf32, #tpu.memory_space<vmem>>
        %dma_wait3A_137 = arith.constant 0 : i32
        %dma_wait3A_138 = arith.constant 0 : i32
        %dma_wait3A_139 = tpu.memref_slice %arg6[%dma_wait3A_137, %dma_wait3A_138] : memref<327680x128xf32, #tpu.memory_space<hbm>> -> memref<64x128xf32, #tpu.memory_space<hbm>>
        %dma_wait3A_140 = arith.constant 0 : i32
        %dma_wait3A_141 = arith.constant 0 : i32
        %dma_wait3A_142 = tpu.memref_slice %arg14[%dma_wait3A_132, %dma_wait3A_140, %dma_wait3A_141] : memref<2x64x128xf32, #tpu.memory_space<vmem>> -> memref<1x64x128xf32, #tpu.memory_space<vmem>>
        %dma_wait3A_143 = tpu.memref_squeeze %dma_wait3A_142 : memref<1x64x128xf32, #tpu.memory_space<vmem>> -> memref<64x128xf32, #tpu.memory_space<vmem>>
        %dma_wait3A_144 = arith.constant 0 : i32
        %dma_wait3A_145 = arith.constant 0 : i32
        %dma_wait3A_146 = tpu.memref_slice %arg6[%dma_wait3A_144, %dma_wait3A_145] : memref<327680x128xf32, #tpu.memory_space<hbm>> -> memref<64x128xf32, #tpu.memory_space<hbm>>
        tpu.wait_dma2 semaphore(%arg15 : memref<!tpu.dma_semaphore, #tpu.memory_space<semaphore_mem>>) src(%dma_wait3A_146 : memref<64x128xf32, #tpu.memory_space<hbm>>) dst(%dma_wait3A_143 : memref<64x128xf32, #tpu.memory_space<vmem>>)
        %scan3A_147 = arith.constant 0 : i32
        %scan3A_148 = arith.constant 0 : i32
        %scan3A_149 = arith.constant 64 : i32
        %scan3A_150 = arith.addi %scan3A_148, %scan3A_149 : i32
        %scan3A_151 = arith.constant 1 : i32
        %scan3A_152 = scf.for %scan3A_224 = %scan3A_148 to %scan3A_150 step %scan3A_151 iter_args(%scan3A_225 = %scan3A_147) -> (i32)  : i32 {
          %broadcast_in_dim3A = arith.constant 0 : i32
          %broadcast_in_dim3A_226 = vector.broadcast %broadcast_in_dim3A : i32 to vector<16xi32>
          %mul3A_227 = arith.constant 64 : i32
          %mul3A_228 = arith.muli %add3A_115, %mul3A_227 : i32
          %add3A_229 = arith.addi %mul3A_228, %scan3A_224 : i32
          %add3A_230 = vector.broadcast %add3A_229 : i32 to vector<16xi32>
          %add3A_231 = arith.addi %broadcast_in_dim3A_226, %add3A_230 : vector<16xi32>
          %gather3A = tpu.vector_load_idx %arg10[%add3A_231] : memref<2048xf32, #tpu.memory_space<vmem>>[vector<16xi32>], vector<16xf32>,
          %get3A = arith.constant 0 : i32
          %get3A_232 = arith.index_cast %get3A : i32 to index
          %get3A_233 = arith.index_cast %scan3A_224 : i32 to index
          %get3A_234 = arith.constant 0 : index
          %get3A_235 = tpu.vector_load %arg13[%get3A_232, %get3A_233, %get3A_234] {strides = array<i32>} : memref<2x64x128xf32, #tpu.memory_space<vmem>>, vector<16xf32>,
          %get3A_236 = arith.constant 0 : i32
          %get3A_237 = arith.index_cast %get3A_236 : i32 to index
          %get3A_238 = arith.index_cast %scan3A_224 : i32 to index
          %get3A_239 = arith.constant 0 : index
          %get3A_240 = tpu.vector_load %arg14[%get3A_237, %get3A_238, %get3A_239] {strides = array<i32>} : memref<2x64x128xf32, #tpu.memory_space<vmem>>, vector<16xf32>,
          %add3A_241 = arith.addf %get3A_235, %get3A_240 : vector<16xf32>
          %mul3A_242 = arith.mulf %add3A_241, %gather3A : vector<16xf32>
          %swap3A = arith.constant 0 : i32
          %swap3A_243 = arith.index_cast %swap3A : i32 to index
          %swap3A_244 = arith.index_cast %scan3A_224 : i32 to index
          %swap3A_245 = arith.constant 0 : index
          %swap3A_246 = tpu.vector_load %arg13[%swap3A_243, %swap3A_244, %swap3A_245] {strides = array<i32>} : memref<2x64x128xf32, #tpu.memory_space<vmem>>, vector<16xf32>,
          tpu.vector_store %arg13[%swap3A_243, %swap3A_244, %swap3A_245], %mul3A_242 {strides = array<i32>} : memref<2x64x128xf32, #tpu.memory_space<vmem>>, vector<16xf32>,
          %get3A_247 = arith.constant 0 : i32
          %get3A_248 = arith.index_cast %get3A_247 : i32 to index
          %get3A_249 = arith.index_cast %scan3A_224 : i32 to index
          %get3A_250 = arith.constant 16 : index
          %get3A_251 = tpu.vector_load %arg13[%get3A_248, %get3A_249, %get3A_250] {strides = array<i32>} : memref<2x64x128xf32, #tpu.memory_space<vmem>>, vector<16xf32>,
          %get3A_252 = arith.constant 0 : i32
          %get3A_253 = arith.index_cast %get3A_252 : i32 to index
          %get3A_254 = arith.index_cast %scan3A_224 : i32 to index
          %get3A_255 = arith.constant 16 : index
          %get3A_256 = tpu.vector_load %arg14[%get3A_253, %get3A_254, %get3A_255] {strides = array<i32>} : memref<2x64x128xf32, #tpu.memory_space<vmem>>, vector<16xf32>,
          %add3A_257 = arith.addf %get3A_251, %get3A_256 : vector<16xf32>
          %mul3A_258 = arith.mulf %add3A_257, %gather3A : vector<16xf32>
          %swap3A_259 = arith.constant 0 : i32
          %swap3A_260 = arith.index_cast %swap3A_259 : i32 to index
          %swap3A_261 = arith.index_cast %scan3A_224 : i32 to index
          %swap3A_262 = arith.constant 16 : index
          %swap3A_263 = tpu.vector_load %arg13[%swap3A_260, %swap3A_261, %swap3A_262] {strides = array<i32>} : memref<2x64x128xf32, #tpu.memory_space<vmem>>, vector<16xf32>,
          tpu.vector_store %arg13[%swap3A_260, %swap3A_261, %swap3A_262], %mul3A_258 {strides = array<i32>} : memref<2x64x128xf32, #tpu.memory_space<vmem>>, vector<16xf32>,
          %get3A_264 = arith.constant 0 : i32
          %get3A_265 = arith.index_cast %get3A_264 : i32 to index
          %get3A_266 = arith.index_cast %scan3A_224 : i32 to index
          %get3A_267 = arith.constant 32 : index
          %get3A_268 = tpu.vector_load %arg13[%get3A_265, %get3A_266, %get3A_267] {strides = array<i32>} : memref<2x64x128xf32, #tpu.memory_space<vmem>>, vector<16xf32>,
          %get3A_269 = arith.constant 0 : i32
          %get3A_270 = arith.index_cast %get3A_269 : i32 to index
          %get3A_271 = arith.index_cast %scan3A_224 : i32 to index
          %get3A_272 = arith.constant 32 : index
          %get3A_273 = tpu.vector_load %arg14[%get3A_270, %get3A_271, %get3A_272] {strides = array<i32>} : memref<2x64x128xf32, #tpu.memory_space<vmem>>, vector<16xf32>,
          %add3A_274 = arith.addf %get3A_268, %get3A_273 : vector<16xf32>
          %mul3A_275 = arith.mulf %add3A_274, %gather3A : vector<16xf32>
          %swap3A_276 = arith.constant 0 : i32
          %swap3A_277 = arith.index_cast %swap3A_276 : i32 to index
          %swap3A_278 = arith.index_cast %scan3A_224 : i32 to index
          %swap3A_279 = arith.constant 32 : index
          %swap3A_280 = tpu.vector_load %arg13[%swap3A_277, %swap3A_278, %swap3A_279] {strides = array<i32>} : memref<2x64x128xf32, #tpu.memory_space<vmem>>, vector<16xf32>,
          tpu.vector_store %arg13[%swap3A_277, %swap3A_278, %swap3A_279], %mul3A_275 {strides = array<i32>} : memref<2x64x128xf32, #tpu.memory_space<vmem>>, vector<16xf32>,
          %get3A_281 = arith.constant 0 : i32
          %get3A_282 = arith.index_cast %get3A_281 : i32 to index
          %get3A_283 = arith.index_cast %scan3A_224 : i32 to index
          %get3A_284 = arith.constant 48 : index
          %get3A_285 = tpu.vector_load %arg13[%get3A_282, %get3A_283, %get3A_284] {strides = array<i32>} : memref<2x64x128xf32, #tpu.memory_space<vmem>>, vector<16xf32>,
          %get3A_286 = arith.constant 0 : i32
          %get3A_287 = arith.index_cast %get3A_286 : i32 to index
          %get3A_288 = arith.index_cast %scan3A_224 : i32 to index
          %get3A_289 = arith.constant 48 : index
          %get3A_290 = tpu.vector_load %arg14[%get3A_287, %get3A_288, %get3A_289] {strides = array<i32>} : memref<2x64x128xf32, #tpu.memory_space<vmem>>, vector<16xf32>,
          %add3A_291 = arith.addf %get3A_285, %get3A_290 : vector<16xf32>
          %mul3A_292 = arith.mulf %add3A_291, %gather3A : vector<16xf32>
          %swap3A_293 = arith.constant 0 : i32
          %swap3A_294 = arith.index_cast %swap3A_293 : i32 to index
          %swap3A_295 = arith.index_cast %scan3A_224 : i32 to index
          %swap3A_296 = arith.constant 48 : index
          %swap3A_297 = tpu.vector_load %arg13[%swap3A_294, %swap3A_295, %swap3A_296] {strides = array<i32>} : memref<2x64x128xf32, #tpu.memory_space<vmem>>, vector<16xf32>,
          tpu.vector_store %arg13[%swap3A_294, %swap3A_295, %swap3A_296], %mul3A_292 {strides = array<i32>} : memref<2x64x128xf32, #tpu.memory_space<vmem>>, vector<16xf32>,
          %get3A_298 = arith.constant 0 : i32
          %get3A_299 = arith.index_cast %get3A_298 : i32 to index
          %get3A_300 = arith.index_cast %scan3A_224 : i32 to index
          %get3A_301 = arith.constant 64 : index
          %get3A_302 = tpu.vector_load %arg13[%get3A_299, %get3A_300, %get3A_301] {strides = array<i32>} : memref<2x64x128xf32, #tpu.memory_space<vmem>>, vector<16xf32>,
          %get3A_303 = arith.constant 0 : i32
          %get3A_304 = arith.index_cast %get3A_303 : i32 to index
          %get3A_305 = arith.index_cast %scan3A_224 : i32 to index
          %get3A_306 = arith.constant 64 : index
          %get3A_307 = tpu.vector_load %arg14[%get3A_304, %get3A_305, %get3A_306] {strides = array<i32>} : memref<2x64x128xf32, #tpu.memory_space<vmem>>, vector<16xf32>,
          %add3A_308 = arith.addf %get3A_302, %get3A_307 : vector<16xf32>
          %mul3A_309 = arith.mulf %add3A_308, %gather3A : vector<16xf32>
          %swap3A_310 = arith.constant 0 : i32
          %swap3A_311 = arith.index_cast %swap3A_310 : i32 to index
          %swap3A_312 = arith.index_cast %scan3A_224 : i32 to index
          %swap3A_313 = arith.constant 64 : index
          %swap3A_314 = tpu.vector_load %arg13[%swap3A_311, %swap3A_312, %swap3A_313] {strides = array<i32>} : memref<2x64x128xf32, #tpu.memory_space<vmem>>, vector<16xf32>,
          tpu.vector_store %arg13[%swap3A_311, %swap3A_312, %swap3A_313], %mul3A_309 {strides = array<i32>} : memref<2x64x128xf32, #tpu.memory_space<vmem>>, vector<16xf32>,
          %get3A_315 = arith.constant 0 : i32
          %get3A_316 = arith.index_cast %get3A_315 : i32 to index
          %get3A_317 = arith.index_cast %scan3A_224 : i32 to index
          %get3A_318 = arith.constant 80 : index
          %get3A_319 = tpu.vector_load %arg13[%get3A_316, %get3A_317, %get3A_318] {strides = array<i32>} : memref<2x64x128xf32, #tpu.memory_space<vmem>>, vector<16xf32>,
          %get3A_320 = arith.constant 0 : i32
          %get3A_321 = arith.index_cast %get3A_320 : i32 to index
          %get3A_322 = arith.index_cast %scan3A_224 : i32 to index
          %get3A_323 = arith.constant 80 : index
          %get3A_324 = tpu.vector_load %arg14[%get3A_321, %get3A_322, %get3A_323] {strides = array<i32>} : memref<2x64x128xf32, #tpu.memory_space<vmem>>, vector<16xf32>,
          %add3A_325 = arith.addf %get3A_319, %get3A_324 : vector<16xf32>
          %mul3A_326 = arith.mulf %add3A_325, %gather3A : vector<16xf32>
          %swap3A_327 = arith.constant 0 : i32
          %swap3A_328 = arith.index_cast %swap3A_327 : i32 to index
          %swap3A_329 = arith.index_cast %scan3A_224 : i32 to index
          %swap3A_330 = arith.constant 80 : index
          %swap3A_331 = tpu.vector_load %arg13[%swap3A_328, %swap3A_329, %swap3A_330] {strides = array<i32>} : memref<2x64x128xf32, #tpu.memory_space<vmem>>, vector<16xf32>,
          tpu.vector_store %arg13[%swap3A_328, %swap3A_329, %swap3A_330], %mul3A_326 {strides = array<i32>} : memref<2x64x128xf32, #tpu.memory_space<vmem>>, vector<16xf32>,
          %get3A_332 = arith.constant 0 : i32
          %get3A_333 = arith.index_cast %get3A_332 : i32 to index
          %get3A_334 = arith.index_cast %scan3A_224 : i32 to index
          %get3A_335 = arith.constant 96 : index
          %get3A_336 = tpu.vector_load %arg13[%get3A_333, %get3A_334, %get3A_335] {strides = array<i32>} : memref<2x64x128xf32, #tpu.memory_space<vmem>>, vector<16xf32>,
          %get3A_337 = arith.constant 0 : i32
          %get3A_338 = arith.index_cast %get3A_337 : i32 to index
          %get3A_339 = arith.index_cast %scan3A_224 : i32 to index
          %get3A_340 = arith.constant 96 : index
          %get3A_341 = tpu.vector_load %arg14[%get3A_338, %get3A_339, %get3A_340] {strides = array<i32>} : memref<2x64x128xf32, #tpu.memory_space<vmem>>, vector<16xf32>,
          %add3A_342 = arith.addf %get3A_336, %get3A_341 : vector<16xf32>
          %mul3A_343 = arith.mulf %add3A_342, %gather3A : vector<16xf32>
          %swap3A_344 = arith.constant 0 : i32
          %swap3A_345 = arith.index_cast %swap3A_344 : i32 to index
          %swap3A_346 = arith.index_cast %scan3A_224 : i32 to index
          %swap3A_347 = arith.constant 96 : index
          %swap3A_348 = tpu.vector_load %arg13[%swap3A_345, %swap3A_346, %swap3A_347] {strides = array<i32>} : memref<2x64x128xf32, #tpu.memory_space<vmem>>, vector<16xf32>,
          tpu.vector_store %arg13[%swap3A_345, %swap3A_346, %swap3A_347], %mul3A_343 {strides = array<i32>} : memref<2x64x128xf32, #tpu.memory_space<vmem>>, vector<16xf32>,
          %get3A_349 = arith.constant 0 : i32
          %get3A_350 = arith.index_cast %get3A_349 : i32 to index
          %get3A_351 = arith.index_cast %scan3A_224 : i32 to index
          %get3A_352 = arith.constant 112 : index
          %get3A_353 = tpu.vector_load %arg13[%get3A_350, %get3A_351, %get3A_352] {strides = array<i32>} : memref<2x64x128xf32, #tpu.memory_space<vmem>>, vector<16xf32>,
          %get3A_354 = arith.constant 0 : i32
          %get3A_355 = arith.index_cast %get3A_354 : i32 to index
          %get3A_356 = arith.index_cast %scan3A_224 : i32 to index
          %get3A_357 = arith.constant 112 : index
          %get3A_358 = tpu.vector_load %arg14[%get3A_355, %get3A_356, %get3A_357] {strides = array<i32>} : memref<2x64x128xf32, #tpu.memory_space<vmem>>, vector<16xf32>,
          %add3A_359 = arith.addf %get3A_353, %get3A_358 : vector<16xf32>
          %mul3A_360 = arith.mulf %add3A_359, %gather3A : vector<16xf32>
          %swap3A_361 = arith.constant 0 : i32
          %swap3A_362 = arith.index_cast %swap3A_361 : i32 to index
          %swap3A_363 = arith.index_cast %scan3A_224 : i32 to index
          %swap3A_364 = arith.constant 112 : index
          %swap3A_365 = tpu.vector_load %arg13[%swap3A_362, %swap3A_363, %swap3A_364] {strides = array<i32>} : memref<2x64x128xf32, #tpu.memory_space<vmem>>, vector<16xf32>,
          tpu.vector_store %arg13[%swap3A_362, %swap3A_363, %swap3A_364], %mul3A_360 {strides = array<i32>} : memref<2x64x128xf32, #tpu.memory_space<vmem>>, vector<16xf32>,
          %scan3A_366 = arith.constant 0 : i32
          scf.yield %scan3A_366 : i32
        }
        %scan3A_153 = arith.constant 64 : i32
        %dma_start3A_154 = arith.constant 0 : i32
        %dma_start3A_155 = arith.constant 0 : i32
        %dma_start3A_156 = arith.constant 0 : i32
        %dma_start3A_157 = arith.constant 0 : i32
        %dma_start3A_158 = tpu.memref_slice %arg13[%dma_start3A_154, %dma_start3A_156, %dma_start3A_157] : memref<2x64x128xf32, #tpu.memory_space<vmem>> -> memref<1x64x128xf32, #tpu.memory_space<vmem>>
        %dma_start3A_159 = tpu.memref_squeeze %dma_start3A_158 : memref<1x64x128xf32, #tpu.memory_space<vmem>> -> memref<64x128xf32, #tpu.memory_space<vmem>>
        %dma_start3A_160 = arith.constant 0 : i32
        %dma_start3A_161 = tpu.memref_slice %arg11[%dma_start3A_155, %dma_start3A_160] : memref<2x64xi32, #tpu.memory_space<vmem>> -> memref<1x64xi32, #tpu.memory_space<vmem>>
        %dma_start3A_162 = tpu.memref_squeeze %dma_start3A_161 : memref<1x64xi32, #tpu.memory_space<vmem>> -> memref<64xi32, #tpu.memory_space<vmem>>
        %dma_start3A_163 = arith.constant 0 : i32
        %dma_start3A_164 = arith.constant 0 : i32
        %dma_start3A_165 = tpu.memref_slice %arg19[%dma_start3A_163, %dma_start3A_164] : memref<10112x128xf32, #tpu.memory_space<vmem_shared>> -> memref<10112x128xf32, #tpu.memory_space<vmem_shared>>
        tpu.enqueue_indirect_dma source(%dma_start3A_159 : memref<64x128xf32, #tpu.memory_space<vmem>>) target(%dma_start3A_165 : memref<10112x128xf32, #tpu.memory_space<vmem_shared>>) offsets(%dma_start3A_162 : memref<64xi32, #tpu.memory_space<vmem>>) semaphore(%arg17 : memref<!tpu.dma_semaphore, #tpu.memory_space<semaphore_mem>>) {add = true}
        %mul3A_166 = arith.constant 2 : i32
        %mul3A_167 = arith.muli %scan3A_110, %mul3A_166 : i32
        %add3A_168 = arith.constant 1 : i32
        %add3A_169 = arith.addi %mul3A_167, %add3A_168 : i32
        %add3A_170 = arith.constant 1 : i32
        %add3A_171 = arith.addi %add3A_169, %add3A_170 : i32
        %lt3A_172 = arith.constant 32 : i32
        %lt3A_173 = arith.cmpi slt, %add3A_171, %lt3A_172 : i32
        %convert_element_type3A_174 = arith.extui %lt3A_173 : i1 to i32
        %cond3A_175 = arith.constant 0 : i32
        %cond3A_176 = arith.cmpi ne, %convert_element_type3A_174, %cond3A_175 : i32
        scf.if %cond3A_176 {
          %ge3A = arith.constant 2 : i32
          %ge3A_224 = arith.cmpi sge, %add3A_171, %ge3A : i32
          %convert_element_type3A_225 = arith.extui %ge3A_224 : i1 to i32
          %cond3A_226 = arith.constant 0 : i32
          %cond3A_227 = arith.cmpi ne, %convert_element_type3A_225, %cond3A_226 : i32
          scf.if %cond3A_227 {
            %dma_wait3A_263 = arith.constant 0 : i32
            %dma_wait3A_264 = arith.constant 0 : i32
            %dma_wait3A_265 = arith.constant 0 : i32
            %dma_wait3A_266 = arith.constant 0 : i32
            %dma_wait3A_267 = tpu.memref_slice %arg13[%dma_wait3A_263, %dma_wait3A_265, %dma_wait3A_266] : memref<2x64x128xf32, #tpu.memory_space<vmem>> -> memref<1x64x128xf32, #tpu.memory_space<vmem>>
            %dma_wait3A_268 = tpu.memref_squeeze %dma_wait3A_267 : memref<1x64x128xf32, #tpu.memory_space<vmem>> -> memref<64x128xf32, #tpu.memory_space<vmem>>
            %dma_wait3A_269 = arith.constant 0 : i32
            %dma_wait3A_270 = tpu.memref_slice %arg11[%dma_wait3A_264, %dma_wait3A_269] : memref<2x64xi32, #tpu.memory_space<vmem>> -> memref<1x64xi32, #tpu.memory_space<vmem>>
            %dma_wait3A_271 = tpu.memref_squeeze %dma_wait3A_270 : memref<1x64xi32, #tpu.memory_space<vmem>> -> memref<64xi32, #tpu.memory_space<vmem>>
            %dma_wait3A_272 = arith.constant 0 : i32
            %dma_wait3A_273 = arith.constant 0 : i32
            %dma_wait3A_274 = tpu.memref_slice %arg19[%dma_wait3A_272, %dma_wait3A_273] : memref<10112x128xf32, #tpu.memory_space<vmem_shared>> -> memref<10112x128xf32, #tpu.memory_space<vmem_shared>>
            tpu.wait_indirect_dma semaphore(%arg17 : memref<!tpu.dma_semaphore, #tpu.memory_space<semaphore_mem>>) src(%dma_wait3A_268 : memref<64x128xf32, #tpu.memory_space<vmem>>) dst(%dma_wait3A_274 : memref<10112x128xf32, #tpu.memory_space<vmem_shared>>)
          } else {
          }
          %scan3A_228 = arith.constant 0 : i32
          %scan3A_229 = arith.constant 0 : i32
          %scan3A_230 = arith.constant 4 : i32
          %scan3A_231 = arith.addi %scan3A_229, %scan3A_230 : i32
          %scan3A_232 = arith.constant 1 : i32
          %scan3A_233 = scf.for %scan3A_263 = %scan3A_229 to %scan3A_231 step %scan3A_232 iter_args(%scan3A_264 = %scan3A_228) -> (i32)  : i32 {
            %mul3A_265 = arith.constant 16 : i32
            %mul3A_266 = arith.muli %scan3A_263, %mul3A_265 : i32
            %mul3A_267 = arith.constant 64 : i32
            %mul3A_268 = arith.muli %add3A_171, %mul3A_267 : i32
            %mul3A_269 = arith.constant 16 : i32
            %mul3A_270 = arith.muli %scan3A_263, %mul3A_269 : i32
            %add3A_271 = arith.addi %mul3A_268, %mul3A_270 : i32
            %get3A = arith.index_cast %add3A_271 : i32 to index
            %get3A_272 = tpu.vector_load %arg8[%get3A] {strides = array<i32>} : memref<2048xi32, #tpu.memory_space<vmem>>, vector<16xi32>,
            %swap3A = arith.constant 0 : i32
            %swap3A_273 = arith.index_cast %swap3A : i32 to index
            %swap3A_274 = arith.index_cast %mul3A_266 : i32 to index
            %swap3A_275 = tpu.vector_load %arg11[%swap3A_273, %swap3A_274] {strides = array<i32>} : memref<2x64xi32, #tpu.memory_space<vmem>>, vector<16xi32>,
            tpu.vector_store %arg11[%swap3A_273, %swap3A_274], %get3A_272 {strides = array<i32>} : memref<2x64xi32, #tpu.memory_space<vmem>>, vector<16xi32>,
            %get3A_276 = arith.index_cast %add3A_271 : i32 to index
            %get3A_277 = tpu.vector_load %arg9[%get3A_276] {strides = array<i32>} : memref<2048xi32, #tpu.memory_space<vmem>>, vector<16xi32>,
            %swap3A_278 = arith.constant 0 : i32
            %swap3A_279 = arith.index_cast %swap3A_278 : i32 to index
            %swap3A_280 = arith.index_cast %mul3A_266 : i32 to index
            %swap3A_281 = tpu.vector_load %arg12[%swap3A_279, %swap3A_280] {strides = array<i32>} : memref<2x64xi32, #tpu.memory_space<vmem>>, vector<16xi32>,
            tpu.vector_store %arg12[%swap3A_279, %swap3A_280], %get3A_277 {strides = array<i32>} : memref<2x64xi32, #tpu.memory_space<vmem>>, vector<16xi32>,
            %scan3A_282 = arith.constant 0 : i32
            scf.yield %scan3A_282 : i32
          }
          %scan3A_234 = arith.constant 4 : i32
          %dma_start3A_235 = arith.constant 0 : i32
          %dma_start3A_236 = arith.constant 0 : i32
          %dma_start3A_237 = arith.constant 0 : i32
          %dma_start3A_238 = arith.constant 0 : i32
          %dma_start3A_239 = tpu.memref_slice %arg13[%dma_start3A_236, %dma_start3A_237, %dma_start3A_238] : memref<2x64x128xf32, #tpu.memory_space<vmem>> -> memref<1x64x128xf32, #tpu.memory_space<vmem>>
          %dma_start3A_240 = tpu.memref_squeeze %dma_start3A_239 : memref<1x64x128xf32, #tpu.memory_space<vmem>> -> memref<64x128xf32, #tpu.memory_space<vmem>>
          %dma_start3A_241 = arith.constant 0 : i32
          %dma_start3A_242 = tpu.memref_slice %arg12[%dma_start3A_235, %dma_start3A_241] : memref<2x64xi32, #tpu.memory_space<vmem>> -> memref<1x64xi32, #tpu.memory_space<vmem>>
          %dma_start3A_243 = tpu.memref_squeeze %dma_start3A_242 : memref<1x64xi32, #tpu.memory_space<vmem>> -> memref<64xi32, #tpu.memory_space<vmem>>
          %dma_start3A_244 = arith.constant 0 : i32
          %dma_start3A_245 = arith.constant 0 : i32
          %dma_start3A_246 = tpu.memref_slice %arg5[%dma_start3A_244, %dma_start3A_245] : memref<10000x128xf32, #tpu.memory_space<hbm>> -> memref<10000x128xf32, #tpu.memory_space<hbm>>
          tpu.enqueue_indirect_dma source(%dma_start3A_246 : memref<10000x128xf32, #tpu.memory_space<hbm>>) target(%dma_start3A_240 : memref<64x128xf32, #tpu.memory_space<vmem>>) offsets(%dma_start3A_243 : memref<64xi32, #tpu.memory_space<vmem>>) semaphore(%arg15 : memref<!tpu.dma_semaphore, #tpu.memory_space<semaphore_mem>>)
          %mul3A_247 = arith.constant 64 : i32
          %mul3A_248 = arith.muli %add3A_171, %mul3A_247 : i32
          %add3A_249 = arith.addi %add3A_45, %mul3A_248 : i32
          %dma_start3A_250 = arith.constant 0 : i32
          %dma_start3A_251 = arith.constant 0 : i32
          %dma_start3A_252 = arith.constant 0 : i32
          %dma_start3A_253 = tpu.memref_slice %arg14[%dma_start3A_250, %dma_start3A_251, %dma_start3A_252] : memref<2x64x128xf32, #tpu.memory_space<vmem>> -> memref<1x64x128xf32, #tpu.memory_space<vmem>>
          %dma_start3A_254 = tpu.memref_squeeze %dma_start3A_253 : memref<1x64x128xf32, #tpu.memory_space<vmem>> -> memref<64x128xf32, #tpu.memory_space<vmem>>
          %dma_start3A_255 = arith.constant 0 : i32
          %dma_start3A_256 = tpu.memref_slice %arg6[%add3A_249, %dma_start3A_255] : memref<327680x128xf32, #tpu.memory_space<hbm>> -> memref<64x128xf32, #tpu.memory_space<hbm>>
          %dma_start3A_257 = arith.constant 0 : i32
          %dma_start3A_258 = arith.constant 0 : i32
          %dma_start3A_259 = tpu.memref_slice %arg14[%dma_start3A_250, %dma_start3A_257, %dma_start3A_258] : memref<2x64x128xf32, #tpu.memory_space<vmem>> -> memref<1x64x128xf32, #tpu.memory_space<vmem>>
          %dma_start3A_260 = tpu.memref_squeeze %dma_start3A_259 : memref<1x64x128xf32, #tpu.memory_space<vmem>> -> memref<64x128xf32, #tpu.memory_space<vmem>>
          %dma_start3A_261 = arith.constant 0 : i32
          %dma_start3A_262 = tpu.memref_slice %arg6[%add3A_249, %dma_start3A_261] : memref<327680x128xf32, #tpu.memory_space<hbm>> -> memref<64x128xf32, #tpu.memory_space<hbm>>
          tpu.enqueue_dma source(%dma_start3A_262 : memref<64x128xf32, #tpu.memory_space<hbm>>) target(%dma_start3A_260 : memref<64x128xf32, #tpu.memory_space<vmem>>) target_semaphore(%arg15 : memref<!tpu.dma_semaphore, #tpu.memory_space<semaphore_mem>>)
        } else {
        }
        %dma_wait3A_177 = arith.constant 1 : i32
        %dma_wait3A_178 = arith.constant 1 : i32
        %dma_wait3A_179 = arith.constant 0 : i32
        %dma_wait3A_180 = arith.constant 0 : i32
        %dma_wait3A_181 = tpu.memref_slice %arg13[%dma_wait3A_178, %dma_wait3A_179, %dma_wait3A_180] : memref<2x64x128xf32, #tpu.memory_space<vmem>> -> memref<1x64x128xf32, #tpu.memory_space<vmem>>
        %dma_wait3A_182 = tpu.memref_squeeze %dma_wait3A_181 : memref<1x64x128xf32, #tpu.memory_space<vmem>> -> memref<64x128xf32, #tpu.memory_space<vmem>>
        %dma_wait3A_183 = arith.constant 0 : i32
        %dma_wait3A_184 = tpu.memref_slice %arg12[%dma_wait3A_177, %dma_wait3A_183] : memref<2x64xi32, #tpu.memory_space<vmem>> -> memref<1x64xi32, #tpu.memory_space<vmem>>
        %dma_wait3A_185 = tpu.memref_squeeze %dma_wait3A_184 : memref<1x64xi32, #tpu.memory_space<vmem>> -> memref<64xi32, #tpu.memory_space<vmem>>
        %dma_wait3A_186 = arith.constant 0 : i32
        %dma_wait3A_187 = arith.constant 0 : i32
        %dma_wait3A_188 = tpu.memref_slice %arg5[%dma_wait3A_186, %dma_wait3A_187] : memref<10000x128xf32, #tpu.memory_space<hbm>> -> memref<10000x128xf32, #tpu.memory_space<hbm>>
        tpu.wait_indirect_dma semaphore(%arg16 : memref<!tpu.dma_semaphore, #tpu.memory_space<semaphore_mem>>) src(%dma_wait3A_188 : memref<10000x128xf32, #tpu.memory_space<hbm>>) dst(%dma_wait3A_182 : memref<64x128xf32, #tpu.memory_space<vmem>>)
        %dma_wait3A_189 = arith.constant 1 : i32
        %dma_wait3A_190 = arith.constant 0 : i32
        %dma_wait3A_191 = arith.constant 0 : i32
        %dma_wait3A_192 = tpu.memref_slice %arg14[%dma_wait3A_189, %dma_wait3A_190, %dma_wait3A_191] : memref<2x64x128xf32, #tpu.memory_space<vmem>> -> memref<1x64x128xf32, #tpu.memory_space<vmem>>
        %dma_wait3A_193 = tpu.memref_squeeze %dma_wait3A_192 : memref<1x64x128xf32, #tpu.memory_space<vmem>> -> memref<64x128xf32, #tpu.memory_space<vmem>>
        %dma_wait3A_194 = arith.constant 0 : i32
        %dma_wait3A_195 = arith.constant 0 : i32
        %dma_wait3A_196 = tpu.memref_slice %arg6[%dma_wait3A_194, %dma_wait3A_195] : memref<327680x128xf32, #tpu.memory_space<hbm>> -> memref<64x128xf32, #tpu.memory_space<hbm>>
        %dma_wait3A_197 = arith.constant 0 : i32
        %dma_wait3A_198 = arith.constant 0 : i32
        %dma_wait3A_199 = tpu.memref_slice %arg14[%dma_wait3A_189, %dma_wait3A_197, %dma_wait3A_198] : memref<2x64x128xf32, #tpu.memory_space<vmem>> -> memref<1x64x128xf32, #tpu.memory_space<vmem>>
        %dma_wait3A_200 = tpu.memref_squeeze %dma_wait3A_199 : memref<1x64x128xf32, #tpu.memory_space<vmem>> -> memref<64x128xf32, #tpu.memory_space<vmem>>
        %dma_wait3A_201 = arith.constant 0 : i32
        %dma_wait3A_202 = arith.constant 0 : i32
        %dma_wait3A_203 = tpu.memref_slice %arg6[%dma_wait3A_201, %dma_wait3A_202] : memref<327680x128xf32, #tpu.memory_space<hbm>> -> memref<64x128xf32, #tpu.memory_space<hbm>>
        tpu.wait_dma2 semaphore(%arg16 : memref<!tpu.dma_semaphore, #tpu.memory_space<semaphore_mem>>) src(%dma_wait3A_203 : memref<64x128xf32, #tpu.memory_space<hbm>>) dst(%dma_wait3A_200 : memref<64x128xf32, #tpu.memory_space<vmem>>)
        %scan3A_204 = arith.constant 0 : i32
        %scan3A_205 = arith.constant 0 : i32
        %scan3A_206 = arith.constant 64 : i32
        %scan3A_207 = arith.addi %scan3A_205, %scan3A_206 : i32
        %scan3A_208 = arith.constant 1 : i32
        %scan3A_209 = scf.for %scan3A_224 = %scan3A_205 to %scan3A_207 step %scan3A_208 iter_args(%scan3A_225 = %scan3A_204) -> (i32)  : i32 {
          %broadcast_in_dim3A = arith.constant 0 : i32
          %broadcast_in_dim3A_226 = vector.broadcast %broadcast_in_dim3A : i32 to vector<16xi32>
          %mul3A_227 = arith.constant 64 : i32
          %mul3A_228 = arith.muli %add3A_169, %mul3A_227 : i32
          %add3A_229 = arith.addi %mul3A_228, %scan3A_224 : i32
          %add3A_230 = vector.broadcast %add3A_229 : i32 to vector<16xi32>
          %add3A_231 = arith.addi %broadcast_in_dim3A_226, %add3A_230 : vector<16xi32>
          %gather3A = tpu.vector_load_idx %arg10[%add3A_231] : memref<2048xf32, #tpu.memory_space<vmem>>[vector<16xi32>], vector<16xf32>,
          %get3A = arith.constant 1 : i32
          %get3A_232 = arith.index_cast %get3A : i32 to index
          %get3A_233 = arith.index_cast %scan3A_224 : i32 to index
          %get3A_234 = arith.constant 0 : index
          %get3A_235 = tpu.vector_load %arg13[%get3A_232, %get3A_233, %get3A_234] {strides = array<i32>} : memref<2x64x128xf32, #tpu.memory_space<vmem>>, vector<16xf32>,
          %get3A_236 = arith.constant 1 : i32
          %get3A_237 = arith.index_cast %get3A_236 : i32 to index
          %get3A_238 = arith.index_cast %scan3A_224 : i32 to index
          %get3A_239 = arith.constant 0 : index
          %get3A_240 = tpu.vector_load %arg14[%get3A_237, %get3A_238, %get3A_239] {strides = array<i32>} : memref<2x64x128xf32, #tpu.memory_space<vmem>>, vector<16xf32>,
          %add3A_241 = arith.addf %get3A_235, %get3A_240 : vector<16xf32>
          %mul3A_242 = arith.mulf %add3A_241, %gather3A : vector<16xf32>
          %swap3A = arith.constant 1 : i32
          %swap3A_243 = arith.index_cast %swap3A : i32 to index
          %swap3A_244 = arith.index_cast %scan3A_224 : i32 to index
          %swap3A_245 = arith.constant 0 : index
          %swap3A_246 = tpu.vector_load %arg13[%swap3A_243, %swap3A_244, %swap3A_245] {strides = array<i32>} : memref<2x64x128xf32, #tpu.memory_space<vmem>>, vector<16xf32>,
          tpu.vector_store %arg13[%swap3A_243, %swap3A_244, %swap3A_245], %mul3A_242 {strides = array<i32>} : memref<2x64x128xf32, #tpu.memory_space<vmem>>, vector<16xf32>,
          %get3A_247 = arith.constant 1 : i32
          %get3A_248 = arith.index_cast %get3A_247 : i32 to index
          %get3A_249 = arith.index_cast %scan3A_224 : i32 to index
          %get3A_250 = arith.constant 16 : index
          %get3A_251 = tpu.vector_load %arg13[%get3A_248, %get3A_249, %get3A_250] {strides = array<i32>} : memref<2x64x128xf32, #tpu.memory_space<vmem>>, vector<16xf32>,
          %get3A_252 = arith.constant 1 : i32
          %get3A_253 = arith.index_cast %get3A_252 : i32 to index
          %get3A_254 = arith.index_cast %scan3A_224 : i32 to index
          %get3A_255 = arith.constant 16 : index
          %get3A_256 = tpu.vector_load %arg14[%get3A_253, %get3A_254, %get3A_255] {strides = array<i32>} : memref<2x64x128xf32, #tpu.memory_space<vmem>>, vector<16xf32>,
          %add3A_257 = arith.addf %get3A_251, %get3A_256 : vector<16xf32>
          %mul3A_258 = arith.mulf %add3A_257, %gather3A : vector<16xf32>
          %swap3A_259 = arith.constant 1 : i32
          %swap3A_260 = arith.index_cast %swap3A_259 : i32 to index
          %swap3A_261 = arith.index_cast %scan3A_224 : i32 to index
          %swap3A_262 = arith.constant 16 : index
          %swap3A_263 = tpu.vector_load %arg13[%swap3A_260, %swap3A_261, %swap3A_262] {strides = array<i32>} : memref<2x64x128xf32, #tpu.memory_space<vmem>>, vector<16xf32>,
          tpu.vector_store %arg13[%swap3A_260, %swap3A_261, %swap3A_262], %mul3A_258 {strides = array<i32>} : memref<2x64x128xf32, #tpu.memory_space<vmem>>, vector<16xf32>,
          %get3A_264 = arith.constant 1 : i32
          %get3A_265 = arith.index_cast %get3A_264 : i32 to index
          %get3A_266 = arith.index_cast %scan3A_224 : i32 to index
          %get3A_267 = arith.constant 32 : index
          %get3A_268 = tpu.vector_load %arg13[%get3A_265, %get3A_266, %get3A_267] {strides = array<i32>} : memref<2x64x128xf32, #tpu.memory_space<vmem>>, vector<16xf32>,
          %get3A_269 = arith.constant 1 : i32
          %get3A_270 = arith.index_cast %get3A_269 : i32 to index
          %get3A_271 = arith.index_cast %scan3A_224 : i32 to index
          %get3A_272 = arith.constant 32 : index
          %get3A_273 = tpu.vector_load %arg14[%get3A_270, %get3A_271, %get3A_272] {strides = array<i32>} : memref<2x64x128xf32, #tpu.memory_space<vmem>>, vector<16xf32>,
          %add3A_274 = arith.addf %get3A_268, %get3A_273 : vector<16xf32>
          %mul3A_275 = arith.mulf %add3A_274, %gather3A : vector<16xf32>
          %swap3A_276 = arith.constant 1 : i32
          %swap3A_277 = arith.index_cast %swap3A_276 : i32 to index
          %swap3A_278 = arith.index_cast %scan3A_224 : i32 to index
          %swap3A_279 = arith.constant 32 : index
          %swap3A_280 = tpu.vector_load %arg13[%swap3A_277, %swap3A_278, %swap3A_279] {strides = array<i32>} : memref<2x64x128xf32, #tpu.memory_space<vmem>>, vector<16xf32>,
          tpu.vector_store %arg13[%swap3A_277, %swap3A_278, %swap3A_279], %mul3A_275 {strides = array<i32>} : memref<2x64x128xf32, #tpu.memory_space<vmem>>, vector<16xf32>,
          %get3A_281 = arith.constant 1 : i32
          %get3A_282 = arith.index_cast %get3A_281 : i32 to index
          %get3A_283 = arith.index_cast %scan3A_224 : i32 to index
          %get3A_284 = arith.constant 48 : index
          %get3A_285 = tpu.vector_load %arg13[%get3A_282, %get3A_283, %get3A_284] {strides = array<i32>} : memref<2x64x128xf32, #tpu.memory_space<vmem>>, vector<16xf32>,
          %get3A_286 = arith.constant 1 : i32
          %get3A_287 = arith.index_cast %get3A_286 : i32 to index
          %get3A_288 = arith.index_cast %scan3A_224 : i32 to index
          %get3A_289 = arith.constant 48 : index
          %get3A_290 = tpu.vector_load %arg14[%get3A_287, %get3A_288, %get3A_289] {strides = array<i32>} : memref<2x64x128xf32, #tpu.memory_space<vmem>>, vector<16xf32>,
          %add3A_291 = arith.addf %get3A_285, %get3A_290 : vector<16xf32>
          %mul3A_292 = arith.mulf %add3A_291, %gather3A : vector<16xf32>
          %swap3A_293 = arith.constant 1 : i32
          %swap3A_294 = arith.index_cast %swap3A_293 : i32 to index
          %swap3A_295 = arith.index_cast %scan3A_224 : i32 to index
          %swap3A_296 = arith.constant 48 : index
          %swap3A_297 = tpu.vector_load %arg13[%swap3A_294, %swap3A_295, %swap3A_296] {strides = array<i32>} : memref<2x64x128xf32, #tpu.memory_space<vmem>>, vector<16xf32>,
          tpu.vector_store %arg13[%swap3A_294, %swap3A_295, %swap3A_296], %mul3A_292 {strides = array<i32>} : memref<2x64x128xf32, #tpu.memory_space<vmem>>, vector<16xf32>,
          %get3A_298 = arith.constant 1 : i32
          %get3A_299 = arith.index_cast %get3A_298 : i32 to index
          %get3A_300 = arith.index_cast %scan3A_224 : i32 to index
          %get3A_301 = arith.constant 64 : index
          %get3A_302 = tpu.vector_load %arg13[%get3A_299, %get3A_300, %get3A_301] {strides = array<i32>} : memref<2x64x128xf32, #tpu.memory_space<vmem>>, vector<16xf32>,
          %get3A_303 = arith.constant 1 : i32
          %get3A_304 = arith.index_cast %get3A_303 : i32 to index
          %get3A_305 = arith.index_cast %scan3A_224 : i32 to index
          %get3A_306 = arith.constant 64 : index
          %get3A_307 = tpu.vector_load %arg14[%get3A_304, %get3A_305, %get3A_306] {strides = array<i32>} : memref<2x64x128xf32, #tpu.memory_space<vmem>>, vector<16xf32>,
          %add3A_308 = arith.addf %get3A_302, %get3A_307 : vector<16xf32>
          %mul3A_309 = arith.mulf %add3A_308, %gather3A : vector<16xf32>
          %swap3A_310 = arith.constant 1 : i32
          %swap3A_311 = arith.index_cast %swap3A_310 : i32 to index
          %swap3A_312 = arith.index_cast %scan3A_224 : i32 to index
          %swap3A_313 = arith.constant 64 : index
          %swap3A_314 = tpu.vector_load %arg13[%swap3A_311, %swap3A_312, %swap3A_313] {strides = array<i32>} : memref<2x64x128xf32, #tpu.memory_space<vmem>>, vector<16xf32>,
          tpu.vector_store %arg13[%swap3A_311, %swap3A_312, %swap3A_313], %mul3A_309 {strides = array<i32>} : memref<2x64x128xf32, #tpu.memory_space<vmem>>, vector<16xf32>,
          %get3A_315 = arith.constant 1 : i32
          %get3A_316 = arith.index_cast %get3A_315 : i32 to index
          %get3A_317 = arith.index_cast %scan3A_224 : i32 to index
          %get3A_318 = arith.constant 80 : index
          %get3A_319 = tpu.vector_load %arg13[%get3A_316, %get3A_317, %get3A_318] {strides = array<i32>} : memref<2x64x128xf32, #tpu.memory_space<vmem>>, vector<16xf32>,
          %get3A_320 = arith.constant 1 : i32
          %get3A_321 = arith.index_cast %get3A_320 : i32 to index
          %get3A_322 = arith.index_cast %scan3A_224 : i32 to index
          %get3A_323 = arith.constant 80 : index
          %get3A_324 = tpu.vector_load %arg14[%get3A_321, %get3A_322, %get3A_323] {strides = array<i32>} : memref<2x64x128xf32, #tpu.memory_space<vmem>>, vector<16xf32>,
          %add3A_325 = arith.addf %get3A_319, %get3A_324 : vector<16xf32>
          %mul3A_326 = arith.mulf %add3A_325, %gather3A : vector<16xf32>
          %swap3A_327 = arith.constant 1 : i32
          %swap3A_328 = arith.index_cast %swap3A_327 : i32 to index
          %swap3A_329 = arith.index_cast %scan3A_224 : i32 to index
          %swap3A_330 = arith.constant 80 : index
          %swap3A_331 = tpu.vector_load %arg13[%swap3A_328, %swap3A_329, %swap3A_330] {strides = array<i32>} : memref<2x64x128xf32, #tpu.memory_space<vmem>>, vector<16xf32>,
          tpu.vector_store %arg13[%swap3A_328, %swap3A_329, %swap3A_330], %mul3A_326 {strides = array<i32>} : memref<2x64x128xf32, #tpu.memory_space<vmem>>, vector<16xf32>,
          %get3A_332 = arith.constant 1 : i32
          %get3A_333 = arith.index_cast %get3A_332 : i32 to index
          %get3A_334 = arith.index_cast %scan3A_224 : i32 to index
          %get3A_335 = arith.constant 96 : index
          %get3A_336 = tpu.vector_load %arg13[%get3A_333, %get3A_334, %get3A_335] {strides = array<i32>} : memref<2x64x128xf32, #tpu.memory_space<vmem>>, vector<16xf32>,
          %get3A_337 = arith.constant 1 : i32
          %get3A_338 = arith.index_cast %get3A_337 : i32 to index
          %get3A_339 = arith.index_cast %scan3A_224 : i32 to index
          %get3A_340 = arith.constant 96 : index
          %get3A_341 = tpu.vector_load %arg14[%get3A_338, %get3A_339, %get3A_340] {strides = array<i32>} : memref<2x64x128xf32, #tpu.memory_space<vmem>>, vector<16xf32>,
          %add3A_342 = arith.addf %get3A_336, %get3A_341 : vector<16xf32>
          %mul3A_343 = arith.mulf %add3A_342, %gather3A : vector<16xf32>
          %swap3A_344 = arith.constant 1 : i32
          %swap3A_345 = arith.index_cast %swap3A_344 : i32 to index
          %swap3A_346 = arith.index_cast %scan3A_224 : i32 to index
          %swap3A_347 = arith.constant 96 : index
          %swap3A_348 = tpu.vector_load %arg13[%swap3A_345, %swap3A_346, %swap3A_347] {strides = array<i32>} : memref<2x64x128xf32, #tpu.memory_space<vmem>>, vector<16xf32>,
          tpu.vector_store %arg13[%swap3A_345, %swap3A_346, %swap3A_347], %mul3A_343 {strides = array<i32>} : memref<2x64x128xf32, #tpu.memory_space<vmem>>, vector<16xf32>,
          %get3A_349 = arith.constant 1 : i32
          %get3A_350 = arith.index_cast %get3A_349 : i32 to index
          %get3A_351 = arith.index_cast %scan3A_224 : i32 to index
          %get3A_352 = arith.constant 112 : index
          %get3A_353 = tpu.vector_load %arg13[%get3A_350, %get3A_351, %get3A_352] {strides = array<i32>} : memref<2x64x128xf32, #tpu.memory_space<vmem>>, vector<16xf32>,
          %get3A_354 = arith.constant 1 : i32
          %get3A_355 = arith.index_cast %get3A_354 : i32 to index
          %get3A_356 = arith.index_cast %scan3A_224 : i32 to index
          %get3A_357 = arith.constant 112 : index
          %get3A_358 = tpu.vector_load %arg14[%get3A_355, %get3A_356, %get3A_357] {strides = array<i32>} : memref<2x64x128xf32, #tpu.memory_space<vmem>>, vector<16xf32>,
          %add3A_359 = arith.addf %get3A_353, %get3A_358 : vector<16xf32>
          %mul3A_360 = arith.mulf %add3A_359, %gather3A : vector<16xf32>
          %swap3A_361 = arith.constant 1 : i32
          %swap3A_362 = arith.index_cast %swap3A_361 : i32 to index
          %swap3A_363 = arith.index_cast %scan3A_224 : i32 to index
          %swap3A_364 = arith.constant 112 : index
          %swap3A_365 = tpu.vector_load %arg13[%swap3A_362, %swap3A_363, %swap3A_364] {strides = array<i32>} : memref<2x64x128xf32, #tpu.memory_space<vmem>>, vector<16xf32>,
          tpu.vector_store %arg13[%swap3A_362, %swap3A_363, %swap3A_364], %mul3A_360 {strides = array<i32>} : memref<2x64x128xf32, #tpu.memory_space<vmem>>, vector<16xf32>,
          %scan3A_366 = arith.constant 0 : i32
          scf.yield %scan3A_366 : i32
        }
        %scan3A_210 = arith.constant 64 : i32
        %dma_start3A_211 = arith.constant 1 : i32
        %dma_start3A_212 = arith.constant 1 : i32
        %dma_start3A_213 = arith.constant 0 : i32
        %dma_start3A_214 = arith.constant 0 : i32
        %dma_start3A_215 = tpu.memref_slice %arg13[%dma_start3A_211, %dma_start3A_213, %dma_start3A_214] : memref<2x64x128xf32, #tpu.memory_space<vmem>> -> memref<1x64x128xf32, #tpu.memory_space<vmem>>
        %dma_start3A_216 = tpu.memref_squeeze %dma_start3A_215 : memref<1x64x128xf32, #tpu.memory_space<vmem>> -> memref<64x128xf32, #tpu.memory_space<vmem>>
        %dma_start3A_217 = arith.constant 0 : i32
        %dma_start3A_218 = tpu.memref_slice %arg11[%dma_start3A_212, %dma_start3A_217] : memref<2x64xi32, #tpu.memory_space<vmem>> -> memref<1x64xi32, #tpu.memory_space<vmem>>
        %dma_start3A_219 = tpu.memref_squeeze %dma_start3A_218 : memref<1x64xi32, #tpu.memory_space<vmem>> -> memref<64xi32, #tpu.memory_space<vmem>>
        %dma_start3A_220 = arith.constant 0 : i32
        %dma_start3A_221 = arith.constant 0 : i32
        %dma_start3A_222 = tpu.memref_slice %arg19[%dma_start3A_220, %dma_start3A_221] : memref<10112x128xf32, #tpu.memory_space<vmem_shared>> -> memref<10112x128xf32, #tpu.memory_space<vmem_shared>>
        tpu.enqueue_indirect_dma source(%dma_start3A_216 : memref<64x128xf32, #tpu.memory_space<vmem>>) target(%dma_start3A_222 : memref<10112x128xf32, #tpu.memory_space<vmem_shared>>) offsets(%dma_start3A_219 : memref<64xi32, #tpu.memory_space<vmem>>) semaphore(%arg18 : memref<!tpu.dma_semaphore, #tpu.memory_space<semaphore_mem>>) {add = true}
        %scan3A_223 = arith.constant 0 : i32
        scf.yield %scan3A_223 : i32
      }
      %scan3A_85 = arith.constant 16 : i32
      %dma_wait3A = arith.constant 0 : i32
      %dma_wait3A_86 = arith.constant 0 : i32
      %dma_wait3A_87 = arith.constant 0 : i32
      %dma_wait3A_88 = arith.constant 0 : i32
      %dma_wait3A_89 = tpu.memref_slice %arg13[%dma_wait3A, %dma_wait3A_87, %dma_wait3A_88] : memref<2x64x128xf32, #tpu.memory_space<vmem>> -> memref<1x64x128xf32, #tpu.memory_space<vmem>>
      %dma_wait3A_90 = tpu.memref_squeeze %dma_wait3A_89 : memref<1x64x128xf32, #tpu.memory_space<vmem>> -> memref<64x128xf32, #tpu.memory_space<vmem>>
      %dma_wait3A_91 = arith.constant 0 : i32
      %dma_wait3A_92 = tpu.memref_slice %arg11[%dma_wait3A_86, %dma_wait3A_91] : memref<2x64xi32, #tpu.memory_space<vmem>> -> memref<1x64xi32, #tpu.memory_space<vmem>>
      %dma_wait3A_93 = tpu.memref_squeeze %dma_wait3A_92 : memref<1x64xi32, #tpu.memory_space<vmem>> -> memref<64xi32, #tpu.memory_space<vmem>>
      %dma_wait3A_94 = arith.constant 0 : i32
      %dma_wait3A_95 = arith.constant 0 : i32
      %dma_wait3A_96 = tpu.memref_slice %arg19[%dma_wait3A_94, %dma_wait3A_95] : memref<10112x128xf32, #tpu.memory_space<vmem_shared>> -> memref<10112x128xf32, #tpu.memory_space<vmem_shared>>
      tpu.wait_indirect_dma semaphore(%arg17 : memref<!tpu.dma_semaphore, #tpu.memory_space<semaphore_mem>>) src(%dma_wait3A_90 : memref<64x128xf32, #tpu.memory_space<vmem>>) dst(%dma_wait3A_96 : memref<10112x128xf32, #tpu.memory_space<vmem_shared>>)
      %dma_wait3A_97 = arith.constant 1 : i32
      %dma_wait3A_98 = arith.constant 1 : i32
      %dma_wait3A_99 = arith.constant 0 : i32
      %dma_wait3A_100 = arith.constant 0 : i32
      %dma_wait3A_101 = tpu.memref_slice %arg13[%dma_wait3A_97, %dma_wait3A_99, %dma_wait3A_100] : memref<2x64x128xf32, #tpu.memory_space<vmem>> -> memref<1x64x128xf32, #tpu.memory_space<vmem>>
      %dma_wait3A_102 = tpu.memref_squeeze %dma_wait3A_101 : memref<1x64x128xf32, #tpu.memory_space<vmem>> -> memref<64x128xf32, #tpu.memory_space<vmem>>
      %dma_wait3A_103 = arith.constant 0 : i32
      %dma_wait3A_104 = tpu.memref_slice %arg11[%dma_wait3A_98, %dma_wait3A_103] : memref<2x64xi32, #tpu.memory_space<vmem>> -> memref<1x64xi32, #tpu.memory_space<vmem>>
      %dma_wait3A_105 = tpu.memref_squeeze %dma_wait3A_104 : memref<1x64xi32, #tpu.memory_space<vmem>> -> memref<64xi32, #tpu.memory_space<vmem>>
      %dma_wait3A_106 = arith.constant 0 : i32
      %dma_wait3A_107 = arith.constant 0 : i32
      %dma_wait3A_108 = tpu.memref_slice %arg19[%dma_wait3A_106, %dma_wait3A_107] : memref<10112x128xf32, #tpu.memory_space<vmem_shared>> -> memref<10112x128xf32, #tpu.memory_space<vmem_shared>>
      tpu.wait_indirect_dma semaphore(%arg18 : memref<!tpu.dma_semaphore, #tpu.memory_space<semaphore_mem>>) src(%dma_wait3A_102 : memref<64x128xf32, #tpu.memory_space<vmem>>) dst(%dma_wait3A_108 : memref<10112x128xf32, #tpu.memory_space<vmem_shared>>)
      %while3A_109 = arith.constant 0 : i32
      scf.yield %while3A_109 : i32
    }
    %barrier3A_33 = arith.constant 0 : index
    tpu.barrier barrier_id(%barrier3A_33)
    %scan3A_34 = arith.constant 0 : i32
    %scan3A_35 = arith.constant 0 : i32
    %scan3A_36 = arith.constant 5 : i32
    %scan3A_37 = arith.addi %scan3A_35, %scan3A_36 : i32
    %scan3A_38 = arith.constant 1 : i32
    %scan3A_39 = scf.for %scan3A_41 = %scan3A_35 to %scan3A_37 step %scan3A_38 iter_args(%scan3A_42 = %scan3A_34) -> (i32)  : i32 {
      %mul3A_43 = arith.constant 16 : i32
      %mul3A_44 = arith.muli %scan3A_41, %mul3A_43 : i32
      %add3A_45 = arith.addi %mul3A_44, %arg1 : i32
      %lt3A = arith.constant 79 : i32
      %lt3A_46 = arith.cmpi slt, %add3A_45, %lt3A : i32
      %convert_element_type3A = arith.extui %lt3A_46 : i1 to i32
      %cond3A = arith.constant 0 : i32
      %cond3A_47 = arith.cmpi ne, %convert_element_type3A, %cond3A : i32
      scf.if %cond3A_47 {
        %mul3A_49 = arith.constant 128 : i32
        %mul3A_50 = arith.muli %add3A_45, %mul3A_49 : i32
        %mul3A_51 = arith.constant 128 : i32
        %mul3A_52 = arith.muli %add3A_45, %mul3A_51 : i32
        "tpu.region"() ({
          %run_scoped3A = tpu.sem_alloc : memref<!tpu.dma_semaphore, #tpu.memory_space<semaphore_mem>>
          %dma_start3A = arith.constant 0 : i32
          %dma_start3A_53 = tpu.memref_slice %arg7[%arg0, %mul3A_52, %dma_start3A] : memref<2x10112x128xf32, #tpu.memory_space<hbm>> -> memref<1x128x128xf32, #tpu.memory_space<hbm>>
          %dma_start3A_54 = tpu.memref_squeeze %dma_start3A_53 : memref<1x128x128xf32, #tpu.memory_space<hbm>> -> memref<128x128xf32, #tpu.memory_space<hbm>>
          %dma_start3A_55 = arith.constant 0 : i32
          %dma_start3A_56 = tpu.memref_slice %arg19[%mul3A_50, %dma_start3A_55] : memref<10112x128xf32, #tpu.memory_space<vmem_shared>> -> memref<128x128xf32, #tpu.memory_space<vmem_shared>>
          tpu.enqueue_dma source(%dma_start3A_56 : memref<128x128xf32, #tpu.memory_space<vmem_shared>>) target(%dma_start3A_54 : memref<128x128xf32, #tpu.memory_space<hbm>>) target_semaphore(%run_scoped3A : memref<!tpu.dma_semaphore, #tpu.memory_space<semaphore_mem>>)
          %dma_wait3A = arith.constant 0 : i32
          %dma_wait3A_57 = tpu.memref_slice %arg7[%arg0, %mul3A_52, %dma_wait3A] : memref<2x10112x128xf32, #tpu.memory_space<hbm>> -> memref<1x128x128xf32, #tpu.memory_space<hbm>>
          %dma_wait3A_58 = tpu.memref_squeeze %dma_wait3A_57 : memref<1x128x128xf32, #tpu.memory_space<hbm>> -> memref<128x128xf32, #tpu.memory_space<hbm>>
          %dma_wait3A_59 = arith.constant 0 : i32
          %dma_wait3A_60 = tpu.memref_slice %arg19[%mul3A_50, %dma_wait3A_59] : memref<10112x128xf32, #tpu.memory_space<vmem_shared>> -> memref<128x128xf32, #tpu.memory_space<vmem_shared>>
          tpu.wait_dma2 semaphore(%run_scoped3A : memref<!tpu.dma_semaphore, #tpu.memory_space<semaphore_mem>>) src(%dma_wait3A_60 : memref<128x128xf32, #tpu.memory_space<vmem_shared>>) dst(%dma_wait3A_58 : memref<128x128xf32, #tpu.memory_space<hbm>>)
          tpu.yield
        }) : () -> ()
      } else {
      }
      %scan3A_48 = arith.constant 0 : i32
      scf.yield %scan3A_48 : i32
    }
    %scan3A_40 = arith.constant 5 : i32
    return
  }
}

module attributes {stable_mosaic.version = 14 : i64} {
  func.func @body(%arg0: i32, %arg1: memref<8192x16xf32, #tpu.memory_space<vmem>>, %arg2: memref<272x128xf32, #tpu.memory_space<vmem>>, %arg3: memref<128x1xf32, #tpu.memory_space<vmem>>, %arg4: memref<8192x128xf32, #tpu.memory_space<vmem>>, %arg5: memref<8192x1xf32, #tpu.memory_space<vmem>>) attributes {dimension_semantics = [#tpu.dimension_semantics<arbitrary>], iteration_bounds = array<i64: 40>, scalar_prefetch = 0 : i64, scratch_operands = 0 : i64, tpu.core_type = #tpu.core_type<tc>, window_params = [{transform_indices = @transform_0, window_bounds = array<i64: 8192, 16>}, {pipeline_mode = #tpu.pipeline_mode<synchronous>, transform_indices = @transform_1, window_bounds = array<i64: 272, 128>}, {pipeline_mode = #tpu.pipeline_mode<synchronous>, transform_indices = @transform_2, window_bounds = array<i64: 128, 1>}, {transform_indices = @transform_3, window_bounds = array<i64: 8192, 128>}, {transform_indices = @transform_4, window_bounds = array<i64: 8192, 1>}]} {
    %get3A = arith.constant 0 : index
    %get3A_0 = arith.constant 0 : index
    %get3A_1 = vector.load %arg1[%get3A, %get3A_0] : memref<8192x16xf32, #tpu.memory_space<vmem>>, vector<8192x16xf32>
    %get3A_2 = arith.constant 256 : index
    %get3A_3 = arith.constant 0 : index
    %get3A_4 = vector.load %arg2[%get3A_2, %get3A_3] : memref<272x128xf32, #tpu.memory_space<vmem>>, vector<16x128xf32>
    %dot_general3A = arith.constant dense<0.000000e+00> : vector<8192x128xf32>
    %dot_general3A_5 = tpu.matmul %get3A_1, %get3A_4, %dot_general3A {dimension_numbers = #tpu.dot_dimension_numbers<[1], [0], [0], [1], [0, 0, 1, 1], [], []>, transpose_lhs_hint = false} : vector<8192x16xf32>, vector<16x128xf32>, vector<8192x128xf32> -> vector<8192x128xf32>
    %swap3A = arith.constant 0 : index
    %swap3A_6 = arith.constant 0 : index
    %swap3A_7 = vector.load %arg4[%swap3A, %swap3A_6] : memref<8192x128xf32, #tpu.memory_space<vmem>>, vector<8192x128xf32>
    tpu.vector_store %arg4[%swap3A, %swap3A_6], %dot_general3A_5 {strides = array<i32>} : memref<8192x128xf32, #tpu.memory_space<vmem>>, vector<8192x128xf32>,
    %get3A_8 = arith.constant 0 : index
    %get3A_9 = arith.constant 0 : index
    %get3A_10 = vector.load %arg3[%get3A_8, %get3A_9] : memref<128x1xf32, #tpu.memory_space<vmem>>, vector<128x1xf32>
    %dot_general3A_11 = arith.constant dense<0.000000e+00> : vector<8192x1xf32>
    %dot_general3A_12 = tpu.matmul %dot_general3A_5, %get3A_10, %dot_general3A_11 {dimension_numbers = #tpu.dot_dimension_numbers<[1], [0], [0], [1], [0, 0, 1, 1], [], []>, transpose_lhs_hint = false} : vector<8192x128xf32>, vector<128x1xf32>, vector<8192x1xf32> -> vector<8192x1xf32>
    %swap3A_13 = arith.constant 0 : index
    %swap3A_14 = arith.constant 0 : index
    %swap3A_15 = vector.load %arg5[%swap3A_13, %swap3A_14] : memref<8192x1xf32, #tpu.memory_space<vmem>>, vector<8192x1xf32>
    tpu.vector_store %arg5[%swap3A_13, %swap3A_14], %dot_general3A_12 {strides = array<i32>} : memref<8192x1xf32, #tpu.memory_space<vmem>>, vector<8192x1xf32>,
    return
  }
  func.func @transform_0(%arg0: i32) -> (i32, i32) {
    %c0_i32 = arith.constant 0 : i32
    %c0_i32_0 = arith.constant 0 : i32
    return %arg0, %c0_i32 : i32, i32
  }
  func.func @transform_1(%arg0: i32) -> (i32, i32) {
    %c0_i32 = arith.constant 0 : i32
    %c0_i32_0 = arith.constant 0 : i32
    %c0_i32_1 = arith.constant 0 : i32
    return %c0_i32, %c0_i32_0 : i32, i32
  }
  func.func @transform_2(%arg0: i32) -> (i32, i32) {
    %c0_i32 = arith.constant 0 : i32
    %c0_i32_0 = arith.constant 0 : i32
    %c0_i32_1 = arith.constant 0 : i32
    return %c0_i32, %c0_i32_0 : i32, i32
  }
  func.func @transform_3(%arg0: i32) -> (i32, i32) {
    %c0_i32 = arith.constant 0 : i32
    %c0_i32_0 = arith.constant 0 : i32
    return %arg0, %c0_i32 : i32, i32
  }
  func.func @transform_4(%arg0: i32) -> (i32, i32) {
    %c0_i32 = arith.constant 0 : i32
    %c0_i32_0 = arith.constant 0 : i32
    return %arg0, %c0_i32 : i32, i32
  }
}

module attributes {stable_mosaic.version = 14 : i64} {
  func.func @body(%arg0: i32, %arg1: memref<1000x128xf32, #tpu.memory_space<vmem>>, %arg2: memref<272x128xf32, #tpu.memory_space<vmem>>, %arg3: memref<128x1xf32, #tpu.memory_space<vmem>>, %arg4: memref<1000x128xf32, #tpu.memory_space<vmem>>, %arg5: memref<1000x128xf32, #tpu.memory_space<vmem>>, %arg6: memref<1000x1xf32, #tpu.memory_space<vmem>>, %arg7: memref<1000x1xf32, #tpu.memory_space<vmem>>) attributes {dimension_semantics = [#tpu.dimension_semantics<arbitrary>], iteration_bounds = array<i64: 10>, scalar_prefetch = 0 : i64, scratch_operands = 0 : i64, tpu.core_type = #tpu.core_type<tc>, window_params = [{transform_indices = @transform_0, window_bounds = array<i64: 1000, 128>}, {pipeline_mode = #tpu.pipeline_mode<synchronous>, transform_indices = @transform_1, window_bounds = array<i64: 272, 128>}, {pipeline_mode = #tpu.pipeline_mode<synchronous>, transform_indices = @transform_2, window_bounds = array<i64: 128, 1>}, {transform_indices = @transform_3, window_bounds = array<i64: 1000, 128>}, {transform_indices = @transform_4, window_bounds = array<i64: 1000, 128>}, {transform_indices = @transform_5, window_bounds = array<i64: 1000, 1>}, {transform_indices = @transform_6, window_bounds = array<i64: 1000, 1>}]} {
    %get3A = arith.constant 0 : index
    %get3A_0 = arith.constant 0 : index
    %get3A_1 = vector.load %arg1[%get3A, %get3A_0] : memref<1000x128xf32, #tpu.memory_space<vmem>>, vector<1000x128xf32>
    %get3A_2 = arith.constant 0 : index
    %get3A_3 = arith.constant 0 : index
    %get3A_4 = vector.load %arg2[%get3A_2, %get3A_3] : memref<272x128xf32, #tpu.memory_space<vmem>>, vector<128x128xf32>
    %dot_general3A = arith.constant dense<0.000000e+00> : vector<1000x128xf32>
    %dot_general3A_5 = tpu.matmul %get3A_1, %get3A_4, %dot_general3A {dimension_numbers = #tpu.dot_dimension_numbers<[1], [0], [0], [1], [0, 0, 1, 1], [], []>, transpose_lhs_hint = false} : vector<1000x128xf32>, vector<128x128xf32>, vector<1000x128xf32> -> vector<1000x128xf32>
    %get3A_6 = arith.constant 128 : index
    %get3A_7 = arith.constant 0 : index
    %get3A_8 = vector.load %arg2[%get3A_6, %get3A_7] : memref<272x128xf32, #tpu.memory_space<vmem>>, vector<128x128xf32>
    %dot_general3A_9 = arith.constant dense<0.000000e+00> : vector<1000x128xf32>
    %dot_general3A_10 = tpu.matmul %get3A_1, %get3A_8, %dot_general3A_9 {dimension_numbers = #tpu.dot_dimension_numbers<[1], [0], [0], [1], [0, 0, 1, 1], [], []>, transpose_lhs_hint = false} : vector<1000x128xf32>, vector<128x128xf32>, vector<1000x128xf32> -> vector<1000x128xf32>
    %swap3A = arith.constant 0 : index
    %swap3A_11 = arith.constant 0 : index
    %swap3A_12 = vector.load %arg4[%swap3A, %swap3A_11] : memref<1000x128xf32, #tpu.memory_space<vmem>>, vector<1000x128xf32>
    tpu.vector_store %arg4[%swap3A, %swap3A_11], %dot_general3A_5 {strides = array<i32>} : memref<1000x128xf32, #tpu.memory_space<vmem>>, vector<1000x128xf32>,
    %swap3A_13 = arith.constant 0 : index
    %swap3A_14 = arith.constant 0 : index
    %swap3A_15 = vector.load %arg5[%swap3A_13, %swap3A_14] : memref<1000x128xf32, #tpu.memory_space<vmem>>, vector<1000x128xf32>
    tpu.vector_store %arg5[%swap3A_13, %swap3A_14], %dot_general3A_10 {strides = array<i32>} : memref<1000x128xf32, #tpu.memory_space<vmem>>, vector<1000x128xf32>,
    %get3A_16 = arith.constant 0 : index
    %get3A_17 = arith.constant 0 : index
    %get3A_18 = vector.load %arg3[%get3A_16, %get3A_17] : memref<128x1xf32, #tpu.memory_space<vmem>>, vector<128x1xf32>
    %dot_general3A_19 = arith.constant dense<0.000000e+00> : vector<1000x1xf32>
    %dot_general3A_20 = tpu.matmul %dot_general3A_5, %get3A_18, %dot_general3A_19 {dimension_numbers = #tpu.dot_dimension_numbers<[1], [0], [0], [1], [0, 0, 1, 1], [], []>, transpose_lhs_hint = false} : vector<1000x128xf32>, vector<128x1xf32>, vector<1000x1xf32> -> vector<1000x1xf32>
    %swap3A_21 = arith.constant 0 : index
    %swap3A_22 = arith.constant 0 : index
    %swap3A_23 = vector.load %arg6[%swap3A_21, %swap3A_22] : memref<1000x1xf32, #tpu.memory_space<vmem>>, vector<1000x1xf32>
    tpu.vector_store %arg6[%swap3A_21, %swap3A_22], %dot_general3A_20 {strides = array<i32>} : memref<1000x1xf32, #tpu.memory_space<vmem>>, vector<1000x1xf32>,
    %dot_general3A_24 = arith.constant dense<0.000000e+00> : vector<1000x1xf32>
    %dot_general3A_25 = tpu.matmul %dot_general3A_10, %get3A_18, %dot_general3A_24 {dimension_numbers = #tpu.dot_dimension_numbers<[1], [0], [0], [1], [0, 0, 1, 1], [], []>, transpose_lhs_hint = false} : vector<1000x128xf32>, vector<128x1xf32>, vector<1000x1xf32> -> vector<1000x1xf32>
    %swap3A_26 = arith.constant 0 : index
    %swap3A_27 = arith.constant 0 : index
    %swap3A_28 = vector.load %arg7[%swap3A_26, %swap3A_27] : memref<1000x1xf32, #tpu.memory_space<vmem>>, vector<1000x1xf32>
    tpu.vector_store %arg7[%swap3A_26, %swap3A_27], %dot_general3A_25 {strides = array<i32>} : memref<1000x1xf32, #tpu.memory_space<vmem>>, vector<1000x1xf32>,
    return
  }
  func.func @transform_0(%arg0: i32) -> (i32, i32) {
    %c0_i32 = arith.constant 0 : i32
    %c0_i32_0 = arith.constant 0 : i32
    return %arg0, %c0_i32 : i32, i32
  }
  func.func @transform_1(%arg0: i32) -> (i32, i32) {
    %c0_i32 = arith.constant 0 : i32
    %c0_i32_0 = arith.constant 0 : i32
    %c0_i32_1 = arith.constant 0 : i32
    return %c0_i32, %c0_i32_0 : i32, i32
  }
  func.func @transform_2(%arg0: i32) -> (i32, i32) {
    %c0_i32 = arith.constant 0 : i32
    %c0_i32_0 = arith.constant 0 : i32
    %c0_i32_1 = arith.constant 0 : i32
    return %c0_i32, %c0_i32_0 : i32, i32
  }
  func.func @transform_3(%arg0: i32) -> (i32, i32) {
    %c0_i32 = arith.constant 0 : i32
    %c0_i32_0 = arith.constant 0 : i32
    return %arg0, %c0_i32 : i32, i32
  }
  func.func @transform_4(%arg0: i32) -> (i32, i32) {
    %c0_i32 = arith.constant 0 : i32
    %c0_i32_0 = arith.constant 0 : i32
    return %arg0, %c0_i32 : i32, i32
  }
  func.func @transform_5(%arg0: i32) -> (i32, i32) {
    %c0_i32 = arith.constant 0 : i32
    %c0_i32_0 = arith.constant 0 : i32
    return %arg0, %c0_i32 : i32, i32
  }
  func.func @transform_6(%arg0: i32) -> (i32, i32) {
    %c0_i32 = arith.constant 0 : i32
    %c0_i32_0 = arith.constant 0 : i32
    return %arg0, %c0_i32 : i32, i32
  }
}

module attributes {stable_mosaic.version = 14 : i64} {
  func.func @body(%arg0: i32, %arg1: memref<1000x128xf32, #tpu.memory_space<vmem>>, %arg2: memref<2x1000x1xf32, #tpu.memory_space<vmem>>, %arg3: memref<2x1000x128xf32, #tpu.memory_space<vmem>>, %arg4: memref<1000x128xf32, #tpu.memory_space<vmem>>) attributes {dimension_semantics = [#tpu.dimension_semantics<arbitrary>], iteration_bounds = array<i64: 10>, scalar_prefetch = 0 : i64, scratch_operands = 0 : i64, tpu.core_type = #tpu.core_type<tc>, window_params = [{transform_indices = @transform_0, window_bounds = array<i64: 1000, 128>}, {transform_indices = @transform_1, window_bounds = array<i64: 2, 1000, 1>}, {transform_indices = @transform_2, window_bounds = array<i64: 2, 1000, 128>}, {transform_indices = @transform_3, window_bounds = array<i64: 1000, 128>}]} {
    %get3A = arith.constant 0 : index
    %get3A_0 = arith.constant 0 : index
    %get3A_1 = arith.constant 0 : index
    %get3A_2 = vector.load %arg2[%get3A, %get3A_0, %get3A_1] : memref<2x1000x1xf32, #tpu.memory_space<vmem>>, vector<1x1000x1xf32>
    %get3A_3 = vector.shape_cast %get3A_2 : vector<1x1000x1xf32> to vector<1000x1xf32>
    %get3A_4 = arith.constant 1 : index
    %get3A_5 = arith.constant 0 : index
    %get3A_6 = arith.constant 0 : index
    %get3A_7 = vector.load %arg2[%get3A_4, %get3A_5, %get3A_6] : memref<2x1000x1xf32, #tpu.memory_space<vmem>>, vector<1x1000x1xf32>
    %get3A_8 = vector.shape_cast %get3A_7 : vector<1x1000x1xf32> to vector<1000x1xf32>
    %add3A = arith.addf %get3A_3, %get3A_8 : vector<1000x1xf32>
    %add3A_9 = arith.constant 1.000000e-16 : f32
    %add3A_10 = vector.broadcast %add3A_9 : f32 to vector<1000x1xf32>
    %add3A_11 = arith.addf %add3A, %add3A_10 : vector<1000x1xf32>
    %div3A = arith.constant 1.000000e+00 : f32
    %div3A_12 = vector.broadcast %div3A : f32 to vector<1000x1xf32>
    %div3A_13 = arith.divf %div3A_12, %add3A_11 : vector<1000x1xf32>
    %get3A_14 = arith.constant 0 : index
    %get3A_15 = arith.constant 0 : index
    %get3A_16 = vector.load %arg1[%get3A_14, %get3A_15] : memref<1000x128xf32, #tpu.memory_space<vmem>>, vector<1000x128xf32>
    %mul3A = vector.broadcast %add3A : vector<1000x1xf32> to vector<1000x128xf32>
    %mul3A_17 = arith.mulf %get3A_16, %mul3A : vector<1000x128xf32>
    %get3A_18 = arith.constant 0 : index
    %get3A_19 = arith.constant 0 : index
    %get3A_20 = arith.constant 0 : index
    %get3A_21 = vector.load %arg3[%get3A_18, %get3A_19, %get3A_20] : memref<2x1000x128xf32, #tpu.memory_space<vmem>>, vector<1x1000x128xf32>
    %get3A_22 = vector.shape_cast %get3A_21 : vector<1x1000x128xf32> to vector<1000x128xf32>
    %add3A_23 = arith.addf %mul3A_17, %get3A_22 : vector<1000x128xf32>
    %get3A_24 = arith.constant 1 : index
    %get3A_25 = arith.constant 0 : index
    %get3A_26 = arith.constant 0 : index
    %get3A_27 = vector.load %arg3[%get3A_24, %get3A_25, %get3A_26] : memref<2x1000x128xf32, #tpu.memory_space<vmem>>, vector<1x1000x128xf32>
    %get3A_28 = vector.shape_cast %get3A_27 : vector<1x1000x128xf32> to vector<1000x128xf32>
    %add3A_29 = arith.addf %add3A_23, %get3A_28 : vector<1000x128xf32>
    %mul3A_30 = vector.broadcast %div3A_13 : vector<1000x1xf32> to vector<1000x128xf32>
    %mul3A_31 = arith.mulf %add3A_29, %mul3A_30 : vector<1000x128xf32>
    %gt3A = arith.constant 0.000000e+00 : f32
    %gt3A_32 = vector.broadcast %gt3A : f32 to vector<1000x128xf32>
    %gt3A_33 = arith.cmpf ogt, %mul3A_31, %gt3A_32 : vector<1000x128xf32>
    %exp3A = math.exp %mul3A_31 : vector<1000x128xf32>
    %sub3A = arith.constant 1.000000e+00 : f32
    %sub3A_34 = vector.broadcast %sub3A : f32 to vector<1000x128xf32>
    %sub3A_35 = arith.subf %exp3A, %sub3A_34 : vector<1000x128xf32>
    %select_n3A = arith.select %gt3A_33, %mul3A_31, %sub3A_35 : vector<1000x128xi1>, vector<1000x128xf32>
    %swap3A = arith.constant 0 : index
    %swap3A_36 = arith.constant 0 : index
    %swap3A_37 = vector.load %arg4[%swap3A, %swap3A_36] : memref<1000x128xf32, #tpu.memory_space<vmem>>, vector<1000x128xf32>
    tpu.vector_store %arg4[%swap3A, %swap3A_36], %select_n3A {strides = array<i32>} : memref<1000x128xf32, #tpu.memory_space<vmem>>, vector<1000x128xf32>,
    return
  }
  func.func @transform_0(%arg0: i32) -> (i32, i32) {
    %c0_i32 = arith.constant 0 : i32
    %c0_i32_0 = arith.constant 0 : i32
    return %arg0, %c0_i32 : i32, i32
  }
  func.func @transform_1(%arg0: i32) -> (i32, i32, i32) {
    %c0_i32 = arith.constant 0 : i32
    %c0_i32_0 = arith.constant 0 : i32
    %c0_i32_1 = arith.constant 0 : i32
    return %c0_i32, %arg0, %c0_i32_0 : i32, i32, i32
  }
  func.func @transform_2(%arg0: i32) -> (i32, i32, i32) {
    %c0_i32 = arith.constant 0 : i32
    %c0_i32_0 = arith.constant 0 : i32
    %c0_i32_1 = arith.constant 0 : i32
    return %c0_i32, %arg0, %c0_i32_0 : i32, i32, i32
  }
  func.func @transform_3(%arg0: i32) -> (i32, i32) {
    %c0_i32 = arith.constant 0 : i32
    %c0_i32_0 = arith.constant 0 : i32
    return %arg0, %c0_i32 : i32, i32
  }
}

</mosaic_0001>

<sc_bundles>
// kernel: kernel.10.cloned.1.call-start
scs
__scs_entry_jumppad:
0x0: {  	(pc) =	sbr.rel $0x88, $3  }
0x1: {  	(tag) =	ssettag $0x0;
	lr =	simm.s32 $0x1  }
0x2: {  	[smem:$0x3F9C] =	sst lr;
	_ =	strace $0xD0000000  }
0x3: {  	_ = 	snop  }
0x4: {  	_ = 	snop  }
0x5: {  	_ = 	snop  }
0x6: {  	_ = 	snop  }
0x7: {  	_ = 	snop  }
__scs_overlays_trampoline_lowered:
0x8: {  	[smem:$0x3FAB] =	sst s0  }
0x9: {  	[smem:$0x3FAC] =	sst s1  }
0xa: {  	[smem:$0x3FAD] =	sst s2  }
0xb: {  	[smem:$0x3FAE] =	sst s3  }
0xc: {  	[smem:$0x3FAF] =	sst s4  }
0xd: {  	[smem:$0x3FB0] =	sst s5  }
0xe: {  	[smem:$0x3FB1] =	sst s6  }
0xf: {  	[smem:$0x3FB2] =	sst s7  }
0x10: {  	[smem:$0x3FB3] =	sst s8  }
0x11: {  	[smem:$0x3FB4] =	sst s9;
	s0 =	simm.s32 @!p0 $0x0  }
0x12: {  	s1 =	sld [smem:$0x3F9A];
	s0 =	simm.s32 @p0 $0x1  }
0x13: {  	[smem:$0x3FB5] =	sst s0;
	s0 =	simm.s32 @!p1 $0x0  }
0x14: {  	s2 =	sld [smem:$0x3F99];
	s0 =	simm.s32 @p1 $0x1  }
0x15: {  	[smem:$0x3FB6] =	sst s0;
	s0 =	simm.s32 @!p2 $0x0  }
0x16: {  	s3 =	sld [smem:$0x3FDB];
	s0 =	simm.s32 @p2 $0x1  }
0x17: {  	s4 =	simm.s32 $0x1BF5;
	[smem:$0x3FB8] =	sst s0  }
0x18: {  	s0 =	sld [smem:$0x3F9B];
	_ =	swait.ge [sflag:s4], $0x0  }
0x19: {  	s7 =	sld [smem:$0x3F9C]  }
0x1a: {  	s8 =	sadd.s32 $0xFFFFE003, lr  }
0x1b: {  	s9 =	sadd.s32 $0xFFFFFEF7, lr;
	s5 =	simm.s32 $0xFFFFFFFF;
	p2 =	slt.u32 s8, $0xFFFFF086  }
0x1c: {  	p1 =	slt.u32 s9, $0xF7A;
	s5 =	simm.s32 @!p2 $0x0  }
0x1d: {  	s5 =	simm.s32 @p1 $0x1;
	p0 =	seq.s32 s7, s2  }
0x1e: {  	s7 =	smul.u32 @!p0 $0xF7A, s2;
	p2 =	seq.s32 @!p0 s5, $0x0  }
0x1f: {  	s9 =	smul.u32 $0xF7A, s1;
	s8 =	simm.s32 @!p0 $0x1BF5;
	p2 =	por !p2, p0  }
0x20: {  	[sflag:s8] =	ssyncset.s32 @!p0 $0xFFFFF086;
	s6 =	sadd.s32 @!p0 s3, s7;
	s7 =	simm.s32 @!p0 $0x108  }
0x21: {  	s3 =	sadd.s32 s3, s9;
	s6 =	sadd.s32 @!p0 $0x88, s6;
	s7 =	simm.s32 @p2 $0x1082  }
0x22: {  	[simem:s7], [sflag:s8] =	dma.local @!p0 [hbm:s6], $0xF7A  }
0x23: {  	s9 =	sor.u32 $0xD0000000, s2;
	s6 =	simm.s32 $0x108;
	_ =	swait.ge @!p0 [sflag:s8], $0x0  }
0x24: {  	s3 =	sadd.s32 $0x88, s3;
	s6 =	simm.s32 @!p1 $0x1082;
	[sflag:s4] =	ssyncset.s32 $0xFFFFF086  }
0x25: {  	[simem:s6], [sflag:s4] =	dma.local [hbm:s3], $0xF7A  }
0x26: {  	[smem:$0x3F9C] =	sst s1;
	(tag) =	ssettag s2;
	_ =	strace s9  }
0x27: {  	s1 =	sld [smem:$0x3FAC]  }
0x28: {  	s2 =	sld [smem:$0x3FAD]  }
0x29: {  	s4 =	sld [smem:$0x3FAF]  }
0x2a: {  	p0 =	seq.s32 s5, $0x0;
	s5 =	sld [smem:$0x3FB0]  }
0x2b: {  	s6 =	sld [smem:$0x3FB1]  }
0x2c: {  	s7 =	sld [smem:$0x3FB2]  }
0x2d: {  	s3 =	simm.s32 $0x108;
	s8 =	sld [smem:$0x3FB3]  }
0x2e: {  	s3 =	simm.s32 @!p0 $0x1082;
	s9 =	sld [smem:$0x3FB4]  }
0x2f: {  	lr =	sadd.s32 s0, s3;
	s0 =	sld [smem:$0x3FAB]  }
0x30: {  	s3 =	sld [smem:$0x3FAE]  }
0x31: {  	[smem:$0x3FB7] =	sst s10  }
0x32: {  	s10 =	sld [smem:$0x3FB5];
	_ =	sdelay $0x3  }
0x33: {  	p0 =	seq.s32 s10, $0x1;
	s10 =	sld [smem:$0x3FB7];
	_ =	sdelay $0x3  }
0x34: {  	[smem:$0x3FB7] =	sst s10  }
0x35: {  	s10 =	sld [smem:$0x3FB6];
	_ =	sdelay $0x3  }
0x36: {  	p1 =	seq.s32 s10, $0x1;
	s10 =	sld [smem:$0x3FB7];
	_ =	sdelay $0x3  }
0x37: {  	[smem:$0x3FB7] =	sst s10  }
0x38: {  	s10 =	sld [smem:$0x3FB8]  }
0x39: {  	_ = 	snop;
	(pc) =	sbr.ind lr, $3  }
0x3a: {  	_ = 	snop  }
0x3b: {  	_ = 	snop  }
0x3c: {  	p2 =	seq.s32 s10, $0x1;
	s10 =	sld [smem:$0x3FB7]  }
0x3d: {  	_ =	shalt  }
0x3e: {  	_ =	shalt  }
0x3f: {  	_ =	shalt  }
0x40: {  	_ =	shalt  }
0x41: {  	_ =	shalt  }
0x42: {  	_ =	shalt  }
0x43: {  	_ =	shalt  }
0x44: {  	_ =	shalt  }
0x45: {  	_ =	shalt  }
0x46: {  	_ =	shalt  }
0x47: {  	_ =	shalt  }
0x48: {  	_ =	shalt  }
0x49: {  	_ =	shalt  }
0x4a: {  	_ =	shalt  }
0x4b: {  	_ =	shalt  }
0x4c: {  	_ =	shalt  }
0x4d: {  	_ =	shalt  }
0x4e: {  	_ =	shalt  }
0x4f: {  	_ =	shalt  }
0x50: {  	_ =	shalt  }
0x51: {  	_ =	shalt  }
0x52: {  	_ =	shalt  }
0x53: {  	_ =	shalt  }
0x54: {  	_ =	shalt  }
0x55: {  	_ =	shalt  }
0x56: {  	_ =	shalt  }
0x57: {  	_ =	shalt  }
0x58: {  	_ =	shalt  }
0x59: {  	_ =	shalt  }
0x5a: {  	_ =	shalt  }
0x5b: {  	_ =	shalt  }
0x5c: {  	_ =	shalt  }
0x5d: {  	_ =	shalt  }
0x5e: {  	_ =	shalt  }
0x5f: {  	_ =	shalt  }
0x60: {  	_ =	shalt  }
0x61: {  	_ =	shalt  }
0x62: {  	_ =	shalt  }
0x63: {  	_ =	shalt  }
0x64: {  	_ =	shalt  }
0x65: {  	_ =	shalt  }
0x66: {  	_ =	shalt  }
0x67: {  	_ =	shalt  }
0x68: {  	_ =	shalt  }
0x69: {  	_ =	shalt  }
0x6a: {  	_ =	shalt  }
0x6b: {  	_ =	shalt  }
0x6c: {  	_ =	shalt  }
0x6d: {  	_ =	shalt  }
0x6e: {  	_ =	shalt  }
0x6f: {  	_ =	shalt  }
0x70: {  	_ =	shalt  }
0x71: {  	_ =	shalt  }
0x72: {  	_ =	shalt  }
0x73: {  	_ =	shalt  }
0x74: {  	_ =	shalt  }
0x75: {  	_ =	shalt  }
0x76: {  	_ =	shalt  }
0x77: {  	_ =	shalt  }
0x78: {  	_ =	shalt  }
0x79: {  	_ =	shalt  }
0x7a: {  	_ =	shalt  }
0x7b: {  	_ =	shalt  }
0x7c: {  	_ =	shalt  }
0x7d: {  	_ =	shalt  }
0x7e: {  	_ =	shalt  }
0x7f: {  	_ =	shalt  }
0x80: {  	_ =	shalt  }
0x81: {  	_ =	shalt  }
0x82: {  	_ =	shalt  }
0x83: {  	_ =	shalt  }
0x84: {  	_ =	shalt  }
0x85: {  	_ =	shalt  }
0x86: {  	_ =	shalt  }
0x87: {  	_ =	shalt  }
.Lfunc_end0:
.L_simem_size_0:
called_computation.1_lowered:
.L_overlay_start_0:
0x88: {  	s2 =	sld [smem:$0x3FD9]  }
0x89: {  	s3 =	sld [smem:$0x3FFE];
	_ =	sdelay $0x1  }
0x8a: {  	s1 =	srdreg.scid  }
0x8b: {  	s0 =	sand.u32 $0x1, s1  }
0x8c: {  	s16 =	sshll.u32 s0, $0xA;
	s2 =	sadd.s32 s3, s2  }
0x8d: {  	s2 =	sadd.s32 s2, s16  }
0x8e: {  	[smem:$0x3FC3] =	sst s2  }
0x8f: {  	_ = 	snop  }
0x90: {  	(tm) =	ssettm $0x1  }
0x91: {  	s17 =	sld [smem:$0x3FFB];
	_ =	sdelay $0x3  }
0x92: {  	_ =	strace s17  }
0x93: {  	s2 =	sld [smem:$0x3FFC];
	_ =	sdelay $0x3  }
0x94: {  	_ =	strace s2  }
0x95: {  	s2 =	sld [smem:$0x3FFD];
	_ =	sdelay $0x3  }
0x96: {  	_ =	strace s2  }
0x97: {  	_ =	strace $0x8FFFFFFF  }
0x98: {  	s18 =	sld [smem:$0x3FDB];
	_ =	sdelay $0x1  }
0x99: {  	s19 =	simm.s32 $_scs_section_size  }
0x9a: {  	s4 =	simm.s32 $_size__tile_overlayer_lowered;
	s5 =	simm.s32 $_tile_overlayer_lowered  }
0x9b: {  	s22 =	simm.s32 $0x1BFF;
	s21 =	sshll.u32 s5, $0x1;
	s2 =	sadd.s32 s19, s18  }
0x9c: {  	s6 =	simm.s32 $0x0;
	s20 =	sshll.u32 s4, $0x1;
	s4 =	sadd.s32 s21, s2  }
0x9d: {  	[timem:s6], [sflag:s22] =	dma.local [hbm:s4], s20  }
0x9e: {  	_ =	swait.ge [sflag:s22], s20  }
0x9f: {  	s3 =	ssub.s32 $0x0, s20;
	[sflag:s22] =	ssyncset.done $0x0  }
0xa0: {  	[sflag:s22] =	ssyncadd.s32 s3;
	_ =	sdelay $0x1  }
0xa1: {  	s23 =	simm.s32 $0x1B8B  }
0xa2: {  	_ =	swait.ge [sflag:s23], $0x1  }
0xa3: {  	[sflag:s23] =	ssyncset.done $0x0  }
0xa4: {  	s25 =	simm.s32 $0x1B8E;
	s24 =	sld [smem:$0x3FFE];
	[sflag:s23] =	ssyncadd.s32 $0xFFFFFFFF  }
0xa5: {  	s26 =	simm.s32 $execute0_lowered;
	[smem:$0x3FD2] =	sst s25  }
0xa6: {  	s4 =	sshll.u32 s26, $0x1;
	_ =	strace $0x80000049;
	[dreg:$0x1] =	wrdreg $0xFFFFFFFF  }
0xa7: {  	s28 =	simm.s32 $_size_execute0_lowered;
	s2 =	sadd.s32 s2, s4;
	[dreg:$0x0] =	wrdreg $0x0  }
0xa8: {  	s4 =	sshll.u32 s28, $0x1;
	[dreg:$0x2] =	wrdreg s2  }
0xa9: {  	[dreg:$0x3] =	wrdreg s4  }
0xaa: {  	[dreg:$0x4] =	wrdreg $0xC0  }
0xab: {  	_ =	task [dreg:s6], $0x5FFFF  }
0xac: {  	[dreg:$0x1] =	wrdreg $0xFFFFFFFF  }
0xad: {  	[dreg:$0x0] =	wrdreg $0x60  }
0xae: {  	[dreg:$0x2] =	wrdreg s24  }
0xaf: {  	[dreg:$0x3] =	wrdreg $0x9A000  }
0xb0: {  	[dreg:$0x4] =	wrdreg $0x9  }
0xb1: {  	_ =	task.clear_ibuf [dreg:s6], $0x5FFFF;
	_ =	strace $0x90000049  }
0xb2: {  	s29 =	simm.s32 $0x9;
	_ =	strace $0x8000004B  }
0xb3: {  	_ =	swait.ge [sflag:s29], $0x1  }
0xb4: {  	[sflag:s29] =	ssyncadd.s32 $0xFFFFFFFF  }
0xb5: {  	_ =	strace $0x9000004B  }
0xb6: {  	_ =	sfence  }
0xb7: {  	s30 =	sld [smem:$0x0];
	_ =	sdelay $0x2  }
0xb8: {  	s31 =	sshll.u32 s1, $0xD;
	s1 =	sshrl.u32 s1, $0x2  }
0xb9: {  	s3 =	sand.u32 $0x4000, s31;
	s1 =	sadd.s32 s1, s30  }
0xba: {  	s0 =	sor.u32 s3, s0;
	s1 =	sshll.u32 s1, $0x11  }
0xbb: {  	s0 =	sor.u32 s1, s0  }
0xbc: {  	s0 =	sadd.s32 $0x8F2B, s0  }
0xbd: {  	[sflag:s0] =	ssyncadd.remote.s32 $0x1  }
0xbe: {  	_ =	sfence.sel $0xFFFF  }
0xbf: {  	[dreg:$0x0] =	wrdreg $0xFFFFFFFF;
	(pc) =	sbr.abs _section_cstart, $3  }
0xc0: {  	[dreg:$0x1] =	wrdreg $0xFFFFFFFF  }
0xc1: {  	_ =	task.clear_ibuf [dreg:s6], $0x2FFFF;
	_ =	strace $0x9FFFFFFF  }
0xc2: {  	(tm) =	ssettm $0x7FFFFFFF  }
0xc3: {  	_ =	shalt  }
tec
execute0_lowered:
.L_overlay_start_1:
0x0: {  	(tag) =	ssettag $0x1  }
0x1: {  	s0 =	rddreg [dreg:$0x0]  }
0x2: {  	s1 =	rddreg [dreg:$0x1];
	s3 =	simm.s32 $0x0;
	s21 =	srdreg.scid  }
0x3: {  	s15 =	stileid.u32;
	s28 =	simm.s32 $0x1A00;
	s30 =	simm.s32 $0x3A00  }
0x4: {  	s31 =	simm.s32 $0x5;
	[smem:$0x7FF] =	sst s3;
	s2 =	sadd.s32 $0x32600, s0  }
0x5: {  	s5 =	sadd.s32 $0x3C600, s0;
	s6 =	sadd.s32 $0x47000, s0;
	s7 =	sadd.s32 $0x800, s0  }
0x6: {  	s8 =	sadd.s32 $0xF0A600, s0;
	s4 =	smul.u32 $0x1800, s15;
	s0 =	sadd.s32 $0x51000, s0  }
0x7: {  	s11 =	smul.u32 $0x3800, s15;
	s23 =	sshll.u32 s15, $0xE;
	_ =	strace $0x8000004A  }
0x8: {  	[dreg:$0x4] =	wrdreg s2;
	s2 =	sand.u32 $0x1, s21;
	s24 =	sor.u32 $0x40000, s23  }
0x9: {  	s26 =	sor.u32 $0x80000, s23;
	s18 =	sadd.s32 s23, s1;
	s20 =	sor.u32 $0xC0000, s23  }
0xa: {  	s10 =	ssub.s32 $0x2, s2;
	p0 =	seq.s32 s2, $0x0;
	s9 =	sadd.s32 $0x38000, s4  }
0xb: {  	s2 =	smul.u32 $0x13C000, s2;
	s13 =	sadd.s32 $0x2000, s18;
	[dreg:$0x6] =	wrdreg s18  }
0xc: {  	s25 =	sadd.s32 s24, s1;
	s16 =	sadd.s32 s20, s1;
	[dreg:$0x9] =	wrdreg s13  }
0xd: {  	s29 =	sadd.s32 s26, s1;
	s12 =	sshrl.u32 s10, $0x1;
	[dreg:$0xc] =	wrdreg s16  }
0xe: {  	s9 =	smov.u32 @p0 s11;
	s17 =	sadd.s32 $0x2000, s25;
	[dreg:$0x7] =	wrdreg s25  }
0xf: {  	s19 =	sadd.s32 $0x2000, s29;
	s11 =	sor.u32 $0x100000, s23;
	[dreg:$0x8] =	wrdreg s29  }
0x10: {  	s22 =	ssub.s32 s10, s12;
	s10 =	simm.s32 $0x7;
	[dreg:$0xa] =	wrdreg s17  }
0x11: {  	[dreg:$0xb] =	wrdreg s19;
	s14 =	sadd.s32 s2, s23;
	s21 =	sadd.s32 s2, s26  }
0x12: {  	s17 =	simm.s32 $0x1980;
	s19 =	simm.s32 $0x7A00;
	s10 =	simm.s32 @!p0 $0x3  }
0x13: {  	s4 =	smax.u32 s22, $0x1;
	s14 =	sshrl.u32 s14, $0x3;
	s22 =	sadd.s32 s2, s20  }
0x14: {  	p0 =	seq.s32 s15, $0xF;
	s20 =	simm.s32 $0x1;
	[dreg:$0x5] =	wrdreg s4  }
0x15: {  	s4 =	sadd.s32 s2, s24;
	s14 =	sadd.s32 s0, s14;
	s2 =	sadd.s32 s2, s11  }
0x16: {  	s12 =	sshrl.u32 s22, $0x3;
	s24 =	sadd.s32 $0x2000, s16;
	s11 =	sadd.s32 s11, s1  }
0x17: {  	s16 =	simm.s32 $0x40;
	s22 =	simm.s32 $0x2;
	[dreg:$0xd] =	wrdreg s14  }
0x18: {  	s4 =	sshrl.u32 s4, $0x3;
	s2 =	sshrl.u32 s2, $0x3;
	[dreg:$0x12] =	wrdreg s24  }
0x19: {  	s23 =	sadd.s32 s0, s12;
	s26 =	sadd.s32 $0x2000, s11;
	[dreg:$0x13] =	wrdreg s11  }
0x1a: {  	s24 =	simm.s32 $0x3;
	s4 =	sadd.s32 s0, s4;
	[dreg:$0x10] =	wrdreg s23  }
0x1b: {  	s12 =	simm.s32 $0x0;
	[dreg:$0xe] =	wrdreg s4;
	s4 =	sshrl.u32 s21, $0x3  }
0x1c: {  	[dreg:$0x14] =	wrdreg s26;
	s23 =	simm.s32 $0x1880;
	s4 =	sadd.s32 s0, s4  }
0x1d: {  	s26 =	simm.s32 $0x4;
	s0 =	sadd.s32 s0, s2;
	[dreg:$0xf] =	wrdreg s4  }
0x1e: {  	v0 =	vimm.f32 $0.0e+00;
	s21 =	simm.s32 $0x1800;
	[dreg:$0x11] =	wrdreg s0;
	s4 =	simm.s32 $0x1000  }
.LBB2_1:
0x1f: {  	[dreg:$0x3] =	wrdreg s3;
	s0 =	simm.s32 $0x40;
	s2 =	simm.s32 $0x300  }
.LBB2_2:
0x20: {  	p1 =	sne.s32 s2, $0x7F00;
	[tilespmem:s0+$0x3A30] =	vst v0  }
0x21: {  	[tilespmem:s0+$0x19C0] =	vst v0  }
0x22: {  	[tilespmem:s0+$0x39C0] =	vst v0  }
0x23: {  	[tilespmem:s0+$0x19D0] =	vst v0  }
0x24: {  	[tilespmem:s0+$0x39D0] =	vst v0  }
0x25: {  	[tilespmem:s0+$0x19E0] =	vst v0  }
0x26: {  	[tilespmem:s0+$0x39E0] =	vst v0  }
0x27: {  	[tilespmem:s0+$0x19F0] =	vst v0  }
0x28: {  	[tilespmem:s0+$0x39F0] =	vst v0  }
0x29: {  	[tilespmem:s0+$0x1A00] =	vst v0  }
0x2a: {  	[tilespmem:s0+$0x3A00] =	vst v0  }
.Ltmp0:
0x2b: {  	[tilespmem:s0+$0x1A10] =	vst v0;
	(pc) =	sbr.rel @p1 .LBB2_2-.Ltmp0, $4  }
0x2c: {  	[tilespmem:s0+$0x3A10] =	vst v0  }
0x2d: {  	[tilespmem:s0+$0x1A20] =	vst v0  }
0x2e: {  	[tilespmem:s0+$0x3A20] =	vst v0  }
0x2f: {  	[tilespmem:s0+$0x1A30] =	vst v0;
	s0 =	sshra.s32 s2, $0x2;
	s2 =	sadd.s32 $0x200, s2  }
0x30: {  	[tilespmem:s0+$0x3A30] =	vst v0  }
0x31: {  	[tilespmem:s0+$0x19C0] =	vst v0  }
0x32: {  	[tilespmem:s0+$0x39C0] =	vst v0  }
0x33: {  	[tilespmem:s0+$0x19D0] =	vst v0  }
0x34: {  	[tilespmem:s0+$0x39D0] =	vst v0  }
0x35: {  	[tilespmem:s0+$0x19E0] =	vst v0  }
0x36: {  	[tilespmem:s0+$0x39E0] =	vst v0  }
0x37: {  	[tilespmem:s0+$0x19F0] =	vst v0  }
0x38: {  	[tilespmem:s0+$0x39F0] =	vst v0  }
0x39: {  	[tilespmem:s0+$0x1A00] =	vst v0  }
0x3a: {  	[tilespmem:s0+$0x3A00] =	vst v0  }
0x3b: {  	[tilespmem:s0+$0x1A10] =	vst v0  }
0x3c: {  	[tilespmem:s0+$0x3A10] =	vst v0  }
0x3d: {  	[tilespmem:s0+$0x1A20] =	vst v0  }
0x3e: {  	[tilespmem:s0+$0x3A20] =	vst v0  }
0x3f: {  	[tilespmem:s0+$0x1A30] =	vst v0;
	s2 =	simm.s32 $0x6  }
0x40: {  	[spmem:s18] =	stream.linear.scatter [tilespmem:s28], [sflag:$0x6], $0x2000, $0x38;
	[tilespmem:$0x1D600] =	vst v63  }
0x41: {  	_ =	swait.ge [sflag:s2], $0x2000  }
0x42: {  	[sflag:s2] =	ssyncset.done $0x0  }
0x43: {  	s14 =	rddreg [dreg:$0x9];
	[sflag:s2] =	ssyncadd.s32 $0xFFFFE000  }
0x44: {  	[spmem:s14] =	stream.linear.scatter [tilespmem:s30], [sflag:$0x5], $0x2000, $0x38;
	[tilespmem:$0x1D600] =	vst v63  }
0x45: {  	_ =	swait.ge [sflag:s31], $0x2000  }
0x46: {  	[sflag:s31] =	ssyncset.done $0x0  }
0x47: {  	[sflag:s31] =	ssyncadd.s32 $0xFFFFE000  }
0x48: {  	[spmem:s25] =	stream.linear.scatter [tilespmem:s28], [sflag:$0x6], $0x2000, $0x38;
	[tilespmem:$0x1D600] =	vst v63  }
0x49: {  	_ =	swait.ge [sflag:s2], $0x2000  }
0x4a: {  	[sflag:s2] =	ssyncset.done $0x0  }
0x4b: {  	s15 =	rddreg [dreg:$0xa];
	[sflag:s2] =	ssyncadd.s32 $0xFFFFE000  }
0x4c: {  	[spmem:s15] =	stream.linear.scatter [tilespmem:s30], [sflag:$0x5], $0x2000, $0x38;
	[tilespmem:$0x1D600] =	vst v63  }
0x4d: {  	_ =	swait.ge [sflag:s31], $0x2000  }
0x4e: {  	[sflag:s31] =	ssyncset.done $0x0  }
0x4f: {  	[sflag:s31] =	ssyncadd.s32 $0xFFFFE000  }
0x50: {  	[spmem:s29] =	stream.linear.scatter [tilespmem:s28], [sflag:$0x6], $0x2000, $0x38;
	[tilespmem:$0x1D600] =	vst v63  }
0x51: {  	_ =	swait.ge [sflag:s2], $0x2000  }
0x52: {  	[sflag:s2] =	ssyncset.done $0x0  }
0x53: {  	s18 =	rddreg [dreg:$0xb];
	[sflag:s2] =	ssyncadd.s32 $0xFFFFE000  }
0x54: {  	[spmem:s18] =	stream.linear.scatter [tilespmem:s30], [sflag:$0x5], $0x2000, $0x38;
	[tilespmem:$0x1D600] =	vst v63  }
0x55: {  	_ =	swait.ge [sflag:s31], $0x2000  }
0x56: {  	[sflag:s31] =	ssyncset.done $0x0  }
0x57: {  	s25 =	rddreg [dreg:$0xc];
	[sflag:s31] =	ssyncadd.s32 $0xFFFFE000  }
0x58: {  	[spmem:s25] =	stream.linear.scatter [tilespmem:s28], [sflag:$0x6], $0x2000, $0x38;
	[tilespmem:$0x1D600] =	vst v63  }
0x59: {  	_ =	swait.ge [sflag:s2], $0x2000  }
0x5a: {  	[sflag:s2] =	ssyncset.done $0x0  }
0x5b: {  	s29 =	rddreg [dreg:$0x12];
	[sflag:s2] =	ssyncadd.s32 $0xFFFFE000  }
0x5c: {  	[spmem:s29] =	stream.linear.scatter [tilespmem:s30], [sflag:$0x5], $0x2000, $0x38;
	[tilespmem:$0x1D600] =	vst v63  }
0x5d: {  	_ =	swait.ge [sflag:s31], $0x2000  }
0x5e: {  	[sflag:s31] =	ssyncset.done $0x0  }
0x5f: {  	s0 =	simm.s32 @!p0 $0x1A00;
	[sflag:s31] =	ssyncadd.s32 $0xFFFFE000  }
0x60: {  	[spmem:s11] =	stream.linear.scatter @!p0 [tilespmem:s0], [sflag:$0x6], $0x2000, $0x38;
	[tilespmem:$0x1D600] =	vst v63  }
0x61: {  	s0 =	simm.s32 @!p0 $0x6  }
0x62: {  	_ =	swait.ge @!p0 [sflag:s0], $0x2000  }
0x63: {  	[sflag:s0] =	ssyncset.done @!p0 $0x0  }
0x64: {  	s2 =	rddreg [dreg:$0x14];
	[sflag:s0] =	ssyncadd.s32 @!p0 $0xFFFFE000;
	s0 =	simm.s32 @!p0 $0x3A00  }
0x65: {  	[spmem:s2] =	stream.linear.scatter @!p0 [tilespmem:s0], [sflag:$0x5], $0x2000, $0x38;
	[tilespmem:$0x1D600] =	vst v63  }
0x66: {  	s0 =	simm.s32 @!p0 $0x5  }
0x67: {  	_ =	swait.ge @!p0 [sflag:s0], $0x2000  }
0x68: {  	[sflag:s0] =	ssyncset.done @!p0 $0x0  }
0x69: {  	[sflag:s0] =	ssyncadd.s32 @!p0 $0xFFFFE000  }
0x6a: {  	s13 =	simm.s32 $0x0;
	[bflag:$0x0] =	sbarrier.arrive $0xFFFF  }
.LBB2_4:
0x6b: {  	s0 =	sshll.u32 s13, $0xB  }
0x6c: {  	s0 =	sadd.s32 s9, s0  }
0x6d: {  	s3 =	rddreg [dreg:$0x4];
	s2 =	sshrl.u32 s0, $0x3  }
0x6e: {  	s11 =	sadd.s32 s3, s2  }
0x6f: {  	[tilespmem:s12], [sflag:$0x5] =	stream.linear.gather [hbm4b:s11+s12], $0x800, $0x38;
	[tilespmem:$0x1D600] =	vst v63  }
0x70: {  	_ =	swait.ge [sflag:s31], $0x800  }
0x71: {  	[sflag:s31] =	ssyncset.done $0x0  }
0x72: {  	s14 =	simm.s32 $0x800;
	s3 =	sadd.s32 s5, s2;
	[sflag:s31] =	ssyncadd.s32 $0xFFFFF800  }
0x73: {  	[tilespmem:s14], [sflag:$0x5] =	stream.linear.gather [hbm4b:s3+s12], $0x800, $0x38;
	[tilespmem:$0x1D600] =	vst v63  }
0x74: {  	_ =	swait.ge [sflag:s31], $0x800  }
0x75: {  	[sflag:s31] =	ssyncset.done $0x0  }
0x76: {  	s2 =	sadd.s32 s6, s2;
	[sflag:s31] =	ssyncadd.s32 $0xFFFFF800  }
0x77: {  	[tilespmem:s4], [sflag:$0x5] =	stream.linear.gather [hbm4b:s2+s12], $0x800, $0x38;
	[tilespmem:$0x1D600] =	vst v63  }
0x78: {  	_ =	swait.ge [sflag:s31], $0x800  }
0x79: {  	[sflag:s31] =	ssyncset.done $0x0  }
0x7a: {  	[sflag:s31] =	ssyncadd.s32 $0xFFFFF800  }
0x7b: {  	v1 =	vld [tilespmem:$0x0]  }
0x7c: {  	v2 =	vld [tilespmem:$0x800]  }
0x7d: {  	v3 =	vld [tilespmem:$0x10]  }
0x7e: {  	v4 =	vld [tilespmem:$0x810]  }
0x7f: {  	v5 =	vld [tilespmem:$0x20]  }
0x80: {  	[tilespmem:$0x1800] =	vst v1;
	v1 =	vld [tilespmem:$0x820]  }
0x81: {  	[tilespmem:$0x1900] =	vst v2;
	v2 =	vld [tilespmem:$0x30]  }
0x82: {  	[tilespmem:$0x1810] =	vst v3;
	v3 =	vld [tilespmem:$0x830]  }
0x83: {  	[tilespmem:$0x1910] =	vst v4  }
0x84: {  	[tilespmem:$0x1820] =	vst v5  }
0x85: {  	[tilespmem:$0x1920] =	vst v1  }
0x86: {  	[tilespmem:$0x1830] =	vst v2  }
0x87: {  	s15 =	simm.s32 $0x1900;
	s18 =	sshll.u32 s0, $0x4;
	s14 =	simm.s32 $0x40;
	[tilespmem:$0x1930] =	vst v3  }
0x88: {  	[tilespmem:s28], [sflag:$0x1] =	stream.indirect.gather [hbm4b:s7+s14], $0x80, s15, s14, $0xb8;
	[tilespmem:$0x1D600] =	vst v63  }
0x89: {  	s25 =	simm.s32 $0x5A00;
	s2 =	sadd.s32 s8, s18  }
0x8a: {  	[tilespmem:s25], [sflag:$0x1] =	stream.linear.gather [hbm4b:s2+s12], $0x2000, $0x38;
	[tilespmem:$0x1D600] =	vst v63  }
0x8b: {  	s29 =	simm.s32 $0x0;
	s18 =	sshll.u32 s0, $0x7;
	s25 =	simm.s32 $0x0  }
.LBB2_5:
0x8c: {  	p1 =	seq.s32 s29, $0x0  }
0x8d: {  	s0 =	simm.s32 @!p1 $0x4  }
0x8e: {  	_ =	swait.ge @!p1 [sflag:s0], $0x2000  }
0x8f: {  	s2 =	sshllo.u32 s29, $0x1;
	[sflag:s0] =	ssyncset.done @!p1 $0x0  }
0x90: {  	s3 =	sshll.u32 s2, $0x6;
	[sflag:s0] =	ssyncadd.s32 @!p1 $0xFFFFE000  }
0x91: {  	v1 =	vld [tilespmem:s3+$0x0];
	_ =	sdelay $0x4  }
0x92: {  	[tilespmem:$0x1880] =	vst v1  }
0x93: {  	v1 =	vld [tilespmem:s3+$0x800];
	_ =	sdelay $0x4  }
0x94: {  	[tilespmem:$0x1980] =	vst v1  }
0x95: {  	v1 =	vld [tilespmem:s3+$0x10];
	_ =	sdelay $0x4  }
0x96: {  	[tilespmem:$0x1890] =	vst v1  }
0x97: {  	v1 =	vld [tilespmem:s3+$0x810];
	_ =	sdelay $0x4  }
0x98: {  	[tilespmem:$0x1990] =	vst v1  }
0x99: {  	v1 =	vld [tilespmem:s3+$0x20];
	_ =	sdelay $0x4  }
0x9a: {  	[tilespmem:$0x18A0] =	vst v1  }
0x9b: {  	v1 =	vld [tilespmem:s3+$0x820];
	_ =	sdelay $0x4  }
0x9c: {  	[tilespmem:$0x19A0] =	vst v1  }
0x9d: {  	v1 =	vld [tilespmem:s3+$0x30];
	_ =	sdelay $0x4  }
0x9e: {  	[tilespmem:$0x18B0] =	vst v1  }
0x9f: {  	v1 =	vld [tilespmem:s3+$0x830];
	_ =	sdelay $0x2  }
0xa0: {  	s11 =	sshll.u32 s2, $0xD  }
0xa1: {  	s0 =	sadd.s32 s18, s11  }
0xa2: {  	s0 =	sshrl.u32 s0, $0x3;
	[tilespmem:$0x19B0] =	vst v1  }
0xa3: {  	[tilespmem:s30], [sflag:$0x2] =	stream.indirect.gather [hbm4b:s7+s16], $0x80, s17, s16, $0xb8;
	[tilespmem:$0x1D600] =	vst v63  }
0xa4: {  	s15 =	simm.s32 $0x0;
	s0 =	sadd.s32 s8, s0  }
0xa5: {  	[tilespmem:s19], [sflag:$0x2] =	stream.linear.gather [hbm4b:s0+s15], $0x2000, $0x38;
	[tilespmem:$0x1D600] =	vst v63  }
0xa6: {  	_ =	swait.ge [sflag:s20], $0x2000  }
0xa7: {  	[sflag:s20] =	ssyncset.done $0x0  }
0xa8: {  	[sflag:s20] =	ssyncadd.s32 $0xFFFFE000  }
0xa9: {  	_ =	swait.ge [sflag:s20], $0x2000  }
0xaa: {  	[sflag:s20] =	ssyncset.done $0x0  }
0xab: {  	s2 =	simm.s32 $0x0;
	[sflag:s20] =	ssyncadd.s32 $0xFFFFE000  }
0xac: {  	v2 =	vld [tilespmem:s2+$0x5A50]  }
0xad: {  	v1 =	vld [tilespmem:s2+$0x5A70]  }
0xae: {  	v13 =	vld [tilespmem:s2+$0x5A60]  }
0xaf: {  	v3 =	vld [tilespmem:s2+$0x5A40]  }
0xb0: {  	v11 =	vld [tilespmem:s2+$0x5A20]  }
0xb1: {  	v14 =	vld [tilespmem:s2+$0x1A20]  }
0xb2: {  	v5 =	vld [tilespmem:s2+$0x5A10]  }
0xb3: {  	v15 =	vld [tilespmem:s2+$0x1A60]  }
0xb4: {  	v4 =	vmov s25;
	v7 =	vld [tilespmem:s2+$0x1A30]  }
0xb5: {  	v6 =	vld [tilespmem:s2+$0x5A00]  }
0xb6: {  	v8 =	vld [tilespmem:s2+$0x1A70]  }
0xb7: {  	v10 =	vld [tilespmem:s2+$0x1A10]  }
0xb8: {  	v12 =	vld [tilespmem:s2+$0x5A30]  }
0xb9: {  	v4 =	vld.idx.msk [tilespmem:v4+s4+$0x0], $0xffff  }
0xba: {  	v9 =	vld [tilespmem:s2+$0x1A00]  }
0xbb: {  	s11 =	simm.s32 $0x200;
	s0 =	sshll.u32 s29, $0x1;
	s15 =	sadd.s32 $0x1, s25;
	v11 =	vadd.f32 v11, v14;
	v14 =	vadd.f32 v13, v15;
	v13 =	vld [tilespmem:s2+$0x1A50]  }
.LBB2_6:
0xbc: {  	v15 =	vmov s15;
	s3 =	sshra.s32 s11, $0x2;
	p1 =	sne.s32 s11, $0x7E00;
	s11 =	sadd.s32 $0x200, s11;
	v16 =	vld [tilespmem:s2+$0x1A40]  }
0xbd: {  	v8 =	vadd.f32 v1, v8;
	v17 =	vld [tilespmem:s3+$0x5A50]  }
0xbe: {  	v5 =	vadd.f32 v5, v10;
	v7 =	vadd.f32 v12, v7;
	v1 =	vld [tilespmem:s3+$0x5A70]  }
0xbf: {  	v10 =	vmul.f32 v14, v4;
	v18 =	vld [tilespmem:s3+$0x5A60];
	v6 =	vadd.f32 v6, v9;
	v9 =	vmul.f32 v11, v4  }
0xc0: {  	v8 =	vmul.f32 v8, v4;
	v7 =	vmul.f32 v7, v4;
	v11 =	vld [tilespmem:s3+$0x5A40];
	v19 =	vadd.f32 v2, v13  }
0xc1: {  	v12 =	vld [tilespmem:s3+$0x5A20];
	v13 =	vmul.f32 v6, v4;
	v6 =	vmul.f32 v5, v4;
	[tilespmem:s2+$0x1A20] =	vst v9;
	v3 =	vadd.f32 v3, v16  }
0xc2: {  	v9 =	vld [tilespmem:s3+$0x1A20];
	v14 =	vmul.f32 v19, v4;
	[tilespmem:s2+$0x1A60] =	vst v10;
	v2 =	vmov v17  }
0xc3: {  	v5 =	vld [tilespmem:s3+$0x5A10];
	[tilespmem:s2+$0x1A30] =	vst v7  }
0xc4: {  	v16 =	vld [tilespmem:s3+$0x1A60];
	[tilespmem:s2+$0x1A10] =	vst v6  }
0xc5: {  	v4 =	vmul.f32 v3, v4;
	v7 =	vld [tilespmem:s3+$0x1A30];
	[tilespmem:s2+$0x1A50] =	vst v14;
	v3 =	vmov v11  }
0xc6: {  	v6 =	vld [tilespmem:s3+$0x5A00];
	[tilespmem:s2+$0x1A70] =	vst v8  }
0xc7: {  	v8 =	vld [tilespmem:s3+$0x1A70];
	[tilespmem:s2+$0x1A40] =	vst v4  }
.Ltmp1:
0xc8: {  	v11 =	vadd.f32 v12, v9;
	v10 =	vld [tilespmem:s3+$0x1A10];
	[tilespmem:s2+$0x1A00] =	vst v13;
	s2 =	smov.u32 s3;
	(pc) =	sbr.rel @p1 .LBB2_6-.Ltmp1, $4  }
0xc9: {  	v12 =	vld [tilespmem:s2+$0x5A30]  }
0xca: {  	v14 =	vadd.f32 v18, v16;
	v4 =	vld.idx.msk [tilespmem:v15+s4+$0x0], $0xffff  }
0xcb: {  	v9 =	vld [tilespmem:s2+$0x1A00]  }
0xcc: {  	s15 =	sadd.s32 $0x1, s15;
	v13 =	vld [tilespmem:s2+$0x1A50]  }
0xcd: {  	_ = 	snop  }
0xce: {  	v15 =	vld [tilespmem:s2+$0x1A40]  }
0xcf: {  	v5 =	vadd.f32 v5, v10;
	v11 =	vmul.f32 v11, v4  }
0xd0: {  	v1 =	vadd.f32 v1, v8;
	v10 =	vmul.f32 v14, v4  }
0xd1: {  	v7 =	vadd.f32 v12, v7;
	v5 =	vmul.f32 v5, v4;
	[tilespmem:s2+$0x1A20] =	vst v11  }
0xd2: {  	v1 =	vmul.f32 v1, v4;
	v2 =	vadd.f32 v2, v13;
	[tilespmem:s2+$0x1A60] =	vst v10  }
0xd3: {  	v7 =	vmul.f32 v7, v4;
	[tilespmem:s2+$0x1A10] =	vst v5;
	v3 =	vadd.f32 v3, v15  }
0xd4: {  	v6 =	vadd.f32 v6, v9;
	[tilespmem:s2+$0x1A70] =	vst v1;
	v2 =	vmul.f32 v2, v4  }
0xd5: {  	[tilespmem:s2+$0x1A30] =	vst v7;
	v3 =	vmul.f32 v3, v4  }
0xd6: {  	[tilespmem:s2+$0x1A50] =	vst v2;
	v2 =	vmul.f32 v6, v4  }
0xd7: {  	p1 =	seq.s32 s29, $0xF;
	[tilespmem:s2+$0x1A40] =	vst v3  }
0xd8: {  	[tilespmem:s2+$0x1A00] =	vst v2;
	s2 =	simm.s32 @!p1 $0x3  }
0xd9: {  	[spmem:s1] =	stream.indirect.scatter.add.f32 [tilespmem:s28], [sflag:$0x3], $0x80, s21, s16, $0xb8;
	[tilespmem:$0x1D600] =	vst v63  }
0xda: {  	_ =	swait.ge @!p1 [sflag:s2], $0x2000  }
0xdb: {  	s0 =	sadd.s32 @!p1 $0x2, s0;
	[sflag:s2] =	ssyncset.done @!p1 $0x0  }
0xdc: {  	[sflag:s2] =	ssyncadd.s32 @!p1 $0xFFFFE000;
	s2 =	sshll.u32 @!p1 s0, $0x6  }
0xdd: {  	v1 =	vld @!p1 [tilespmem:s2+$0x0];
	_ =	sdelay $0x4  }
0xde: {  	[tilespmem:$0x1800] =	vst @!p1 v1  }
0xdf: {  	v1 =	vld @!p1 [tilespmem:s2+$0x800];
	_ =	sdelay $0x4  }
0xe0: {  	[tilespmem:$0x1900] =	vst @!p1 v1  }
0xe1: {  	v1 =	vld @!p1 [tilespmem:s2+$0x10];
	_ =	sdelay $0x4  }
0xe2: {  	[tilespmem:$0x1810] =	vst @!p1 v1  }
0xe3: {  	v1 =	vld @!p1 [tilespmem:s2+$0x810];
	_ =	sdelay $0x4  }
0xe4: {  	[tilespmem:$0x1910] =	vst @!p1 v1  }
0xe5: {  	v1 =	vld @!p1 [tilespmem:s2+$0x20];
	_ =	sdelay $0x4  }
0xe6: {  	[tilespmem:$0x1820] =	vst @!p1 v1  }
0xe7: {  	v1 =	vld @!p1 [tilespmem:s2+$0x820];
	_ =	sdelay $0x4  }
0xe8: {  	[tilespmem:$0x1920] =	vst @!p1 v1  }
0xe9: {  	v1 =	vld @!p1 [tilespmem:s2+$0x30];
	_ =	sdelay $0x4  }
0xea: {  	[tilespmem:$0x1830] =	vst @!p1 v1  }
0xeb: {  	v1 =	vld @!p1 [tilespmem:s2+$0x830];
	_ =	sdelay $0x2  }
0xec: {  	s0 =	sshll.u32 @!p1 s0, $0xD  }
0xed: {  	s3 =	simm.s32 @!p1 $0x1900;
	s0 =	sadd.s32 @!p1 s18, s0  }
0xee: {  	s11 =	simm.s32 @!p1 $0x1A00;
	s0 =	sshrl.u32 @!p1 s0, $0x3;
	s2 =	simm.s32 @!p1 $0x40;
	[tilespmem:$0x1930] =	vst @!p1 v1  }
0xef: {  	[tilespmem:s11], [sflag:$0x1] =	stream.indirect.gather @!p1 [hbm4b:s7+s2], $0x80, s3, s2, $0xb8;
	[tilespmem:$0x1D600] =	vst v63  }
0xf0: {  	s0 =	sadd.s32 @!p1 s8, s0;
	s2 =	simm.s32 @!p1 $0x0;
	s3 =	simm.s32 @!p1 $0x5A00  }
0xf1: {  	[tilespmem:s3], [sflag:$0x1] =	stream.linear.gather @!p1 [hbm4b:s0+s2], $0x2000, $0x38;
	[tilespmem:$0x1D600] =	vst v63  }
0xf2: {  	_ =	swait.ge [sflag:s22], $0x2000  }
0xf3: {  	[sflag:s22] =	ssyncset.done $0x0  }
0xf4: {  	[sflag:s22] =	ssyncadd.s32 $0xFFFFE000  }
0xf5: {  	_ =	swait.ge [sflag:s22], $0x2000  }
0xf6: {  	[sflag:s22] =	ssyncset.done $0x0  }
0xf7: {  	s2 =	simm.s32 $0x0;
	[sflag:s22] =	ssyncadd.s32 $0xFFFFE000  }
0xf8: {  	v2 =	vld [tilespmem:s2+$0x7A50]  }
0xf9: {  	v1 =	vld [tilespmem:s2+$0x7A70]  }
0xfa: {  	v12 =	vld [tilespmem:s2+$0x7A60]  }
0xfb: {  	v3 =	vld [tilespmem:s2+$0x7A40]  }
0xfc: {  	v11 =	vld [tilespmem:s2+$0x7A20]  }
0xfd: {  	v14 =	vld [tilespmem:s2+$0x3A20]  }
0xfe: {  	v5 =	vld [tilespmem:s2+$0x7A10]  }
0xff: {  	v15 =	vld [tilespmem:s2+$0x3A60]  }
0x100: {  	v4 =	vmov s14;
	v7 =	vld [tilespmem:s2+$0x3A30]  }
0x101: {  	v6 =	vld [tilespmem:s2+$0x7A00]  }
0x102: {  	v8 =	vld [tilespmem:s2+$0x3A70]  }
0x103: {  	v10 =	vld [tilespmem:s2+$0x3A10]  }
0x104: {  	v13 =	vld [tilespmem:s2+$0x7A30]  }
0x105: {  	v4 =	vld.idx.msk [tilespmem:v4+s4+$0x0], $0xffff  }
0x106: {  	v9 =	vld [tilespmem:s2+$0x3A00]  }
0x107: {  	s11 =	sadd.s32 $0x1, s14;
	s0 =	simm.s32 $0x200;
	v11 =	vadd.f32 v11, v14;
	v14 =	vadd.f32 v12, v15;
	v12 =	vld [tilespmem:s2+$0x3A50]  }
.LBB2_8:
0x108: {  	v15 =	vmov s11;
	s3 =	sshra.s32 s0, $0x2;
	p1 =	sne.s32 s0, $0x7E00;
	s0 =	sadd.s32 $0x200, s0;
	v16 =	vld [tilespmem:s2+$0x3A40]  }
0x109: {  	v8 =	vadd.f32 v1, v8;
	v17 =	vld [tilespmem:s3+$0x7A50]  }
0x10a: {  	v5 =	vadd.f32 v5, v10;
	v7 =	vadd.f32 v13, v7;
	v1 =	vld [tilespmem:s3+$0x7A70]  }
0x10b: {  	v10 =	vmul.f32 v14, v4;
	v18 =	vld [tilespmem:s3+$0x7A60];
	v6 =	vadd.f32 v6, v9;
	v9 =	vmul.f32 v11, v4  }
0x10c: {  	v8 =	vmul.f32 v8, v4;
	v7 =	vmul.f32 v7, v4;
	v11 =	vld [tilespmem:s3+$0x7A40];
	v19 =	vadd.f32 v2, v12  }
0x10d: {  	v12 =	vld [tilespmem:s3+$0x7A20];
	v13 =	vmul.f32 v6, v4;
	v6 =	vmul.f32 v5, v4;
	[tilespmem:s2+$0x3A20] =	vst v9;
	v3 =	vadd.f32 v3, v16  }
0x10e: {  	v9 =	vld [tilespmem:s3+$0x3A20];
	v14 =	vmul.f32 v19, v4;
	[tilespmem:s2+$0x3A60] =	vst v10;
	v2 =	vmov v17  }
0x10f: {  	v5 =	vld [tilespmem:s3+$0x7A10];
	[tilespmem:s2+$0x3A30] =	vst v7  }
0x110: {  	v16 =	vld [tilespmem:s3+$0x3A60];
	[tilespmem:s2+$0x3A10] =	vst v6  }
0x111: {  	v4 =	vmul.f32 v3, v4;
	v7 =	vld [tilespmem:s3+$0x3A30];
	[tilespmem:s2+$0x3A50] =	vst v14;
	v3 =	vmov v11  }
0x112: {  	v6 =	vld [tilespmem:s3+$0x7A00];
	[tilespmem:s2+$0x3A70] =	vst v8  }
0x113: {  	v8 =	vld [tilespmem:s3+$0x3A70];
	[tilespmem:s2+$0x3A40] =	vst v4  }
.Ltmp2:
0x114: {  	v11 =	vadd.f32 v12, v9;
	v10 =	vld [tilespmem:s3+$0x3A10];
	[tilespmem:s2+$0x3A00] =	vst v13;
	s2 =	smov.u32 s3;
	(pc) =	sbr.rel @p1 .LBB2_8-.Ltmp2, $4  }
0x115: {  	v13 =	vld [tilespmem:s2+$0x7A30]  }
0x116: {  	v14 =	vadd.f32 v18, v16;
	v4 =	vld.idx.msk [tilespmem:v15+s4+$0x0], $0xffff  }
0x117: {  	v9 =	vld [tilespmem:s2+$0x3A00]  }
0x118: {  	s11 =	sadd.s32 $0x1, s11;
	v12 =	vld [tilespmem:s2+$0x3A50]  }
0x119: {  	_ = 	snop  }
0x11a: {  	v15 =	vld [tilespmem:s2+$0x3A40]  }
0x11b: {  	v5 =	vadd.f32 v5, v10;
	v11 =	vmul.f32 v11, v4  }
0x11c: {  	v1 =	vadd.f32 v1, v8;
	v63 =	vmul.f32 v14, v4  }
0x11d: {  	v7 =	vadd.f32 v13, v7;
	v5 =	vmul.f32 v5, v4;
	[tilespmem:s2+$0x3A20] =	vst v11  }
0x11e: {  	v1 =	vmul.f32 v1, v4;
	v2 =	vadd.f32 v2, v12;
	[tilespmem:s2+$0x3A60] =	vst v63  }
0x11f: {  	s29 =	sadd.s32 $0x1, s29;
	v7 =	vmul.f32 v7, v4;
	[tilespmem:s2+$0x3A10] =	vst v5;
	v3 =	vadd.f32 v3, v15  }
0x120: {  	p1 =	sne.s32 s29, $0x10;
	v6 =	vadd.f32 v6, v9;
	[tilespmem:s2+$0x3A70] =	vst v1;
	v2 =	vmul.f32 v2, v4  }
.Ltmp3:
0x121: {  	[tilespmem:s2+$0x3A30] =	vst v7;
	v3 =	vmul.f32 v3, v4;
	(pc) =	sbr.rel @p1 .LBB2_5-.Ltmp3, $4  }
0x122: {  	[tilespmem:s2+$0x3A50] =	vst v2;
	v2 =	vmul.f32 v6, v4  }
0x123: {  	[tilespmem:s2+$0x3A40] =	vst v3  }
0x124: {  	s25 =	sadd.s32 $0x80, s25;
	s14 =	sadd.s32 $0x80, s14;
	[tilespmem:s2+$0x3A00] =	vst v2  }
0x125: {  	[spmem:s1] =	stream.indirect.scatter.add.f32 [tilespmem:s30], [sflag:$0x4], $0x80, s23, s16, $0xb8;
	[tilespmem:$0x1D600] =	vst v63  }
0x126: {  	s13 =	sadd.s32 $0x1, s13  }
0x127: {  	_ =	swait.ge [sflag:s24], $0x2000;
	p1 =	sne.s32 s13, s10  }
.Ltmp4:
0x128: {  	[sflag:s24] =	ssyncset.done $0x0;
	(pc) =	sbr.rel @p1 .LBB2_4-.Ltmp4, $4  }
0x129: {  	[sflag:s24] =	ssyncadd.s32 $0xFFFFE000  }
0x12a: {  	_ =	swait.ge [sflag:s26], $0x2000  }
0x12b: {  	[sflag:s26] =	ssyncset.done $0x0  }
0x12c: {  	[sflag:s26] =	ssyncadd.s32 $0xFFFFE000  }
0x12d: {  	s0 =	stileid.u32;
	[bflag:$0x0] =	sbarrier.arrive $0xFFFF  }
0x12e: {  	s0 =	sshll.u32 s0, $0x6;
	s18 =	rddreg [dreg:$0x6]  }
0x12f: {  	s3 =	rddreg [dreg:$0xd];
	s0 =	sor.u32 $0x1C05, s0;
	s2 =	sshrl.u32 s18, $0x3  }
0x130: {  	[hbm:s3], [sflag:s0] =	dma.local [spmem:s2], $0x800  }
0x131: {  	_ =	swait.ge [sflag:s31], $0x800  }
0x132: {  	[sflag:s31] =	ssyncset.done $0x0;
	s25 =	rddreg [dreg:$0x7]  }
0x133: {  	s13 =	rddreg [dreg:$0xe];
	[sflag:s31] =	ssyncadd.s32 $0xFFFFF800;
	s11 =	sshrl.u32 s25, $0x3  }
0x134: {  	[hbm:s13], [sflag:s0] =	dma.local [spmem:s11], $0x800  }
0x135: {  	_ =	swait.ge [sflag:s31], $0x800  }
0x136: {  	[sflag:s31] =	ssyncset.done $0x0;
	s29 =	rddreg [dreg:$0x8]  }
0x137: {  	s15 =	rddreg [dreg:$0xf];
	[sflag:s31] =	ssyncadd.s32 $0xFFFFF800;
	s14 =	sshrl.u32 s29, $0x3  }
0x138: {  	[hbm:s15], [sflag:s0] =	dma.local [spmem:s14], $0x800  }
0x139: {  	_ =	swait.ge [sflag:s31], $0x800  }
0x13a: {  	[sflag:s31] =	ssyncset.done $0x0;
	s11 =	rddreg [dreg:$0xc]  }
0x13b: {  	s13 =	rddreg [dreg:$0x10];
	[sflag:s31] =	ssyncadd.s32 $0xFFFFF800;
	s2 =	sshrl.u32 s11, $0x3  }
0x13c: {  	[hbm:s13], [sflag:s0] =	dma.local [spmem:s2], $0x800  }
0x13d: {  	_ =	swait.ge [sflag:s31], $0x800  }
0x13e: {  	[sflag:s31] =	ssyncset.done $0x0;
	s11 =	rddreg [dreg:$0x13]  }
0x13f: {  	s3 =	rddreg [dreg:$0x11];
	[sflag:s31] =	ssyncadd.s32 $0xFFFFF800;
	s2 =	sshrl.u32 @!p0 s11, $0x3  }
0x140: {  	[hbm:s3], [sflag:s0] =	dma.local @!p0 [spmem:s2], $0x800  }
0x141: {  	s0 =	simm.s32 @!p0 $0x5  }
0x142: {  	_ =	swait.ge @!p0 [sflag:s0], $0x800  }
0x143: {  	s14 =	rddreg [dreg:$0x3]  }
0x144: {  	s15 =	rddreg [dreg:$0x5];
	s3 =	sadd.s32 $0x1, s14  }
0x145: {  	p1 =	sne.s32 s3, s15  }
.Ltmp5:
0x146: {  	_ = 	snop;
	(pc) =	sbr.rel @p1 .LBB2_1-.Ltmp5, $3  }
0x147: {  	_ =	sdelay $0x1  }
0x148: {  	[sflag:s0] =	ssyncset.done @!p0 $0x0  }
0x149: {  	[sflag:s0] =	ssyncadd.s32 @!p0 $0xFFFFF800  }
0x14a: {  	_ =	sfence.sel $0x180000  }
0x14b: {  	[bflag:$0x0] =	sbarrier.arrive $0xFFFF  }
0x14c: {  	_ =	strace $0x9000004A  }
0x14d: {  	s0 =	stileid.u32;
	[bflag:$0x2] =	sbarrier.arrive $0xFFFF  }
0x14e: {  	p0 =	sne.s32 s0, $0x0;
	s0 =	rddreg [dreg:$0x2]  }
0x14f: {  	s0 =	sadd.s32 @!p0 $0x100000, s0  }
0x150: {  	[sflag:s0] =	ssyncadd.tile.s32 @!p0 $0x1;
	_ =	shalt  }
.Lfunc_end2:
_tile_overlayer_lowered:
.L_overlay_start_2:
0x151: {  	(tag) =	ssettag $0x2  }
0x152: {  	s0 =	rddreg [dreg:$0x0];
	s2 =	stileid.u32  }
0x153: {  	s1 =	rddreg [dreg:$0x1];
	p0 =	sne.s32 s2, $0x0  }
0x154: {  	s3 =	rddreg [dreg:$0x2];
	[bflag:$0x3] =	sbarrier.arrive $0xFFFF;
	s2 =	simm.s32 @!p0 $0x1C05  }
0x155: {  	[timem:s3], [sflag:s2] =	dma.local @!p0 [hbm:s0], s1  }
0x156: {  	s0 =	simm.s32 @!p0 $0x5  }
0x157: {  	_ =	swait.ge @!p0 [sflag:s0], s1  }
0x158: {  	s1 =	ssub.s32 @!p0 $0x0, s1;
	[sflag:s0] =	ssyncset.done @!p0 $0x0  }
0x159: {  	[sflag:s0] =	ssyncadd.s32 @!p0 s1  }
0x15a: {  	[bflag:$0x3] =	sbarrier.arrive $0xFFFF  }
0x15b: {  	_ =	shalt  }

// kernel: kernel.7.cloned.1.call-start
scs
__scs_entry_jumppad:
0x0: {  	(pc) =	sbr.rel $0x88, $3  }
0x1: {  	(tag) =	ssettag $0x0;
	lr =	simm.s32 $0x1  }
0x2: {  	[smem:$0x3F9C] =	sst lr;
	_ =	strace $0xD0000000  }
0x3: {  	_ = 	snop  }
0x4: {  	_ = 	snop  }
0x5: {  	_ = 	snop  }
0x6: {  	_ = 	snop  }
0x7: {  	_ = 	snop  }
__scs_overlays_trampoline_lowered:
0x8: {  	[smem:$0x3FAB] =	sst s0  }
0x9: {  	[smem:$0x3FAC] =	sst s1  }
0xa: {  	[smem:$0x3FAD] =	sst s2  }
0xb: {  	[smem:$0x3FAE] =	sst s3  }
0xc: {  	[smem:$0x3FAF] =	sst s4  }
0xd: {  	[smem:$0x3FB0] =	sst s5  }
0xe: {  	[smem:$0x3FB1] =	sst s6  }
0xf: {  	[smem:$0x3FB2] =	sst s7  }
0x10: {  	[smem:$0x3FB3] =	sst s8  }
0x11: {  	[smem:$0x3FB4] =	sst s9;
	s0 =	simm.s32 @!p0 $0x0  }
0x12: {  	s1 =	sld [smem:$0x3F9A];
	s0 =	simm.s32 @p0 $0x1  }
0x13: {  	[smem:$0x3FB5] =	sst s0;
	s0 =	simm.s32 @!p1 $0x0  }
0x14: {  	s2 =	sld [smem:$0x3F99];
	s0 =	simm.s32 @p1 $0x1  }
0x15: {  	[smem:$0x3FB6] =	sst s0;
	s0 =	simm.s32 @!p2 $0x0  }
0x16: {  	s3 =	sld [smem:$0x3FDB];
	s0 =	simm.s32 @p2 $0x1  }
0x17: {  	s4 =	simm.s32 $0x1BF5;
	[smem:$0x3FB8] =	sst s0  }
0x18: {  	s0 =	sld [smem:$0x3F9B];
	_ =	swait.ge [sflag:s4], $0x0  }
0x19: {  	s7 =	sld [smem:$0x3F9C]  }
0x1a: {  	s8 =	sadd.s32 $0xFFFFE003, lr  }
0x1b: {  	s9 =	sadd.s32 $0xFFFFFEF7, lr;
	s5 =	simm.s32 $0xFFFFFFFF;
	p2 =	slt.u32 s8, $0xFFFFF086  }
0x1c: {  	p1 =	slt.u32 s9, $0xF7A;
	s5 =	simm.s32 @!p2 $0x0  }
0x1d: {  	s5 =	simm.s32 @p1 $0x1;
	p0 =	seq.s32 s7, s2  }
0x1e: {  	s7 =	smul.u32 @!p0 $0xF7A, s2;
	p2 =	seq.s32 @!p0 s5, $0x0  }
0x1f: {  	s9 =	smul.u32 $0xF7A, s1;
	s8 =	simm.s32 @!p0 $0x1BF5;
	p2 =	por !p2, p0  }
0x20: {  	[sflag:s8] =	ssyncset.s32 @!p0 $0xFFFFF086;
	s6 =	sadd.s32 @!p0 s3, s7;
	s7 =	simm.s32 @!p0 $0x108  }
0x21: {  	s3 =	sadd.s32 s3, s9;
	s6 =	sadd.s32 @!p0 $0x88, s6;
	s7 =	simm.s32 @p2 $0x1082  }
0x22: {  	[simem:s7], [sflag:s8] =	dma.local @!p0 [hbm:s6], $0xF7A  }
0x23: {  	s9 =	sor.u32 $0xD0000000, s2;
	s6 =	simm.s32 $0x108;
	_ =	swait.ge @!p0 [sflag:s8], $0x0  }
0x24: {  	s3 =	sadd.s32 $0x88, s3;
	s6 =	simm.s32 @!p1 $0x1082;
	[sflag:s4] =	ssyncset.s32 $0xFFFFF086  }
0x25: {  	[simem:s6], [sflag:s4] =	dma.local [hbm:s3], $0xF7A  }
0x26: {  	[smem:$0x3F9C] =	sst s1;
	(tag) =	ssettag s2;
	_ =	strace s9  }
0x27: {  	s1 =	sld [smem:$0x3FAC]  }
0x28: {  	s2 =	sld [smem:$0x3FAD]  }
0x29: {  	s4 =	sld [smem:$0x3FAF]  }
0x2a: {  	p0 =	seq.s32 s5, $0x0;
	s5 =	sld [smem:$0x3FB0]  }
0x2b: {  	s6 =	sld [smem:$0x3FB1]  }
0x2c: {  	s7 =	sld [smem:$0x3FB2]  }
0x2d: {  	s3 =	simm.s32 $0x108;
	s8 =	sld [smem:$0x3FB3]  }
0x2e: {  	s3 =	simm.s32 @!p0 $0x1082;
	s9 =	sld [smem:$0x3FB4]  }
0x2f: {  	lr =	sadd.s32 s0, s3;
	s0 =	sld [smem:$0x3FAB]  }
0x30: {  	s3 =	sld [smem:$0x3FAE]  }
0x31: {  	[smem:$0x3FB7] =	sst s10  }
0x32: {  	s10 =	sld [smem:$0x3FB5];
	_ =	sdelay $0x3  }
0x33: {  	p0 =	seq.s32 s10, $0x1;
	s10 =	sld [smem:$0x3FB7];
	_ =	sdelay $0x3  }
0x34: {  	[smem:$0x3FB7] =	sst s10  }
0x35: {  	s10 =	sld [smem:$0x3FB6];
	_ =	sdelay $0x3  }
0x36: {  	p1 =	seq.s32 s10, $0x1;
	s10 =	sld [smem:$0x3FB7];
	_ =	sdelay $0x3  }
0x37: {  	[smem:$0x3FB7] =	sst s10  }
0x38: {  	s10 =	sld [smem:$0x3FB8]  }
0x39: {  	_ = 	snop;
	(pc) =	sbr.ind lr, $3  }
0x3a: {  	_ = 	snop  }
0x3b: {  	_ = 	snop  }
0x3c: {  	p2 =	seq.s32 s10, $0x1;
	s10 =	sld [smem:$0x3FB7]  }
0x3d: {  	_ =	shalt  }
0x3e: {  	_ =	shalt  }
0x3f: {  	_ =	shalt  }
0x40: {  	_ =	shalt  }
0x41: {  	_ =	shalt  }
0x42: {  	_ =	shalt  }
0x43: {  	_ =	shalt  }
0x44: {  	_ =	shalt  }
0x45: {  	_ =	shalt  }
0x46: {  	_ =	shalt  }
0x47: {  	_ =	shalt  }
0x48: {  	_ =	shalt  }
0x49: {  	_ =	shalt  }
0x4a: {  	_ =	shalt  }
0x4b: {  	_ =	shalt  }
0x4c: {  	_ =	shalt  }
0x4d: {  	_ =	shalt  }
0x4e: {  	_ =	shalt  }
0x4f: {  	_ =	shalt  }
0x50: {  	_ =	shalt  }
0x51: {  	_ =	shalt  }
0x52: {  	_ =	shalt  }
0x53: {  	_ =	shalt  }
0x54: {  	_ =	shalt  }
0x55: {  	_ =	shalt  }
0x56: {  	_ =	shalt  }
0x57: {  	_ =	shalt  }
0x58: {  	_ =	shalt  }
0x59: {  	_ =	shalt  }
0x5a: {  	_ =	shalt  }
0x5b: {  	_ =	shalt  }
0x5c: {  	_ =	shalt  }
0x5d: {  	_ =	shalt  }
0x5e: {  	_ =	shalt  }
0x5f: {  	_ =	shalt  }
0x60: {  	_ =	shalt  }
0x61: {  	_ =	shalt  }
0x62: {  	_ =	shalt  }
0x63: {  	_ =	shalt  }
0x64: {  	_ =	shalt  }
0x65: {  	_ =	shalt  }
0x66: {  	_ =	shalt  }
0x67: {  	_ =	shalt  }
0x68: {  	_ =	shalt  }
0x69: {  	_ =	shalt  }
0x6a: {  	_ =	shalt  }
0x6b: {  	_ =	shalt  }
0x6c: {  	_ =	shalt  }
0x6d: {  	_ =	shalt  }
0x6e: {  	_ =	shalt  }
0x6f: {  	_ =	shalt  }
0x70: {  	_ =	shalt  }
0x71: {  	_ =	shalt  }
0x72: {  	_ =	shalt  }
0x73: {  	_ =	shalt  }
0x74: {  	_ =	shalt  }
0x75: {  	_ =	shalt  }
0x76: {  	_ =	shalt  }
0x77: {  	_ =	shalt  }
0x78: {  	_ =	shalt  }
0x79: {  	_ =	shalt  }
0x7a: {  	_ =	shalt  }
0x7b: {  	_ =	shalt  }
0x7c: {  	_ =	shalt  }
0x7d: {  	_ =	shalt  }
0x7e: {  	_ =	shalt  }
0x7f: {  	_ =	shalt  }
0x80: {  	_ =	shalt  }
0x81: {  	_ =	shalt  }
0x82: {  	_ =	shalt  }
0x83: {  	_ =	shalt  }
0x84: {  	_ =	shalt  }
0x85: {  	_ =	shalt  }
0x86: {  	_ =	shalt  }
0x87: {  	_ =	shalt  }
.Lfunc_end0:
.L_simem_size_0:
called_computation_lowered:
.L_overlay_start_0:
0x88: {  	s2 =	sld [smem:$0x3FD9]  }
0x89: {  	s3 =	sld [smem:$0x3FFE];
	_ =	sdelay $0x1  }
0x8a: {  	s1 =	srdreg.scid  }
0x8b: {  	s0 =	sand.u32 $0x1, s1  }
0x8c: {  	s16 =	sshll.u32 s0, $0xA;
	s2 =	sadd.s32 s3, s2  }
0x8d: {  	s2 =	sadd.s32 s2, s16  }
0x8e: {  	[smem:$0x3FC3] =	sst s2  }
0x8f: {  	_ = 	snop  }
0x90: {  	(tm) =	ssettm $0x1  }
0x91: {  	s17 =	sld [smem:$0x3FFB];
	_ =	sdelay $0x3  }
0x92: {  	_ =	strace s17  }
0x93: {  	s2 =	sld [smem:$0x3FFC];
	_ =	sdelay $0x3  }
0x94: {  	_ =	strace s2  }
0x95: {  	s2 =	sld [smem:$0x3FFD];
	_ =	sdelay $0x3  }
0x96: {  	_ =	strace s2  }
0x97: {  	_ =	strace $0x8FFFFFFF  }
0x98: {  	s18 =	sld [smem:$0x3FDB];
	_ =	sdelay $0x1  }
0x99: {  	s19 =	simm.s32 $_scs_section_size  }
0x9a: {  	s4 =	simm.s32 $_size__tile_overlayer_lowered;
	s5 =	simm.s32 $_tile_overlayer_lowered  }
0x9b: {  	s22 =	simm.s32 $0x1BFF;
	s21 =	sshll.u32 s5, $0x1;
	s2 =	sadd.s32 s19, s18  }
0x9c: {  	s6 =	simm.s32 $0x0;
	s20 =	sshll.u32 s4, $0x1;
	s4 =	sadd.s32 s21, s2  }
0x9d: {  	[timem:s6], [sflag:s22] =	dma.local [hbm:s4], s20  }
0x9e: {  	_ =	swait.ge [sflag:s22], s20  }
0x9f: {  	s3 =	ssub.s32 $0x0, s20;
	[sflag:s22] =	ssyncset.done $0x0  }
0xa0: {  	[sflag:s22] =	ssyncadd.s32 s3;
	_ =	sdelay $0x1  }
0xa1: {  	s23 =	simm.s32 $0x1B8B  }
0xa2: {  	_ =	swait.ge [sflag:s23], $0x1  }
0xa3: {  	[sflag:s23] =	ssyncset.done $0x0  }
0xa4: {  	s25 =	simm.s32 $0x1B8E;
	s24 =	sld [smem:$0x3FFE];
	[sflag:s23] =	ssyncadd.s32 $0xFFFFFFFF  }
0xa5: {  	s26 =	simm.s32 $execute0_lowered;
	[smem:$0x3FD2] =	sst s25  }
0xa6: {  	s4 =	sshll.u32 s26, $0x1;
	_ =	strace $0x80000046;
	[dreg:$0x1] =	wrdreg $0xFFFFFFFF  }
0xa7: {  	s28 =	simm.s32 $_size_execute0_lowered;
	s2 =	sadd.s32 s2, s4;
	[dreg:$0x0] =	wrdreg $0x0  }
0xa8: {  	s4 =	sshll.u32 s28, $0x1;
	[dreg:$0x2] =	wrdreg s2  }
0xa9: {  	[dreg:$0x3] =	wrdreg s4  }
0xaa: {  	[dreg:$0x4] =	wrdreg $0xC0  }
0xab: {  	_ =	task [dreg:s6], $0x5FFFF  }
0xac: {  	[dreg:$0x1] =	wrdreg $0xFFFFFFFF  }
0xad: {  	[dreg:$0x0] =	wrdreg $0x60  }
0xae: {  	[dreg:$0x2] =	wrdreg s24  }
0xaf: {  	[dreg:$0x3] =	wrdreg $0x70000  }
0xb0: {  	[dreg:$0x4] =	wrdreg $0x9  }
0xb1: {  	_ =	task.clear_ibuf [dreg:s6], $0x5FFFF;
	_ =	strace $0x90000046  }
0xb2: {  	s29 =	simm.s32 $0x9;
	_ =	strace $0x80000048  }
0xb3: {  	_ =	swait.ge [sflag:s29], $0x1  }
0xb4: {  	[sflag:s29] =	ssyncadd.s32 $0xFFFFFFFF  }
0xb5: {  	_ =	strace $0x90000048  }
0xb6: {  	_ =	sfence  }
0xb7: {  	s30 =	sld [smem:$0x0];
	_ =	sdelay $0x2  }
0xb8: {  	s31 =	sshll.u32 s1, $0xD;
	s1 =	sshrl.u32 s1, $0x2  }
0xb9: {  	s3 =	sand.u32 $0x4000, s31;
	s1 =	sadd.s32 s1, s30  }
0xba: {  	s0 =	sor.u32 s3, s0;
	s1 =	sshll.u32 s1, $0x11  }
0xbb: {  	s0 =	sor.u32 s1, s0  }
0xbc: {  	s0 =	sadd.s32 $0x8F2B, s0  }
0xbd: {  	[sflag:s0] =	ssyncadd.remote.s32 $0x1  }
0xbe: {  	_ =	sfence.sel $0xFFFF  }
0xbf: {  	[dreg:$0x0] =	wrdreg $0xFFFFFFFF;
	(pc) =	sbr.abs _section_cstart, $3  }
0xc0: {  	[dreg:$0x1] =	wrdreg $0xFFFFFFFF  }
0xc1: {  	_ =	task.clear_ibuf [dreg:s6], $0x2FFFF;
	_ =	strace $0x9FFFFFFF  }
0xc2: {  	(tm) =	ssettm $0x7FFFFFFF  }
0xc3: {  	_ =	shalt  }
tec
execute0_lowered:
.L_overlay_start_1:
0x0: {  	(tag) =	ssettag $0x1  }
0x1: {  	s0 =	rddreg [dreg:$0x0]  }
0x2: {  	s1 =	rddreg [dreg:$0x1]  }
0x3: {  	s2 =	simm.s32 $0x0;
	s6 =	srdreg.scid;
	s23 =	stileid.u32  }
0x4: {  	s28 =	simm.s32 $0x5700;
	s29 =	simm.s32 $0x5F00;
	s30 =	simm.s32 $0x6700  }
0x5: {  	s31 =	simm.s32 $0x80;
	[smem:$0x7FF] =	sst s2;
	s3 =	sadd.s32 $0x32600, s0  }
0x6: {  	s4 =	sadd.s32 $0x3C600, s0;
	s5 =	sadd.s32 $0x28600, s0;
	s7 =	sadd.s32 $0x27A00, s0  }
0x7: {  	s19 =	sadd.s32 $0x28000, s0;
	s6 =	sand.u32 $0x1, s6;
	s9 =	sadd.s32 $0x47000, s0  }
0x8: {  	s11 =	smul.u32 $0x1800, s23;
	s22 =	sshll.u32 s23, $0x7;
	s24 =	sor.u32 $0x10, s23  }
0x9: {  	s26 =	sor.u32 $0x20, s23;
	_ =	strace $0x80000047;
	[dreg:$0x3] =	wrdreg s7  }
0xa: {  	s12 =	sor.u32 $0x30, s23;
	[dreg:$0x4] =	wrdreg s19;
	s20 =	ssub.s32 $0x2, s6  }
0xb: {  	s8 =	sshll.u32 s6, $0x4;
	p0 =	seq.s32 s6, $0x0;
	s13 =	sadd.s32 s22, s1  }
0xc: {  	s25 =	sshll.u32 s24, $0x7;
	s18 =	sshll.u32 s26, $0x7;
	s19 =	sshll.u32 s12, $0x7  }
0xd: {  	s22 =	sshll.u32 s24, $0x5;
	s24 =	sshll.u32 s26, $0x5;
	s10 =	sshrl.u32 s20, $0x1  }
0xe: {  	s0 =	sadd.s32 s8, s0;
	s8 =	smul.u32 $0x3800, s23;
	s14 =	sadd.s32 s25, s1  }
0xf: {  	s15 =	sadd.s32 s18, s1;
	s18 =	sor.u32 $0x40, s23;
	s16 =	sadd.s32 s19, s1  }
0x10: {  	s19 =	sshll.u32 s23, $0x5;
	s25 =	sshll.u32 s12, $0x5;
	s7 =	ssub.s32 s20, s10  }
0x11: {  	s10 =	sadd.s32 $0x38000, s11;
	s11 =	simm.s32 $0x7;
	s0 =	sadd.s32 $0x46600, s0  }
0x12: {  	s20 =	sshll.u32 s18, $0x7;
	s26 =	sshll.u32 s18, $0x5;
	s10 =	smov.u32 @p0 s8  }
0x13: {  	s11 =	simm.s32 @!p0 $0x3;
	s21 =	smax.u32 s7, $0x1;
	s17 =	sadd.s32 s20, s1  }
0x14: {  	s6 =	sadd.s32 s22, s0;
	s20 =	sadd.s32 s24, s0;
	s22 =	sadd.s32 s26, s0  }
0x15: {  	p0 =	seq.s32 s23, $0xF;
	s23 =	simm.s32 $0x1;
	[dreg:$0x5] =	wrdreg s21  }
0x16: {  	s24 =	simm.s32 $0x2780;
	s21 =	sadd.s32 s19, s0;
	[dreg:$0x7] =	wrdreg s6  }
0x17: {  	s26 =	simm.s32 $0x4F00;
	s6 =	simm.s32 $0x0;
	[dreg:$0x6] =	wrdreg s21  }
0x18: {  	v0 =	vimm.f32 $0.0e+00;
	s21 =	sadd.s32 s25, s0;
	s25 =	simm.s32 $0x6F80;
	s0 =	simm.s32 $0x6F00  }
.LBB2_1:
0x19: {  	s7 =	rddreg [dreg:$0x3]  }
0x1a: {  	[tilespmem:s2], [sflag:$0x1] =	stream.linear.gather [hbm4b:s7+s2], $0x2780, $0x38;
	[tilespmem:$0x7278] =	vst v63  }
0x1b: {  	_ =	swait.ge [sflag:s23], $0x2780  }
0x1c: {  	[sflag:s23] =	ssyncset.done $0x0  }
0x1d: {  	s19 =	rddreg [dreg:$0x4];
	[sflag:s23] =	ssyncadd.s32 $0xFFFFD880  }
0x1e: {  	[tilespmem:s24], [sflag:$0x1] =	stream.linear.gather [hbm4b:s19+s2], $0x2780, $0x38;
	[tilespmem:$0x7278] =	vst v63  }
0x1f: {  	_ =	swait.ge [sflag:s23], $0x2780  }
0x20: {  	[sflag:s23] =	ssyncset.done $0x0  }
0x21: {  	[sflag:s23] =	ssyncadd.s32 $0xFFFFD880  }
0x22: {  	[tilespmem:$0x6F80] =	vst v0  }
0x23: {  	[tilespmem:$0x6F90] =	vst v0  }
0x24: {  	[tilespmem:$0x6FA0] =	vst v0  }
0x25: {  	[tilespmem:$0x6FB0] =	vst v0  }
0x26: {  	[tilespmem:$0x6FC0] =	vst v0  }
0x27: {  	[tilespmem:$0x6FD0] =	vst v0  }
0x28: {  	[tilespmem:$0x6FE0] =	vst v0  }
0x29: {  	[tilespmem:$0x6FF0] =	vst v0  }
0x2a: {  	[spmem:s13] =	stream.linear.scatter [tilespmem:s25], [sflag:$0x1], $0x80, $0x38;
	[tilespmem:$0x7278] =	vst v63  }
0x2b: {  	_ =	swait.ge [sflag:s23], $0x80  }
0x2c: {  	[sflag:s23] =	ssyncset.done $0x0  }
0x2d: {  	[sflag:s23] =	ssyncadd.s32 $0xFFFFFF80  }
0x2e: {  	[spmem:s14] =	stream.linear.scatter [tilespmem:s25], [sflag:$0x1], $0x80, $0x38;
	[tilespmem:$0x7278] =	vst v63  }
0x2f: {  	_ =	swait.ge [sflag:s23], $0x80  }
0x30: {  	[sflag:s23] =	ssyncset.done $0x0  }
0x31: {  	[sflag:s23] =	ssyncadd.s32 $0xFFFFFF80  }
0x32: {  	[spmem:s15] =	stream.linear.scatter [tilespmem:s25], [sflag:$0x1], $0x80, $0x38;
	[tilespmem:$0x7278] =	vst v63  }
0x33: {  	_ =	swait.ge [sflag:s23], $0x80  }
0x34: {  	[sflag:s23] =	ssyncset.done $0x0  }
0x35: {  	[sflag:s23] =	ssyncadd.s32 $0xFFFFFF80  }
0x36: {  	[spmem:s16] =	stream.linear.scatter [tilespmem:s25], [sflag:$0x1], $0x80, $0x38;
	[tilespmem:$0x7278] =	vst v63  }
0x37: {  	_ =	swait.ge [sflag:s23], $0x80  }
0x38: {  	[sflag:s23] =	ssyncset.done $0x0  }
0x39: {  	s7 =	simm.s32 @!p0 $0x6F80;
	[sflag:s23] =	ssyncadd.s32 $0xFFFFFF80  }
0x3a: {  	[spmem:s17] =	stream.linear.scatter @!p0 [tilespmem:s7], [sflag:$0x1], $0x80, $0x38;
	[tilespmem:$0x7278] =	vst v63  }
0x3b: {  	s7 =	simm.s32 @!p0 $0x1  }
0x3c: {  	_ =	swait.ge @!p0 [sflag:s7], $0x80  }
0x3d: {  	[sflag:s7] =	ssyncset.done @!p0 $0x0  }
0x3e: {  	[sflag:s7] =	ssyncadd.s32 @!p0 $0xFFFFFF80  }
0x3f: {  	s7 =	simm.s32 $0x0;
	[bflag:$0x0] =	sbarrier.arrive $0xFFFF  }
.LBB2_2:
0x40: {  	s8 =	sshll.u32 s7, $0xB  }
0x41: {  	s8 =	sadd.s32 s10, s8  }
0x42: {  	s8 =	sshrl.u32 s8, $0x3  }
0x43: {  	s18 =	simm.s32 $0x0;
	s12 =	sadd.s32 s3, s8  }
0x44: {  	[tilespmem:s26], [sflag:$0x1] =	stream.linear.gather [hbm4b:s12+s18], $0x800, $0x38;
	[tilespmem:$0x7278] =	vst v63  }
0x45: {  	_ =	swait.ge [sflag:s23], $0x800  }
0x46: {  	[sflag:s23] =	ssyncset.done $0x0  }
0x47: {  	s19 =	sadd.s32 s4, s8;
	[sflag:s23] =	ssyncadd.s32 $0xFFFFF800  }
0x48: {  	[tilespmem:s28], [sflag:$0x1] =	stream.linear.gather [hbm4b:s19+s18], $0x800, $0x38;
	[tilespmem:$0x7278] =	vst v63  }
0x49: {  	_ =	swait.ge [sflag:s23], $0x800  }
0x4a: {  	[sflag:s23] =	ssyncset.done $0x0  }
0x4b: {  	s19 =	sadd.s32 s5, s8;
	[sflag:s23] =	ssyncadd.s32 $0xFFFFF800  }
0x4c: {  	[tilespmem:s29], [sflag:$0x1] =	stream.linear.gather [hbm4b:s19+s18], $0x800, $0x38;
	[tilespmem:$0x7278] =	vst v63  }
0x4d: {  	_ =	swait.ge [sflag:s23], $0x800  }
0x4e: {  	[sflag:s23] =	ssyncset.done $0x0  }
0x4f: {  	s12 =	simm.s32 $0x0;
	[sflag:s23] =	ssyncadd.s32 $0xFFFFF800  }
0x50: {  	v1 =	vld [tilespmem:s12+$0x5700]  }
0x51: {  	v2 =	vld [tilespmem:s12+$0x4F00];
	_ =	sdelay $0x6  }
0x52: {  	v1 =	vld.idx.msk [tilespmem:v1+s24+$0x0], $0xffff  }
0x53: {  	v2 =	vld.idx.msk [tilespmem:v2+s2+$0x0], $0xffff;
	_ =	sdelay $0x1  }
0x54: {  	v3 =	vld [tilespmem:s12+$0x5F00];
	_ =	sdelay $0x2  }
0x55: {  	v1 =	vadd.f32 v1, v2;
	_ =	sdelay $0x1  }
0x56: {  	v1 =	vadd.f32 v3, v1;
	_ =	sdelay $0x1  }
0x57: {  	v2 =	vmul.f32 $2.000000030e-01, v1  }
0x58: {  	vm0 =	vgt.f32 v1, $0.0e+00  }
0x59: {  	v1 =	vsel vm0, v1, v2  }
0x5a: {  	v1 =	vmin.f32 v1, $5.000000000e+01  }
0x5b: {  	v1 =	vmul.f32 $1.442695020e+00, v1;
	_ =	sdelay $0x1  }
0x5c: {  	(erf) = vpow2.f32 v1;
	_ =	sdelay $0x1  }
0x5d: {  	s19 =	simm.s32 $0x10  }
0x5e: {  	s18 =	simm.s32 $0x80;
	v1 =	vld [tilespmem:s19+$0x5700]  }
.LBB2_3:
0x5f: {  	p1 =	sne.s32 s18, $0x1FC0;
	v2 =	vld [tilespmem:s19+$0x4F00];
	_ =	sdelay $0x4  }
0x60: {  	v3 =	vpop (erf)  }
0x61: {  	[tilespmem:s12+$0x6700] =	vst v3;
	s12 =	smov.u32 s19  }
0x62: {  	v1 =	vld.idx.msk [tilespmem:v1+s24+$0x0], $0xffff  }
0x63: {  	v2 =	vld.idx.msk [tilespmem:v2+s2+$0x0], $0xffff;
	_ =	sdelay $0x2  }
0x64: {  	v3 =	vld [tilespmem:s12+$0x5F00];
	_ =	sdelay $0x2  }
0x65: {  	v1 =	vadd.f32 v1, v2;
	_ =	sdelay $0x1  }
0x66: {  	v1 =	vadd.f32 v3, v1;
	_ =	sdelay $0x1  }
0x67: {  	v2 =	vmul.f32 $2.000000030e-01, v1  }
0x68: {  	vm0 =	vgt.f32 v1, $0.0e+00  }
0x69: {  	v1 =	vsel vm0, v1, v2  }
0x6a: {  	v1 =	vmin.f32 v1, $5.000000000e+01  }
0x6b: {  	v1 =	vmul.f32 $1.442695020e+00, v1  }
.Ltmp0:
0x6c: {  	(pc) =	sbr.rel @p1 .LBB2_3-.Ltmp0, $3  }
0x6d: {  	(erf) = vpow2.f32 v1;
	_ =	sdelay $0x1  }
0x6e: {  	s19 =	sshra.s32 s18, $0x2  }
0x6f: {  	s18 =	sadd.s32 $0x40, s18;
	v1 =	vld [tilespmem:s19+$0x5700]  }
0x70: {  	_ = 	snop  }
0x71: {  	v2 =	vld [tilespmem:s19+$0x4F00];
	_ =	sdelay $0x4  }
0x72: {  	v3 =	vpop (erf)  }
0x73: {  	[tilespmem:s12+$0x6700] =	vst v3  }
0x74: {  	v1 =	vld.idx.msk [tilespmem:v1+s24+$0x0], $0xffff  }
0x75: {  	v2 =	vld.idx.msk [tilespmem:v2+s2+$0x0], $0xffff;
	_ =	sdelay $0x1  }
0x76: {  	v3 =	vld [tilespmem:s19+$0x5F00];
	_ =	sdelay $0x2  }
0x77: {  	v1 =	vadd.f32 v1, v2;
	_ =	sdelay $0x1  }
0x78: {  	v1 =	vadd.f32 v3, v1;
	_ =	sdelay $0x1  }
0x79: {  	v2 =	vmul.f32 $2.000000030e-01, v1  }
0x7a: {  	vm0 =	vgt.f32 v1, $0.0e+00  }
0x7b: {  	v1 =	vsel vm0, v1, v2  }
0x7c: {  	v1 =	vmin.f32 v1, $5.000000000e+01  }
0x7d: {  	v1 =	vmul.f32 $1.442695020e+00, v1;
	_ =	sdelay $0x1  }
0x7e: {  	(erf) = vpow2.f32 v1;
	_ =	sdelay $0x8  }
0x7f: {  	v1 =	vpop (erf)  }
0x80: {  	s8 =	sadd.s32 s9, s8;
	[tilespmem:s19+$0x6700] =	vst v1;
	s19 =	simm.s32 $0x0  }
0x81: {  	[hbm4b:s8+s19] =	stream.linear.scatter [tilespmem:s30], [sflag:$0x1], $0x800, $0x38;
	[tilespmem:$0x7278] =	vst v63  }
0x82: {  	_ =	swait.ge [sflag:s23], $0x800  }
0x83: {  	[sflag:s23] =	ssyncset.done $0x0  }
0x84: {  	s18 =	simm.s32 $0x0;
	[sflag:s23] =	ssyncadd.s32 $0xFFFFF800  }
0x85: {  	v1 =	vld [tilespmem:s18+$0x4F00];
	_ =	sdelay $0x4  }
0x86: {  	[tilespmem:$0x6F00] =	vst v1  }
0x87: {  	v1 =	vld [tilespmem:s18+$0x4F10];
	_ =	sdelay $0x4  }
0x88: {  	[tilespmem:$0x6F10] =	vst v1  }
0x89: {  	v1 =	vld [tilespmem:s18+$0x4F20];
	_ =	sdelay $0x4  }
0x8a: {  	[tilespmem:$0x6F20] =	vst v1  }
0x8b: {  	v1 =	vld [tilespmem:s18+$0x4F30];
	_ =	sdelay $0x4  }
0x8c: {  	[tilespmem:$0x6F30] =	vst v1  }
0x8d: {  	v1 =	vld [tilespmem:s18+$0x4F40];
	_ =	sdelay $0x4  }
0x8e: {  	[tilespmem:$0x6F40] =	vst v1  }
0x8f: {  	v1 =	vld [tilespmem:s18+$0x4F50];
	_ =	sdelay $0x4  }
0x90: {  	[tilespmem:$0x6F50] =	vst v1  }
0x91: {  	v1 =	vld [tilespmem:s18+$0x4F60];
	_ =	sdelay $0x4  }
0x92: {  	[tilespmem:$0x6F60] =	vst v1  }
0x93: {  	v1 =	vld [tilespmem:s18+$0x4F70];
	_ =	sdelay $0x4  }
0x94: {  	s19 =	simm.s32 $0x6700;
	[tilespmem:$0x6F70] =	vst v1  }
0x95: {  	[spmem:s1] =	stream.indirect.scatter.add.f32 [tilespmem:s19], [sflag:$0x1], $0x1, s0, s31, $0xb8;
	[tilespmem:$0x7278] =	vst v63  }
0x96: {  	_ =	swait.ge [sflag:s23], $0x80  }
0x97: {  	s8 =	simm.s32 $0x200;
	s19 =	simm.s32 $0x400;
	[sflag:s23] =	ssyncset.done $0x0  }
.LBB2_5:
0x98: {  	s18 =	sshra.s32 s8, $0x2  }
0x99: {  	[sflag:s23] =	ssyncadd.s32 $0xFFFFFF80;
	s8 =	smov.u32 s19;
	s12 =	sadd.s32 $0x200, s19  }
0x9a: {  	p1 =	sne.s32 s19, $0x1E00;
	v1 =	vld [tilespmem:s18+$0x4F00];
	_ =	sdelay $0x4  }
0x9b: {  	[tilespmem:$0x6F00] =	vst v1  }
0x9c: {  	v1 =	vld [tilespmem:s18+$0x4F10];
	_ =	sdelay $0x4  }
0x9d: {  	[tilespmem:$0x6F10] =	vst v1  }
0x9e: {  	v1 =	vld [tilespmem:s18+$0x4F20];
	_ =	sdelay $0x4  }
0x9f: {  	[tilespmem:$0x6F20] =	vst v1  }
0xa0: {  	v1 =	vld [tilespmem:s18+$0x4F30];
	_ =	sdelay $0x4  }
0xa1: {  	[tilespmem:$0x6F30] =	vst v1  }
0xa2: {  	v1 =	vld [tilespmem:s18+$0x4F40];
	_ =	sdelay $0x4  }
0xa3: {  	[tilespmem:$0x6F40] =	vst v1  }
0xa4: {  	v1 =	vld [tilespmem:s18+$0x4F50];
	_ =	sdelay $0x4  }
0xa5: {  	[tilespmem:$0x6F50] =	vst v1  }
0xa6: {  	v1 =	vld [tilespmem:s18+$0x4F60];
	_ =	sdelay $0x4  }
0xa7: {  	[tilespmem:$0x6F60] =	vst v1  }
0xa8: {  	v1 =	vld [tilespmem:s18+$0x4F70];
	_ =	sdelay $0x3  }
.Ltmp1:
0xa9: {  	(pc) =	sbr.rel @p1 .LBB2_5-.Ltmp1, $4  }
0xaa: {  	s18 =	sadd.s32 $0x6700, s18;
	[tilespmem:$0x6F70] =	vst v1  }
0xab: {  	[spmem:s1] =	stream.indirect.scatter.add.f32 [tilespmem:s18], [sflag:$0x1], $0x1, s0, s31, $0xb8;
	[tilespmem:$0x7278] =	vst v63  }
0xac: {  	_ =	swait.ge [sflag:s23], $0x80  }
0xad: {  	s19 =	smov.u32 s12;
	[sflag:s23] =	ssyncset.done $0x0  }
0xae: {  	s8 =	sshra.s32 s8, $0x2;
	[sflag:s23] =	ssyncadd.s32 $0xFFFFFF80  }
0xaf: {  	v1 =	vld [tilespmem:s8+$0x4F00];
	_ =	sdelay $0x4  }
0xb0: {  	[tilespmem:$0x6F00] =	vst v1  }
0xb1: {  	v1 =	vld [tilespmem:s8+$0x4F10];
	_ =	sdelay $0x4  }
0xb2: {  	[tilespmem:$0x6F10] =	vst v1  }
0xb3: {  	v1 =	vld [tilespmem:s8+$0x4F20];
	_ =	sdelay $0x4  }
0xb4: {  	[tilespmem:$0x6F20] =	vst v1  }
0xb5: {  	v1 =	vld [tilespmem:s8+$0x4F30];
	_ =	sdelay $0x4  }
0xb6: {  	[tilespmem:$0x6F30] =	vst v1  }
0xb7: {  	v1 =	vld [tilespmem:s8+$0x4F40];
	_ =	sdelay $0x4  }
0xb8: {  	[tilespmem:$0x6F40] =	vst v1  }
0xb9: {  	v1 =	vld [tilespmem:s8+$0x4F50];
	_ =	sdelay $0x4  }
0xba: {  	[tilespmem:$0x6F50] =	vst v1  }
0xbb: {  	v1 =	vld [tilespmem:s8+$0x4F60];
	_ =	sdelay $0x4  }
0xbc: {  	[tilespmem:$0x6F60] =	vst v1  }
0xbd: {  	v1 =	vld [tilespmem:s8+$0x4F70];
	_ =	sdelay $0x2  }
0xbe: {  	s7 =	sadd.s32 $0x1, s7  }
0xbf: {  	p1 =	sne.s32 s7, s11  }
.Ltmp2:
0xc0: {  	s8 =	sadd.s32 $0x6700, s8;
	[tilespmem:$0x6F70] =	vst v1;
	(pc) =	sbr.rel @p1 .LBB2_2-.Ltmp2, $4  }
0xc1: {  	[spmem:s1] =	stream.indirect.scatter.add.f32 [tilespmem:s8], [sflag:$0x1], $0x1, s0, s31, $0xb8;
	[tilespmem:$0x7278] =	vst v63  }
0xc2: {  	_ =	swait.ge [sflag:s23], $0x80  }
0xc3: {  	[sflag:s23] =	ssyncset.done $0x0  }
0xc4: {  	[sflag:s23] =	ssyncadd.s32 $0xFFFFFF80  }
0xc5: {  	s7 =	stileid.u32  }
0xc6: {  	[bflag:$0x0] =	sbarrier.arrive $0xFFFF;
	s7 =	sshll.u32 s7, $0x6  }
0xc7: {  	s8 =	sshrl.u32 s13, $0x3;
	s12 =	rddreg [dreg:$0x6];
	s7 =	sor.u32 $0x1C01, s7  }
0xc8: {  	[hbm:s12], [sflag:s7] =	dma.local [spmem:s8], $0x10  }
0xc9: {  	_ =	swait.ge [sflag:s23], $0x10  }
0xca: {  	[sflag:s23] =	ssyncset.done $0x0  }
0xcb: {  	s18 =	sshrl.u32 s14, $0x3;
	s19 =	rddreg [dreg:$0x7];
	[sflag:s23] =	ssyncadd.s32 $0xFFFFFFF0  }
0xcc: {  	[hbm:s19], [sflag:s7] =	dma.local [spmem:s18], $0x10  }
0xcd: {  	_ =	swait.ge [sflag:s23], $0x10  }
0xce: {  	[sflag:s23] =	ssyncset.done $0x0  }
0xcf: {  	s12 =	sshrl.u32 s15, $0x3;
	[sflag:s23] =	ssyncadd.s32 $0xFFFFFFF0  }
0xd0: {  	[hbm:s20], [sflag:s7] =	dma.local [spmem:s12], $0x10  }
0xd1: {  	_ =	swait.ge [sflag:s23], $0x10  }
0xd2: {  	[sflag:s23] =	ssyncset.done $0x0  }
0xd3: {  	s18 =	sshrl.u32 s16, $0x3;
	[sflag:s23] =	ssyncadd.s32 $0xFFFFFFF0  }
0xd4: {  	[hbm:s21], [sflag:s7] =	dma.local [spmem:s18], $0x10  }
0xd5: {  	_ =	swait.ge [sflag:s23], $0x10  }
0xd6: {  	[sflag:s23] =	ssyncset.done $0x0  }
0xd7: {  	s8 =	sshrl.u32 @!p0 s17, $0x3;
	[sflag:s23] =	ssyncadd.s32 $0xFFFFFFF0  }
0xd8: {  	[hbm:s22], [sflag:s7] =	dma.local @!p0 [spmem:s8], $0x10  }
0xd9: {  	s7 =	simm.s32 @!p0 $0x1  }
0xda: {  	_ =	swait.ge @!p0 [sflag:s7], $0x10  }
0xdb: {  	s6 =	sadd.s32 $0x1, s6;
	s19 =	rddreg [dreg:$0x5]  }
0xdc: {  	p1 =	sne.s32 s6, s19  }
.Ltmp3:
0xdd: {  	_ = 	snop;
	(pc) =	sbr.rel @p1 .LBB2_1-.Ltmp3, $3  }
0xde: {  	_ =	sdelay $0x1  }
0xdf: {  	[sflag:s7] =	ssyncset.done @!p0 $0x0  }
0xe0: {  	[sflag:s7] =	ssyncadd.s32 @!p0 $0xFFFFFFF0  }
0xe1: {  	_ =	sfence.sel $0x180000  }
0xe2: {  	[bflag:$0x0] =	sbarrier.arrive $0xFFFF  }
0xe3: {  	_ =	strace $0x90000047  }
0xe4: {  	s0 =	stileid.u32;
	[bflag:$0x2] =	sbarrier.arrive $0xFFFF  }
0xe5: {  	p0 =	sne.s32 s0, $0x0;
	s0 =	rddreg [dreg:$0x2]  }
0xe6: {  	s0 =	sadd.s32 @!p0 $0x100000, s0  }
0xe7: {  	[sflag:s0] =	ssyncadd.tile.s32 @!p0 $0x1;
	_ =	shalt  }
.Lfunc_end2:
_tile_overlayer_lowered:
.L_overlay_start_2:
0xe8: {  	(tag) =	ssettag $0x2  }
0xe9: {  	s0 =	rddreg [dreg:$0x0];
	s2 =	stileid.u32  }
0xea: {  	s1 =	rddreg [dreg:$0x1];
	p0 =	sne.s32 s2, $0x0  }
0xeb: {  	s3 =	rddreg [dreg:$0x2];
	[bflag:$0x3] =	sbarrier.arrive $0xFFFF;
	s2 =	simm.s32 @!p0 $0x1C01  }
0xec: {  	[timem:s3], [sflag:s2] =	dma.local @!p0 [hbm:s0], s1  }
0xed: {  	s0 =	simm.s32 @!p0 $0x1  }
0xee: {  	_ =	swait.ge @!p0 [sflag:s0], s1  }
0xef: {  	s1 =	ssub.s32 @!p0 $0x0, s1;
	[sflag:s0] =	ssyncset.done @!p0 $0x0  }
0xf0: {  	[sflag:s0] =	ssyncadd.s32 @!p0 s1  }
0xf1: {  	[bflag:$0x3] =	sbarrier.arrive $0xFFFF  }
0xf2: {  	_ =	shalt  }

</sc_bundles>
